<compile_context>
chip_gen: v7x
topology: tpu7x:2x2x1
jax: 0.10.2.dev20260603
libtpu: 0.0.44.dev20260713+nightly
codegen_flags: <defaults>
</compile_context>

<pallas_src>
import jax
import jax.numpy as jnp
from jax import lax
from jax.experimental import pallas as pl
from jax.experimental.pallas import tpu as pltpu
from jax.experimental.pallas import tpu_sc as plsc

_N = 10000
_E = 320000
_D = 128
_H = 8
_DH = 16
_DFF = 512

_NPAD = 10240
_NW = 32
_EPW = _E // _NW
_C = 40
_NCH = _EPW // _C
_CS = 48
_RPT = _NPAD // 16
_DR = _NPAD // 16
_DRPT = _DR // 16


def _proj_body(feat_ref, wq_ref, bq_ref, wk_ref, bk_ref, wv_ref, bv_ref,
               dst_ref, q_ref, k_ref, v_ref, d16_ref, a0_ref, r8_ref):
    x = feat_ref[...]
    dv = dst_ref[...]
    d16_ref[...] = lax.shift_right_logical(dv, 4)
    a0_ref[...] = lax.shift_left(lax.shift_right_logical(dv & 15, 1), 4)
    r8_ref[...] = lax.shift_left(dv & 1, 3)
    scale = jnp.float32(1.0) / jnp.sqrt(jnp.float32(_D))
    q_ref[...] = (jnp.dot(x, wq_ref[...], preferred_element_type=jnp.float32)
                  + bq_ref[...]) * scale
    k_ref[...] = (jnp.dot(x, wk_ref[...], preferred_element_type=jnp.float32)
                  + bk_ref[...])
    v_ref[...] = (jnp.dot(x, wv_ref[...], preferred_element_type=jnp.float32)
                  + bv_ref[...])


def _proj(feat, Wq, bq, Wk, bk, Wv, bv, dst3):
    grid = (_N // 1000,)
    row_spec = pl.BlockSpec((1000, _D), lambda i: (i, 0))
    w_spec = pl.BlockSpec((_D, _D), lambda i: (0, 0))
    b_spec = pl.BlockSpec((1, _D), lambda i: (0, 0))
    e_spec = pl.BlockSpec((1, 1, _E // 10), lambda i: (i, 0, 0))
    return pl.pallas_call(
        _proj_body,
        grid=grid,
        in_specs=[row_spec, w_spec, b_spec, w_spec, b_spec, w_spec, b_spec,
                  e_spec],
        out_specs=[row_spec, row_spec, row_spec, e_spec, e_spec, e_spec],
        out_shape=[jax.ShapeDtypeStruct((_N, _D), jnp.float32)] * 3
        + [jax.ShapeDtypeStruct((10, 1, _E // 10), jnp.int32)] * 3,
    )(feat, Wq, bq, Wk, bk, Wv, bv, dst3)


def _edge_body(q_hbm, k_hbm, v_hbm, src_hbm, dst_hbm, d16_hbm, a0_hbm,
               r8_hbm, out_v_hbm, out_d_hbm,
               src_v, dst_v, d16_v, a0_v, r8_v, kb, qb, vb, pb, ee_t, wvb, db,
               acc_v, acc_d, sem, sem2, sem3):
    c = lax.axis_index("c")
    s = lax.axis_index("s")
    wid = c * 16 + s
    zvec = jnp.zeros((16,), jnp.float32)
    iota16 = lax.broadcasted_iota(jnp.int32, (16,), 0)

    def _zrow(i, carry):
        for j in range(_D // 16):
            wvb[i, pl.ds(j * 16, 16)] = zvec
        return carry
    lax.fori_loop(0, _C, _zrow, 0)

    for j in range(_CS // 16):
        ee_t[pl.ds(_H * _CS + j * 16, 16)] = zvec

    base_r = s * _RPT
    for t in range(_RPT // _C):
        pltpu.sync_copy(wvb, acc_v.at[pl.ds(base_r + t * _C, _C)])
    pltpu.sync_copy(wvb, acc_d.at[pl.ds(s * _DRPT, _DRPT)])
    plsc.subcore_barrier()

    ew_base = wid * _EPW

    def _chunk(ci, carry):
        base = ew_base + ci * _C
        pltpu.sync_copy(src_hbm.at[pl.ds(base, _C)], src_v)
        pltpu.sync_copy(dst_hbm.at[pl.ds(base, _C)], dst_v)
        pltpu.sync_copy(d16_hbm.at[pl.ds(base, _C)], d16_v)
        pltpu.sync_copy(a0_hbm.at[pl.ds(base, _C)], a0_v)
        pltpu.sync_copy(r8_hbm.at[pl.ds(base, _C)], r8_v)
        cp1 = pltpu.async_copy(k_hbm.at[src_v], kb, sem)
        cp2 = pltpu.async_copy(q_hbm.at[dst_v], qb, sem2)
        cp3 = pltpu.async_copy(v_hbm.at[src_v], vb, sem3)
        cp1.wait()
        cp2.wait()
        cp3.wait()

        cp1 = pltpu.async_copy(k_hbm.at[src_v], kb, sem)
        cp2 = pltpu.async_copy(q_hbm.at[dst_v], qb, sem2)
        cp3 = pltpu.async_copy(v_hbm.at[src_v], vb, sem3)
        cp1.wait()
        cp2.wait()
        cp3.wait()

        def _didx(g, carry):
            dv = dst_v[pl.ds(g * 16, 16)]
            a0_v[pl.ds(g * 16, 16)] = lax.shift_left(
                lax.shift_right_logical(dv & 15, 1), 4)
            r8_v[pl.ds(g * 16, 16)] = lax.shift_left(dv & 1, 3)
            return carry
        lax.fori_loop(0, _C // 16, _didx, 0)


        def _prod(e, carry):
            for h in range(_H):
                prod = kb[e, pl.ds(h * 16, 16)] * qb[e, pl.ds(h * 16, 16)]
                idx = (h * 16 + iota16) * _CS + e
                plsc.store_scatter(pb, [idx], prod)
            return carry
        lax.fori_loop(0, _C, _prod, 0)

        def _dot(t, carry):
            g = t // _H
            h = t % _H
            acc = jnp.zeros((16,), jnp.float32)
            for d in range(16):
                acc = acc + pb[pl.ds((h * 16 + d) * _CS + g * 16, 16)]
            ee = jnp.exp(acc)
            ee_t[pl.ds(h * _CS + g * 16, 16)] = ee
            return carry
        lax.fori_loop(0, (_CS // 16) * _H, _dot, 0)

        def _medge(e, carry):
            a0 = plsc.load_gather(a0_v, [jnp.zeros((16,), jnp.int32) + e])
            r8 = plsc.load_gather(r8_v, [jnp.zeros((16,), jnp.int32) + e])
            valid = (iota16 >= r8) & (iota16 < r8 + 8)
            hidx = jnp.where(valid, iota16 - r8, _H)
            w = plsc.load_gather(ee_t, [hidx * _CS + e])
            for j in range(_D // 16):
                db[e, pl.ds(j * 16, 16)] = jnp.where(a0 == j * 16, w, zvec)
            for h in range(_H):
                eev = plsc.load_gather(
                    ee_t, [jnp.full((16,), h * _CS, jnp.int32) + e])
                wvb[e, pl.ds(h * 16, 16)] = vb[e, pl.ds(h * 16, 16)] * eev
            return carry
        lax.fori_loop(0, _C, _medge, 0)

        pltpu.sync_copy(wvb, acc_v.at[dst_v], add=True)
        pltpu.sync_copy(db, acc_d.at[d16_v], add=True)
        return carry
    lax.fori_loop(0, _NCH, _chunk, 0)

    plsc.subcore_barrier()
    for t in range(_RPT // _C):
        r0 = base_r + t * _C
        pltpu.sync_copy(acc_v.at[pl.ds(r0, _C)], wvb)
        pltpu.sync_copy(wvb, out_v_hbm.at[c, pl.ds(r0, _C)])
    d0 = s * _DRPT
    pltpu.sync_copy(acc_d.at[pl.ds(d0, _DRPT)], wvb)
    pltpu.sync_copy(wvb, out_d_hbm.at[c, pl.ds(d0, _DRPT)])


def _edge(q, k, v, src, dst, d16, a0, r8):
    mesh = plsc.VectorSubcoreMesh(core_axis_name="c", subcore_axis_name="s")
    fn = pl.kernel(
        _edge_body,
        out_type=[
            jax.ShapeDtypeStruct((2, _NPAD, _D), jnp.float32),
            jax.ShapeDtypeStruct((2, _DR, _D), jnp.float32),
        ],
        mesh=mesh,
        compiler_params=pltpu.CompilerParams(needs_layout_passes=False),
        scratch_types=[
            pltpu.VMEM((_C,), jnp.int32),
            pltpu.VMEM((_C,), jnp.int32),
            pltpu.VMEM((_C,), jnp.int32),
            pltpu.VMEM((_C,), jnp.int32),
            pltpu.VMEM((_C,), jnp.int32),
            pltpu.VMEM((_C, _D), jnp.float32),
            pltpu.VMEM((_C, _D), jnp.float32),
            pltpu.VMEM((_C, _D), jnp.float32),
            pltpu.VMEM((_CS * _D,), jnp.float32),
            pltpu.VMEM(((_H + 1) * _CS,), jnp.float32),
            pltpu.VMEM((_C, _D), jnp.float32),
            pltpu.VMEM((_C, _D), jnp.float32),
            pltpu.VMEM_SHARED((_NPAD, _D), jnp.float32),
            pltpu.VMEM_SHARED((_DR, _D), jnp.float32),
            pltpu.SemaphoreType.DMA,
            pltpu.SemaphoreType.DMA,
            pltpu.SemaphoreType.DMA,
        ],
    )
    return fn(q, k, v, src, dst, d16, a0, r8)


def _ln(x, g, b):
    mu = jnp.mean(x, axis=1, keepdims=True)
    var = jnp.mean((x - mu) * (x - mu), axis=1, keepdims=True)
    return (x - mu) * lax.rsqrt(var + 1e-5) * g + b


def _comb_body(pv_ref, pd_ref, feat_ref, lng_ref, lnb_ref, w1_ref, b1_ref,
               al_ref, w2_ref, b2_ref, o_ref):
    pv = pv_ref[...]
    sacc = pv[0] + pv[1]
    pd = pd_ref[...]
    den = pd[0] + pd[1]
    den = jnp.where(den == 0.0, jnp.float32(1.0), den)
    hh = lax.broadcasted_iota(jnp.int32, (_H, _D), 0)
    jj = lax.broadcasted_iota(jnp.int32, (_H, _D), 1)
    expand = (jj // _DH == hh).astype(jnp.float32)
    den16 = jnp.dot(den, expand, preferred_element_type=jnp.float32)
    rst = sacc / den16 + feat_ref[...]
    g = lng_ref[...]
    b = lnb_ref[...]
    rst = _ln(rst, g, b)
    h1 = jnp.dot(rst, w1_ref[...], preferred_element_type=jnp.float32) + b1_ref[...]
    h1 = jnp.where(h1 >= 0, h1, al_ref[...] * h1)
    ffn = jnp.dot(h1, w2_ref[...], preferred_element_type=jnp.float32) + b2_ref[...]
    o_ref[...] = _ln(rst + ffn, g, b)


def _combine(pv, pd, feat, ln_g, ln_b, W1, bf1, alpha, W2, bf2):
    grid = (_N // 1000,)
    return pl.pallas_call(
        _comb_body,
        grid=grid,
        in_specs=[
            pl.BlockSpec((2, 1000, _D), lambda i: (0, i, 0)),
            pl.BlockSpec((2, 1000, _H), lambda i: (0, i, 0)),
            pl.BlockSpec((1000, _D), lambda i: (i, 0)),
            pl.BlockSpec((1, _D), lambda i: (0, 0)),
            pl.BlockSpec((1, _D), lambda i: (0, 0)),
            pl.BlockSpec((_D, _DFF), lambda i: (0, 0)),
            pl.BlockSpec((1, _DFF), lambda i: (0, 0)),
            pl.BlockSpec((1, _DFF), lambda i: (0, 0)),
            pl.BlockSpec((_DFF, _D), lambda i: (0, 0)),
            pl.BlockSpec((1, _D), lambda i: (0, 0)),
        ],
        out_specs=pl.BlockSpec((1000, _D), lambda i: (i, 0)),
        out_shape=jax.ShapeDtypeStruct((_N, _D), jnp.float32),
    )(pv, pd, feat, ln_g, ln_b, W1, bf1, alpha, W2, bf2)


def kernel(feat, edge_index, Wq, bq, Wk, bk, Wv, bv, ln_g, ln_b, W1, bf1,
           alpha, W2, bf2):
    ei = edge_index.astype(jnp.int32)
    dst3 = ei[1].reshape(10, 1, _E // 10)
    q, k, v, d16_3d, a0_3d, r8_3d = _proj(
        feat, Wq, bq.reshape(1, _D), Wk, bk.reshape(1, _D),
        Wv, bv.reshape(1, _D), dst3)
    src = ei[0]
    dst = ei[1]
    pv, pd_raw = _edge(q, k, v, src, dst, d16_3d.reshape(_E),
                       a0_3d.reshape(_E), r8_3d.reshape(_E))
    pd = pd_raw.reshape(2, _NPAD, _H)
    return _combine(pv, pd, feat, ln_g.reshape(1, _D), ln_b.reshape(1, _D),
                    W1, bf1.reshape(1, _DFF), alpha.reshape(1, _DFF),
                    W2, bf2.reshape(1, _D))

# --- scband reference (transcript-rebuilt; emitter-appended) ---
"""Pipeline reference for scband-gat-31988916421098 (READ-ONLY COPY).

The authoritative reference and input builder live on the scoring server;
editing this copy changes nothing except your own understanding.
"""

import jax, jax.numpy as jnp
import numpy as np

N = 10000
E = 320000
D = 128
H = 8
DH = D // H
DFF = 4 * D


def _layernorm(x, g, b):
    mu = jnp.mean(x, axis=-1, keepdims=True)
    var = jnp.var(x, axis=-1, keepdims=True)
    return (x - mu) / jnp.sqrt(var + 1e-5) * g + b


def _prelu(x, alpha):
    return jnp.where(x >= 0, x, alpha * x)


def setup_inputs(seed: int = 0) -> dict:
    key = jax.random.key(seed)
    ks = jax.random.split(key, 12)
    feat = jax.random.normal(ks[0], (N, D), dtype=jnp.float32)
    edge_index = jax.random.randint(ks[1], (2, E), 0, N)
    Wq = jax.random.normal(ks[2], (D, D), dtype=jnp.float32) * 0.05
    bq = jnp.zeros((D,), dtype=jnp.float32)
    Wk = jax.random.normal(ks[3], (D, D), dtype=jnp.float32) * 0.05
    bk = jnp.zeros((D,), dtype=jnp.float32)
    Wv = jax.random.normal(ks[4], (D, D), dtype=jnp.float32) * 0.05
    bv = jnp.zeros((D,), dtype=jnp.float32)
    ln_g = jnp.ones((D,), dtype=jnp.float32)
    ln_b = jnp.zeros((D,), dtype=jnp.float32)
    W1 = jax.random.normal(ks[5], (D, DFF), dtype=jnp.float32) * 0.05
    bf1 = jnp.zeros((DFF,), dtype=jnp.float32)
    alpha = jnp.full((DFF,), 0.25, dtype=jnp.float32)
    W2 = jax.random.normal(ks[6], (DFF, D), dtype=jnp.float32) * 0.05
    bf2 = jnp.zeros((D,), dtype=jnp.float32)
    return {"feat": feat, "edge_index": edge_index, "Wq": Wq, "bq": bq, "Wk": Wk, "bk": bk, "Wv": Wv, "bv": bv, "ln_g": ln_g, "ln_b": ln_b, "W1": W1, "bf1": bf1, "alpha": alpha, "W2": W2, "bf2": bf2}


def reference(feat, edge_index, Wq, bq, Wk, bk, Wv, bv, ln_g, ln_b, W1, bf1, alpha, W2, bf2):
    # feat_c = feat.clone().detach() in the torch module
    feat_c = jax.lax.stop_gradient(feat)
    q = (feat @ Wq + bq).reshape(N, H, DH)
    k = (feat_c @ Wk + bk).reshape(N, H, DH)
    v = (feat_c @ Wv + bv).reshape(N, H, DH)
    src = edge_index[0]
    dst = edge_index[1]
    # u_dot_v('el','er'): el=k at src node u, er=q at dst node v
    e = jnp.sum(k[src] * q[dst], axis=-1) / jnp.sqrt(jnp.float32(D))  # [E, H]
    # edge_softmax: softmax over incoming edges per destination node
    emax = jax.ops.segment_max(e, dst, num_segments=N)
    ee = jnp.exp(e - emax[dst])
    denom = jax.ops.segment_sum(ee, dst, num_segments=N)
    a = ee / denom[dst]  # [E, H]
    # u_mul_e + sum aggregation
    m = v[src] * a[:, :, None]  # [E, H, DH]
    ft2 = jax.ops.segment_sum(m, dst, num_segments=N)  # [N, H, DH]
    rst = ft2.reshape(N, D) + feat
    rst = _layernorm(rst, ln_g, ln_b)
    h = _prelu(rst @ W1 + bf1, alpha)
    ffn = h @ W2 + bf2
    # NOTE: original module applies ln1 twice (ln2 is unused); kept faithful
    rst = _layernorm(rst + ffn, ln_g, ln_b)
    return rst

if __name__ == "__main__":
    import jax
    _d = setup_inputs()
    print(jax.jit(kernel)(*tuple(_d.values())))

</pallas_src>

<mosaic_0001>
#map = affine_map<(d0, d1) -> (0, 0)>
#map1 = affine_map<(d0, d1) -> (0)>
#map2 = affine_map<(d0, d1) -> (0, 0, 0)>
module attributes {stable_mosaic.version = 14 : i64} {
  func.func @_edge_body(%arg0: i32, %arg1: i32, %arg2: memref<10000x128xf32, #tpu.memory_space<hbm>>, %arg3: memref<10000x128xf32, #tpu.memory_space<hbm>>, %arg4: memref<10000x128xf32, #tpu.memory_space<hbm>>, %arg5: memref<320000xi32, #tpu.memory_space<hbm>>, %arg6: memref<320000xi32, #tpu.memory_space<hbm>>, %arg7: memref<320000xi32, #tpu.memory_space<hbm>>, %arg8: memref<320000xi32, #tpu.memory_space<hbm>>, %arg9: memref<320000xi32, #tpu.memory_space<hbm>>, %arg10: memref<2x10240x128xf32, #tpu.memory_space<hbm>>, %arg11: memref<2x640x128xf32, #tpu.memory_space<hbm>>, %arg12: memref<40xi32, #tpu.memory_space<vmem>>, %arg13: memref<40xi32, #tpu.memory_space<vmem>>, %arg14: memref<40xi32, #tpu.memory_space<vmem>>, %arg15: memref<40xi32, #tpu.memory_space<vmem>>, %arg16: memref<40xi32, #tpu.memory_space<vmem>>, %arg17: memref<40x128xf32, #tpu.memory_space<vmem>>, %arg18: memref<40x128xf32, #tpu.memory_space<vmem>>, %arg19: memref<40x128xf32, #tpu.memory_space<vmem>>, %arg20: memref<6144xf32, #tpu.memory_space<vmem>>, %arg21: memref<432xf32, #tpu.memory_space<vmem>>, %arg22: memref<40x128xf32, #tpu.memory_space<vmem>>, %arg23: memref<40x128xf32, #tpu.memory_space<vmem>>, %arg24: memref<10240x128xf32, #tpu.memory_space<vmem_shared>>, %arg25: memref<640x128xf32, #tpu.memory_space<vmem_shared>>, %arg26: memref<!tpu.dma_semaphore, #tpu.memory_space<semaphore_mem>>, %arg27: memref<!tpu.dma_semaphore, #tpu.memory_space<semaphore_mem>>, %arg28: memref<!tpu.dma_semaphore, #tpu.memory_space<semaphore_mem>>) attributes {dimension_semantics = [#tpu.dimension_semantics<core_parallel>, #tpu.dimension_semantics<subcore_parallel>], iteration_bounds = array<i64: 2, 16>, scalar_prefetch = 0 : i64, scratch_operands = 17 : i64, tpu.core_type = #tpu.core_type<sc_vector_subcore>, window_params = [{transform_indices = #map}, {transform_indices = #map}, {transform_indices = #map}, {transform_indices = #map1}, {transform_indices = #map1}, {transform_indices = #map1}, {transform_indices = #map1}, {transform_indices = #map1}, {transform_indices = #map2}, {transform_indices = #map2}]} {
    %mul3A = arith.constant 16 : i32
    %mul3A_0 = arith.muli %arg0, %mul3A : i32
    %add3A = arith.addi %mul3A_0, %arg1 : i32
    %broadcast_in_dim3A = arith.constant 0.000000e+00 : f32
    %broadcast_in_dim3A_1 = vector.broadcast %broadcast_in_dim3A : f32 to vector<16xf32>
    %iota3A = tpu.iota {dimensions = array<i32: 0>} : vector<16xi32>
    %scan3A = arith.constant 0 : i32
    %scan3A_2 = arith.constant 0 : i32
    %scan3A_3 = arith.constant 40 : i32
    %scan3A_4 = arith.addi %scan3A_2, %scan3A_3 : i32
    %scan3A_5 = arith.constant 1 : i32
    scf.for %scan3A_91 = %scan3A_2 to %scan3A_4 step %scan3A_5  : i32 {
      %swap3A_92 = arith.index_cast %scan3A_91 : i32 to index
      %swap3A_93 = arith.constant 0 : index
      %swap3A_94 = tpu.vector_load %arg22[%swap3A_92, %swap3A_93] {strides = array<i32>} : memref<40x128xf32, #tpu.memory_space<vmem>>, vector<16xf32>,
      tpu.vector_store %arg22[%swap3A_92, %swap3A_93], %broadcast_in_dim3A_1 {strides = array<i32>} : memref<40x128xf32, #tpu.memory_space<vmem>>, vector<16xf32>,
      %swap3A_95 = arith.index_cast %scan3A_91 : i32 to index
      %swap3A_96 = arith.constant 16 : index
      %swap3A_97 = tpu.vector_load %arg22[%swap3A_95, %swap3A_96] {strides = array<i32>} : memref<40x128xf32, #tpu.memory_space<vmem>>, vector<16xf32>,
      tpu.vector_store %arg22[%swap3A_95, %swap3A_96], %broadcast_in_dim3A_1 {strides = array<i32>} : memref<40x128xf32, #tpu.memory_space<vmem>>, vector<16xf32>,
      %swap3A_98 = arith.index_cast %scan3A_91 : i32 to index
      %swap3A_99 = arith.constant 32 : index
      %swap3A_100 = tpu.vector_load %arg22[%swap3A_98, %swap3A_99] {strides = array<i32>} : memref<40x128xf32, #tpu.memory_space<vmem>>, vector<16xf32>,
      tpu.vector_store %arg22[%swap3A_98, %swap3A_99], %broadcast_in_dim3A_1 {strides = array<i32>} : memref<40x128xf32, #tpu.memory_space<vmem>>, vector<16xf32>,
      %swap3A_101 = arith.index_cast %scan3A_91 : i32 to index
      %swap3A_102 = arith.constant 48 : index
      %swap3A_103 = tpu.vector_load %arg22[%swap3A_101, %swap3A_102] {strides = array<i32>} : memref<40x128xf32, #tpu.memory_space<vmem>>, vector<16xf32>,
      tpu.vector_store %arg22[%swap3A_101, %swap3A_102], %broadcast_in_dim3A_1 {strides = array<i32>} : memref<40x128xf32, #tpu.memory_space<vmem>>, vector<16xf32>,
      %swap3A_104 = arith.index_cast %scan3A_91 : i32 to index
      %swap3A_105 = arith.constant 64 : index
      %swap3A_106 = tpu.vector_load %arg22[%swap3A_104, %swap3A_105] {strides = array<i32>} : memref<40x128xf32, #tpu.memory_space<vmem>>, vector<16xf32>,
      tpu.vector_store %arg22[%swap3A_104, %swap3A_105], %broadcast_in_dim3A_1 {strides = array<i32>} : memref<40x128xf32, #tpu.memory_space<vmem>>, vector<16xf32>,
      %swap3A_107 = arith.index_cast %scan3A_91 : i32 to index
      %swap3A_108 = arith.constant 80 : index
      %swap3A_109 = tpu.vector_load %arg22[%swap3A_107, %swap3A_108] {strides = array<i32>} : memref<40x128xf32, #tpu.memory_space<vmem>>, vector<16xf32>,
      tpu.vector_store %arg22[%swap3A_107, %swap3A_108], %broadcast_in_dim3A_1 {strides = array<i32>} : memref<40x128xf32, #tpu.memory_space<vmem>>, vector<16xf32>,
      %swap3A_110 = arith.index_cast %scan3A_91 : i32 to index
      %swap3A_111 = arith.constant 96 : index
      %swap3A_112 = tpu.vector_load %arg22[%swap3A_110, %swap3A_111] {strides = array<i32>} : memref<40x128xf32, #tpu.memory_space<vmem>>, vector<16xf32>,
      tpu.vector_store %arg22[%swap3A_110, %swap3A_111], %broadcast_in_dim3A_1 {strides = array<i32>} : memref<40x128xf32, #tpu.memory_space<vmem>>, vector<16xf32>,
      %swap3A_113 = arith.index_cast %scan3A_91 : i32 to index
      %swap3A_114 = arith.constant 112 : index
      %swap3A_115 = tpu.vector_load %arg22[%swap3A_113, %swap3A_114] {strides = array<i32>} : memref<40x128xf32, #tpu.memory_space<vmem>>, vector<16xf32>,
      tpu.vector_store %arg22[%swap3A_113, %swap3A_114], %broadcast_in_dim3A_1 {strides = array<i32>} : memref<40x128xf32, #tpu.memory_space<vmem>>, vector<16xf32>,
    }
    %scan3A_6 = arith.constant 40 : i32
    %swap3A = arith.constant 384 : index
    %swap3A_7 = tpu.vector_load %arg21[%swap3A] {strides = array<i32>} : memref<432xf32, #tpu.memory_space<vmem>>, vector<16xf32>,
    tpu.vector_store %arg21[%swap3A], %broadcast_in_dim3A_1 {strides = array<i32>} : memref<432xf32, #tpu.memory_space<vmem>>, vector<16xf32>,
    %swap3A_8 = arith.constant 400 : index
    %swap3A_9 = tpu.vector_load %arg21[%swap3A_8] {strides = array<i32>} : memref<432xf32, #tpu.memory_space<vmem>>, vector<16xf32>,
    tpu.vector_store %arg21[%swap3A_8], %broadcast_in_dim3A_1 {strides = array<i32>} : memref<432xf32, #tpu.memory_space<vmem>>, vector<16xf32>,
    %swap3A_10 = arith.constant 416 : index
    %swap3A_11 = tpu.vector_load %arg21[%swap3A_10] {strides = array<i32>} : memref<432xf32, #tpu.memory_space<vmem>>, vector<16xf32>,
    tpu.vector_store %arg21[%swap3A_10], %broadcast_in_dim3A_1 {strides = array<i32>} : memref<432xf32, #tpu.memory_space<vmem>>, vector<16xf32>,
    %mul3A_12 = arith.constant 640 : i32
    %mul3A_13 = arith.muli %arg1, %mul3A_12 : i32
    %add3A_14 = arith.constant 0 : i32
    %add3A_15 = arith.addi %mul3A_13, %add3A_14 : i32
    "tpu.region"() ({
      %run_scoped3A = tpu.sem_alloc : memref<!tpu.dma_semaphore, #tpu.memory_space<semaphore_mem>>
      %dma_start3A = arith.constant 0 : i32
      %dma_start3A_91 = tpu.memref_slice %arg24[%add3A_15, %dma_start3A] : memref<10240x128xf32, #tpu.memory_space<vmem_shared>> -> memref<40x128xf32, #tpu.memory_space<vmem_shared>>
      %dma_start3A_92 = arith.constant 0 : i32
      %dma_start3A_93 = tpu.memref_slice %arg24[%add3A_15, %dma_start3A_92] : memref<10240x128xf32, #tpu.memory_space<vmem_shared>> -> memref<40x128xf32, #tpu.memory_space<vmem_shared>>
      tpu.enqueue_dma source(%arg22 : memref<40x128xf32, #tpu.memory_space<vmem>>) target(%dma_start3A_93 : memref<40x128xf32, #tpu.memory_space<vmem_shared>>) target_semaphore(%run_scoped3A : memref<!tpu.dma_semaphore, #tpu.memory_space<semaphore_mem>>)
      %dma_wait3A = arith.constant 0 : i32
      %dma_wait3A_94 = tpu.memref_slice %arg24[%add3A_15, %dma_wait3A] : memref<10240x128xf32, #tpu.memory_space<vmem_shared>> -> memref<40x128xf32, #tpu.memory_space<vmem_shared>>
      %dma_wait3A_95 = arith.constant 0 : i32
      %dma_wait3A_96 = tpu.memref_slice %arg24[%add3A_15, %dma_wait3A_95] : memref<10240x128xf32, #tpu.memory_space<vmem_shared>> -> memref<40x128xf32, #tpu.memory_space<vmem_shared>>
      tpu.wait_dma2 semaphore(%run_scoped3A : memref<!tpu.dma_semaphore, #tpu.memory_space<semaphore_mem>>) src(%arg22 : memref<40x128xf32, #tpu.memory_space<vmem>>) dst(%dma_wait3A_96 : memref<40x128xf32, #tpu.memory_space<vmem_shared>>)
      tpu.yield
    }) : () -> ()
    %add3A_16 = arith.constant 40 : i32
    %add3A_17 = arith.addi %mul3A_13, %add3A_16 : i32
    "tpu.region"() ({
      %run_scoped3A = tpu.sem_alloc : memref<!tpu.dma_semaphore, #tpu.memory_space<semaphore_mem>>
      %dma_start3A = arith.constant 0 : i32
      %dma_start3A_91 = tpu.memref_slice %arg24[%add3A_17, %dma_start3A] : memref<10240x128xf32, #tpu.memory_space<vmem_shared>> -> memref<40x128xf32, #tpu.memory_space<vmem_shared>>
      %dma_start3A_92 = arith.constant 0 : i32
      %dma_start3A_93 = tpu.memref_slice %arg24[%add3A_17, %dma_start3A_92] : memref<10240x128xf32, #tpu.memory_space<vmem_shared>> -> memref<40x128xf32, #tpu.memory_space<vmem_shared>>
      tpu.enqueue_dma source(%arg22 : memref<40x128xf32, #tpu.memory_space<vmem>>) target(%dma_start3A_93 : memref<40x128xf32, #tpu.memory_space<vmem_shared>>) target_semaphore(%run_scoped3A : memref<!tpu.dma_semaphore, #tpu.memory_space<semaphore_mem>>)
      %dma_wait3A = arith.constant 0 : i32
      %dma_wait3A_94 = tpu.memref_slice %arg24[%add3A_17, %dma_wait3A] : memref<10240x128xf32, #tpu.memory_space<vmem_shared>> -> memref<40x128xf32, #tpu.memory_space<vmem_shared>>
      %dma_wait3A_95 = arith.constant 0 : i32
      %dma_wait3A_96 = tpu.memref_slice %arg24[%add3A_17, %dma_wait3A_95] : memref<10240x128xf32, #tpu.memory_space<vmem_shared>> -> memref<40x128xf32, #tpu.memory_space<vmem_shared>>
      tpu.wait_dma2 semaphore(%run_scoped3A : memref<!tpu.dma_semaphore, #tpu.memory_space<semaphore_mem>>) src(%arg22 : memref<40x128xf32, #tpu.memory_space<vmem>>) dst(%dma_wait3A_96 : memref<40x128xf32, #tpu.memory_space<vmem_shared>>)
      tpu.yield
    }) : () -> ()
    %add3A_18 = arith.constant 80 : i32
    %add3A_19 = arith.addi %mul3A_13, %add3A_18 : i32
    "tpu.region"() ({
      %run_scoped3A = tpu.sem_alloc : memref<!tpu.dma_semaphore, #tpu.memory_space<semaphore_mem>>
      %dma_start3A = arith.constant 0 : i32
      %dma_start3A_91 = tpu.memref_slice %arg24[%add3A_19, %dma_start3A] : memref<10240x128xf32, #tpu.memory_space<vmem_shared>> -> memref<40x128xf32, #tpu.memory_space<vmem_shared>>
      %dma_start3A_92 = arith.constant 0 : i32
      %dma_start3A_93 = tpu.memref_slice %arg24[%add3A_19, %dma_start3A_92] : memref<10240x128xf32, #tpu.memory_space<vmem_shared>> -> memref<40x128xf32, #tpu.memory_space<vmem_shared>>
      tpu.enqueue_dma source(%arg22 : memref<40x128xf32, #tpu.memory_space<vmem>>) target(%dma_start3A_93 : memref<40x128xf32, #tpu.memory_space<vmem_shared>>) target_semaphore(%run_scoped3A : memref<!tpu.dma_semaphore, #tpu.memory_space<semaphore_mem>>)
      %dma_wait3A = arith.constant 0 : i32
      %dma_wait3A_94 = tpu.memref_slice %arg24[%add3A_19, %dma_wait3A] : memref<10240x128xf32, #tpu.memory_space<vmem_shared>> -> memref<40x128xf32, #tpu.memory_space<vmem_shared>>
      %dma_wait3A_95 = arith.constant 0 : i32
      %dma_wait3A_96 = tpu.memref_slice %arg24[%add3A_19, %dma_wait3A_95] : memref<10240x128xf32, #tpu.memory_space<vmem_shared>> -> memref<40x128xf32, #tpu.memory_space<vmem_shared>>
      tpu.wait_dma2 semaphore(%run_scoped3A : memref<!tpu.dma_semaphore, #tpu.memory_space<semaphore_mem>>) src(%arg22 : memref<40x128xf32, #tpu.memory_space<vmem>>) dst(%dma_wait3A_96 : memref<40x128xf32, #tpu.memory_space<vmem_shared>>)
      tpu.yield
    }) : () -> ()
    %add3A_20 = arith.constant 120 : i32
    %add3A_21 = arith.addi %mul3A_13, %add3A_20 : i32
    "tpu.region"() ({
      %run_scoped3A = tpu.sem_alloc : memref<!tpu.dma_semaphore, #tpu.memory_space<semaphore_mem>>
      %dma_start3A = arith.constant 0 : i32
      %dma_start3A_91 = tpu.memref_slice %arg24[%add3A_21, %dma_start3A] : memref<10240x128xf32, #tpu.memory_space<vmem_shared>> -> memref<40x128xf32, #tpu.memory_space<vmem_shared>>
      %dma_start3A_92 = arith.constant 0 : i32
      %dma_start3A_93 = tpu.memref_slice %arg24[%add3A_21, %dma_start3A_92] : memref<10240x128xf32, #tpu.memory_space<vmem_shared>> -> memref<40x128xf32, #tpu.memory_space<vmem_shared>>
      tpu.enqueue_dma source(%arg22 : memref<40x128xf32, #tpu.memory_space<vmem>>) target(%dma_start3A_93 : memref<40x128xf32, #tpu.memory_space<vmem_shared>>) target_semaphore(%run_scoped3A : memref<!tpu.dma_semaphore, #tpu.memory_space<semaphore_mem>>)
      %dma_wait3A = arith.constant 0 : i32
      %dma_wait3A_94 = tpu.memref_slice %arg24[%add3A_21, %dma_wait3A] : memref<10240x128xf32, #tpu.memory_space<vmem_shared>> -> memref<40x128xf32, #tpu.memory_space<vmem_shared>>
      %dma_wait3A_95 = arith.constant 0 : i32
      %dma_wait3A_96 = tpu.memref_slice %arg24[%add3A_21, %dma_wait3A_95] : memref<10240x128xf32, #tpu.memory_space<vmem_shared>> -> memref<40x128xf32, #tpu.memory_space<vmem_shared>>
      tpu.wait_dma2 semaphore(%run_scoped3A : memref<!tpu.dma_semaphore, #tpu.memory_space<semaphore_mem>>) src(%arg22 : memref<40x128xf32, #tpu.memory_space<vmem>>) dst(%dma_wait3A_96 : memref<40x128xf32, #tpu.memory_space<vmem_shared>>)
      tpu.yield
    }) : () -> ()
    %add3A_22 = arith.constant 160 : i32
    %add3A_23 = arith.addi %mul3A_13, %add3A_22 : i32
    "tpu.region"() ({
      %run_scoped3A = tpu.sem_alloc : memref<!tpu.dma_semaphore, #tpu.memory_space<semaphore_mem>>
      %dma_start3A = arith.constant 0 : i32
      %dma_start3A_91 = tpu.memref_slice %arg24[%add3A_23, %dma_start3A] : memref<10240x128xf32, #tpu.memory_space<vmem_shared>> -> memref<40x128xf32, #tpu.memory_space<vmem_shared>>
      %dma_start3A_92 = arith.constant 0 : i32
      %dma_start3A_93 = tpu.memref_slice %arg24[%add3A_23, %dma_start3A_92] : memref<10240x128xf32, #tpu.memory_space<vmem_shared>> -> memref<40x128xf32, #tpu.memory_space<vmem_shared>>
      tpu.enqueue_dma source(%arg22 : memref<40x128xf32, #tpu.memory_space<vmem>>) target(%dma_start3A_93 : memref<40x128xf32, #tpu.memory_space<vmem_shared>>) target_semaphore(%run_scoped3A : memref<!tpu.dma_semaphore, #tpu.memory_space<semaphore_mem>>)
      %dma_wait3A = arith.constant 0 : i32
      %dma_wait3A_94 = tpu.memref_slice %arg24[%add3A_23, %dma_wait3A] : memref<10240x128xf32, #tpu.memory_space<vmem_shared>> -> memref<40x128xf32, #tpu.memory_space<vmem_shared>>
      %dma_wait3A_95 = arith.constant 0 : i32
      %dma_wait3A_96 = tpu.memref_slice %arg24[%add3A_23, %dma_wait3A_95] : memref<10240x128xf32, #tpu.memory_space<vmem_shared>> -> memref<40x128xf32, #tpu.memory_space<vmem_shared>>
      tpu.wait_dma2 semaphore(%run_scoped3A : memref<!tpu.dma_semaphore, #tpu.memory_space<semaphore_mem>>) src(%arg22 : memref<40x128xf32, #tpu.memory_space<vmem>>) dst(%dma_wait3A_96 : memref<40x128xf32, #tpu.memory_space<vmem_shared>>)
      tpu.yield
    }) : () -> ()
    %add3A_24 = arith.constant 200 : i32
    %add3A_25 = arith.addi %mul3A_13, %add3A_24 : i32
    "tpu.region"() ({
      %run_scoped3A = tpu.sem_alloc : memref<!tpu.dma_semaphore, #tpu.memory_space<semaphore_mem>>
      %dma_start3A = arith.constant 0 : i32
      %dma_start3A_91 = tpu.memref_slice %arg24[%add3A_25, %dma_start3A] : memref<10240x128xf32, #tpu.memory_space<vmem_shared>> -> memref<40x128xf32, #tpu.memory_space<vmem_shared>>
      %dma_start3A_92 = arith.constant 0 : i32
      %dma_start3A_93 = tpu.memref_slice %arg24[%add3A_25, %dma_start3A_92] : memref<10240x128xf32, #tpu.memory_space<vmem_shared>> -> memref<40x128xf32, #tpu.memory_space<vmem_shared>>
      tpu.enqueue_dma source(%arg22 : memref<40x128xf32, #tpu.memory_space<vmem>>) target(%dma_start3A_93 : memref<40x128xf32, #tpu.memory_space<vmem_shared>>) target_semaphore(%run_scoped3A : memref<!tpu.dma_semaphore, #tpu.memory_space<semaphore_mem>>)
      %dma_wait3A = arith.constant 0 : i32
      %dma_wait3A_94 = tpu.memref_slice %arg24[%add3A_25, %dma_wait3A] : memref<10240x128xf32, #tpu.memory_space<vmem_shared>> -> memref<40x128xf32, #tpu.memory_space<vmem_shared>>
      %dma_wait3A_95 = arith.constant 0 : i32
      %dma_wait3A_96 = tpu.memref_slice %arg24[%add3A_25, %dma_wait3A_95] : memref<10240x128xf32, #tpu.memory_space<vmem_shared>> -> memref<40x128xf32, #tpu.memory_space<vmem_shared>>
      tpu.wait_dma2 semaphore(%run_scoped3A : memref<!tpu.dma_semaphore, #tpu.memory_space<semaphore_mem>>) src(%arg22 : memref<40x128xf32, #tpu.memory_space<vmem>>) dst(%dma_wait3A_96 : memref<40x128xf32, #tpu.memory_space<vmem_shared>>)
      tpu.yield
    }) : () -> ()
    %add3A_26 = arith.constant 240 : i32
    %add3A_27 = arith.addi %mul3A_13, %add3A_26 : i32
    "tpu.region"() ({
      %run_scoped3A = tpu.sem_alloc : memref<!tpu.dma_semaphore, #tpu.memory_space<semaphore_mem>>
      %dma_start3A = arith.constant 0 : i32
      %dma_start3A_91 = tpu.memref_slice %arg24[%add3A_27, %dma_start3A] : memref<10240x128xf32, #tpu.memory_space<vmem_shared>> -> memref<40x128xf32, #tpu.memory_space<vmem_shared>>
      %dma_start3A_92 = arith.constant 0 : i32
      %dma_start3A_93 = tpu.memref_slice %arg24[%add3A_27, %dma_start3A_92] : memref<10240x128xf32, #tpu.memory_space<vmem_shared>> -> memref<40x128xf32, #tpu.memory_space<vmem_shared>>
      tpu.enqueue_dma source(%arg22 : memref<40x128xf32, #tpu.memory_space<vmem>>) target(%dma_start3A_93 : memref<40x128xf32, #tpu.memory_space<vmem_shared>>) target_semaphore(%run_scoped3A : memref<!tpu.dma_semaphore, #tpu.memory_space<semaphore_mem>>)
      %dma_wait3A = arith.constant 0 : i32
      %dma_wait3A_94 = tpu.memref_slice %arg24[%add3A_27, %dma_wait3A] : memref<10240x128xf32, #tpu.memory_space<vmem_shared>> -> memref<40x128xf32, #tpu.memory_space<vmem_shared>>
      %dma_wait3A_95 = arith.constant 0 : i32
      %dma_wait3A_96 = tpu.memref_slice %arg24[%add3A_27, %dma_wait3A_95] : memref<10240x128xf32, #tpu.memory_space<vmem_shared>> -> memref<40x128xf32, #tpu.memory_space<vmem_shared>>
      tpu.wait_dma2 semaphore(%run_scoped3A : memref<!tpu.dma_semaphore, #tpu.memory_space<semaphore_mem>>) src(%arg22 : memref<40x128xf32, #tpu.memory_space<vmem>>) dst(%dma_wait3A_96 : memref<40x128xf32, #tpu.memory_space<vmem_shared>>)
      tpu.yield
    }) : () -> ()
    %add3A_28 = arith.constant 280 : i32
    %add3A_29 = arith.addi %mul3A_13, %add3A_28 : i32
    "tpu.region"() ({
      %run_scoped3A = tpu.sem_alloc : memref<!tpu.dma_semaphore, #tpu.memory_space<semaphore_mem>>
      %dma_start3A = arith.constant 0 : i32
      %dma_start3A_91 = tpu.memref_slice %arg24[%add3A_29, %dma_start3A] : memref<10240x128xf32, #tpu.memory_space<vmem_shared>> -> memref<40x128xf32, #tpu.memory_space<vmem_shared>>
      %dma_start3A_92 = arith.constant 0 : i32
      %dma_start3A_93 = tpu.memref_slice %arg24[%add3A_29, %dma_start3A_92] : memref<10240x128xf32, #tpu.memory_space<vmem_shared>> -> memref<40x128xf32, #tpu.memory_space<vmem_shared>>
      tpu.enqueue_dma source(%arg22 : memref<40x128xf32, #tpu.memory_space<vmem>>) target(%dma_start3A_93 : memref<40x128xf32, #tpu.memory_space<vmem_shared>>) target_semaphore(%run_scoped3A : memref<!tpu.dma_semaphore, #tpu.memory_space<semaphore_mem>>)
      %dma_wait3A = arith.constant 0 : i32
      %dma_wait3A_94 = tpu.memref_slice %arg24[%add3A_29, %dma_wait3A] : memref<10240x128xf32, #tpu.memory_space<vmem_shared>> -> memref<40x128xf32, #tpu.memory_space<vmem_shared>>
      %dma_wait3A_95 = arith.constant 0 : i32
      %dma_wait3A_96 = tpu.memref_slice %arg24[%add3A_29, %dma_wait3A_95] : memref<10240x128xf32, #tpu.memory_space<vmem_shared>> -> memref<40x128xf32, #tpu.memory_space<vmem_shared>>
      tpu.wait_dma2 semaphore(%run_scoped3A : memref<!tpu.dma_semaphore, #tpu.memory_space<semaphore_mem>>) src(%arg22 : memref<40x128xf32, #tpu.memory_space<vmem>>) dst(%dma_wait3A_96 : memref<40x128xf32, #tpu.memory_space<vmem_shared>>)
      tpu.yield
    }) : () -> ()
    %add3A_30 = arith.constant 320 : i32
    %add3A_31 = arith.addi %mul3A_13, %add3A_30 : i32
    "tpu.region"() ({
      %run_scoped3A = tpu.sem_alloc : memref<!tpu.dma_semaphore, #tpu.memory_space<semaphore_mem>>
      %dma_start3A = arith.constant 0 : i32
      %dma_start3A_91 = tpu.memref_slice %arg24[%add3A_31, %dma_start3A] : memref<10240x128xf32, #tpu.memory_space<vmem_shared>> -> memref<40x128xf32, #tpu.memory_space<vmem_shared>>
      %dma_start3A_92 = arith.constant 0 : i32
      %dma_start3A_93 = tpu.memref_slice %arg24[%add3A_31, %dma_start3A_92] : memref<10240x128xf32, #tpu.memory_space<vmem_shared>> -> memref<40x128xf32, #tpu.memory_space<vmem_shared>>
      tpu.enqueue_dma source(%arg22 : memref<40x128xf32, #tpu.memory_space<vmem>>) target(%dma_start3A_93 : memref<40x128xf32, #tpu.memory_space<vmem_shared>>) target_semaphore(%run_scoped3A : memref<!tpu.dma_semaphore, #tpu.memory_space<semaphore_mem>>)
      %dma_wait3A = arith.constant 0 : i32
      %dma_wait3A_94 = tpu.memref_slice %arg24[%add3A_31, %dma_wait3A] : memref<10240x128xf32, #tpu.memory_space<vmem_shared>> -> memref<40x128xf32, #tpu.memory_space<vmem_shared>>
      %dma_wait3A_95 = arith.constant 0 : i32
      %dma_wait3A_96 = tpu.memref_slice %arg24[%add3A_31, %dma_wait3A_95] : memref<10240x128xf32, #tpu.memory_space<vmem_shared>> -> memref<40x128xf32, #tpu.memory_space<vmem_shared>>
      tpu.wait_dma2 semaphore(%run_scoped3A : memref<!tpu.dma_semaphore, #tpu.memory_space<semaphore_mem>>) src(%arg22 : memref<40x128xf32, #tpu.memory_space<vmem>>) dst(%dma_wait3A_96 : memref<40x128xf32, #tpu.memory_space<vmem_shared>>)
      tpu.yield
    }) : () -> ()
    %add3A_32 = arith.constant 360 : i32
    %add3A_33 = arith.addi %mul3A_13, %add3A_32 : i32
    "tpu.region"() ({
      %run_scoped3A = tpu.sem_alloc : memref<!tpu.dma_semaphore, #tpu.memory_space<semaphore_mem>>
      %dma_start3A = arith.constant 0 : i32
      %dma_start3A_91 = tpu.memref_slice %arg24[%add3A_33, %dma_start3A] : memref<10240x128xf32, #tpu.memory_space<vmem_shared>> -> memref<40x128xf32, #tpu.memory_space<vmem_shared>>
      %dma_start3A_92 = arith.constant 0 : i32
      %dma_start3A_93 = tpu.memref_slice %arg24[%add3A_33, %dma_start3A_92] : memref<10240x128xf32, #tpu.memory_space<vmem_shared>> -> memref<40x128xf32, #tpu.memory_space<vmem_shared>>
      tpu.enqueue_dma source(%arg22 : memref<40x128xf32, #tpu.memory_space<vmem>>) target(%dma_start3A_93 : memref<40x128xf32, #tpu.memory_space<vmem_shared>>) target_semaphore(%run_scoped3A : memref<!tpu.dma_semaphore, #tpu.memory_space<semaphore_mem>>)
      %dma_wait3A = arith.constant 0 : i32
      %dma_wait3A_94 = tpu.memref_slice %arg24[%add3A_33, %dma_wait3A] : memref<10240x128xf32, #tpu.memory_space<vmem_shared>> -> memref<40x128xf32, #tpu.memory_space<vmem_shared>>
      %dma_wait3A_95 = arith.constant 0 : i32
      %dma_wait3A_96 = tpu.memref_slice %arg24[%add3A_33, %dma_wait3A_95] : memref<10240x128xf32, #tpu.memory_space<vmem_shared>> -> memref<40x128xf32, #tpu.memory_space<vmem_shared>>
      tpu.wait_dma2 semaphore(%run_scoped3A : memref<!tpu.dma_semaphore, #tpu.memory_space<semaphore_mem>>) src(%arg22 : memref<40x128xf32, #tpu.memory_space<vmem>>) dst(%dma_wait3A_96 : memref<40x128xf32, #tpu.memory_space<vmem_shared>>)
      tpu.yield
    }) : () -> ()
    %add3A_34 = arith.constant 400 : i32
    %add3A_35 = arith.addi %mul3A_13, %add3A_34 : i32
    "tpu.region"() ({
      %run_scoped3A = tpu.sem_alloc : memref<!tpu.dma_semaphore, #tpu.memory_space<semaphore_mem>>
      %dma_start3A = arith.constant 0 : i32
      %dma_start3A_91 = tpu.memref_slice %arg24[%add3A_35, %dma_start3A] : memref<10240x128xf32, #tpu.memory_space<vmem_shared>> -> memref<40x128xf32, #tpu.memory_space<vmem_shared>>
      %dma_start3A_92 = arith.constant 0 : i32
      %dma_start3A_93 = tpu.memref_slice %arg24[%add3A_35, %dma_start3A_92] : memref<10240x128xf32, #tpu.memory_space<vmem_shared>> -> memref<40x128xf32, #tpu.memory_space<vmem_shared>>
      tpu.enqueue_dma source(%arg22 : memref<40x128xf32, #tpu.memory_space<vmem>>) target(%dma_start3A_93 : memref<40x128xf32, #tpu.memory_space<vmem_shared>>) target_semaphore(%run_scoped3A : memref<!tpu.dma_semaphore, #tpu.memory_space<semaphore_mem>>)
      %dma_wait3A = arith.constant 0 : i32
      %dma_wait3A_94 = tpu.memref_slice %arg24[%add3A_35, %dma_wait3A] : memref<10240x128xf32, #tpu.memory_space<vmem_shared>> -> memref<40x128xf32, #tpu.memory_space<vmem_shared>>
      %dma_wait3A_95 = arith.constant 0 : i32
      %dma_wait3A_96 = tpu.memref_slice %arg24[%add3A_35, %dma_wait3A_95] : memref<10240x128xf32, #tpu.memory_space<vmem_shared>> -> memref<40x128xf32, #tpu.memory_space<vmem_shared>>
      tpu.wait_dma2 semaphore(%run_scoped3A : memref<!tpu.dma_semaphore, #tpu.memory_space<semaphore_mem>>) src(%arg22 : memref<40x128xf32, #tpu.memory_space<vmem>>) dst(%dma_wait3A_96 : memref<40x128xf32, #tpu.memory_space<vmem_shared>>)
      tpu.yield
    }) : () -> ()
    %add3A_36 = arith.constant 440 : i32
    %add3A_37 = arith.addi %mul3A_13, %add3A_36 : i32
    "tpu.region"() ({
      %run_scoped3A = tpu.sem_alloc : memref<!tpu.dma_semaphore, #tpu.memory_space<semaphore_mem>>
      %dma_start3A = arith.constant 0 : i32
      %dma_start3A_91 = tpu.memref_slice %arg24[%add3A_37, %dma_start3A] : memref<10240x128xf32, #tpu.memory_space<vmem_shared>> -> memref<40x128xf32, #tpu.memory_space<vmem_shared>>
      %dma_start3A_92 = arith.constant 0 : i32
      %dma_start3A_93 = tpu.memref_slice %arg24[%add3A_37, %dma_start3A_92] : memref<10240x128xf32, #tpu.memory_space<vmem_shared>> -> memref<40x128xf32, #tpu.memory_space<vmem_shared>>
      tpu.enqueue_dma source(%arg22 : memref<40x128xf32, #tpu.memory_space<vmem>>) target(%dma_start3A_93 : memref<40x128xf32, #tpu.memory_space<vmem_shared>>) target_semaphore(%run_scoped3A : memref<!tpu.dma_semaphore, #tpu.memory_space<semaphore_mem>>)
      %dma_wait3A = arith.constant 0 : i32
      %dma_wait3A_94 = tpu.memref_slice %arg24[%add3A_37, %dma_wait3A] : memref<10240x128xf32, #tpu.memory_space<vmem_shared>> -> memref<40x128xf32, #tpu.memory_space<vmem_shared>>
      %dma_wait3A_95 = arith.constant 0 : i32
      %dma_wait3A_96 = tpu.memref_slice %arg24[%add3A_37, %dma_wait3A_95] : memref<10240x128xf32, #tpu.memory_space<vmem_shared>> -> memref<40x128xf32, #tpu.memory_space<vmem_shared>>
      tpu.wait_dma2 semaphore(%run_scoped3A : memref<!tpu.dma_semaphore, #tpu.memory_space<semaphore_mem>>) src(%arg22 : memref<40x128xf32, #tpu.memory_space<vmem>>) dst(%dma_wait3A_96 : memref<40x128xf32, #tpu.memory_space<vmem_shared>>)
      tpu.yield
    }) : () -> ()
    %add3A_38 = arith.constant 480 : i32
    %add3A_39 = arith.addi %mul3A_13, %add3A_38 : i32
    "tpu.region"() ({
      %run_scoped3A = tpu.sem_alloc : memref<!tpu.dma_semaphore, #tpu.memory_space<semaphore_mem>>
      %dma_start3A = arith.constant 0 : i32
      %dma_start3A_91 = tpu.memref_slice %arg24[%add3A_39, %dma_start3A] : memref<10240x128xf32, #tpu.memory_space<vmem_shared>> -> memref<40x128xf32, #tpu.memory_space<vmem_shared>>
      %dma_start3A_92 = arith.constant 0 : i32
      %dma_start3A_93 = tpu.memref_slice %arg24[%add3A_39, %dma_start3A_92] : memref<10240x128xf32, #tpu.memory_space<vmem_shared>> -> memref<40x128xf32, #tpu.memory_space<vmem_shared>>
      tpu.enqueue_dma source(%arg22 : memref<40x128xf32, #tpu.memory_space<vmem>>) target(%dma_start3A_93 : memref<40x128xf32, #tpu.memory_space<vmem_shared>>) target_semaphore(%run_scoped3A : memref<!tpu.dma_semaphore, #tpu.memory_space<semaphore_mem>>)
      %dma_wait3A = arith.constant 0 : i32
      %dma_wait3A_94 = tpu.memref_slice %arg24[%add3A_39, %dma_wait3A] : memref<10240x128xf32, #tpu.memory_space<vmem_shared>> -> memref<40x128xf32, #tpu.memory_space<vmem_shared>>
      %dma_wait3A_95 = arith.constant 0 : i32
      %dma_wait3A_96 = tpu.memref_slice %arg24[%add3A_39, %dma_wait3A_95] : memref<10240x128xf32, #tpu.memory_space<vmem_shared>> -> memref<40x128xf32, #tpu.memory_space<vmem_shared>>
      tpu.wait_dma2 semaphore(%run_scoped3A : memref<!tpu.dma_semaphore, #tpu.memory_space<semaphore_mem>>) src(%arg22 : memref<40x128xf32, #tpu.memory_space<vmem>>) dst(%dma_wait3A_96 : memref<40x128xf32, #tpu.memory_space<vmem_shared>>)
      tpu.yield
    }) : () -> ()
    %add3A_40 = arith.constant 520 : i32
    %add3A_41 = arith.addi %mul3A_13, %add3A_40 : i32
    "tpu.region"() ({
      %run_scoped3A = tpu.sem_alloc : memref<!tpu.dma_semaphore, #tpu.memory_space<semaphore_mem>>
      %dma_start3A = arith.constant 0 : i32
      %dma_start3A_91 = tpu.memref_slice %arg24[%add3A_41, %dma_start3A] : memref<10240x128xf32, #tpu.memory_space<vmem_shared>> -> memref<40x128xf32, #tpu.memory_space<vmem_shared>>
      %dma_start3A_92 = arith.constant 0 : i32
      %dma_start3A_93 = tpu.memref_slice %arg24[%add3A_41, %dma_start3A_92] : memref<10240x128xf32, #tpu.memory_space<vmem_shared>> -> memref<40x128xf32, #tpu.memory_space<vmem_shared>>
      tpu.enqueue_dma source(%arg22 : memref<40x128xf32, #tpu.memory_space<vmem>>) target(%dma_start3A_93 : memref<40x128xf32, #tpu.memory_space<vmem_shared>>) target_semaphore(%run_scoped3A : memref<!tpu.dma_semaphore, #tpu.memory_space<semaphore_mem>>)
      %dma_wait3A = arith.constant 0 : i32
      %dma_wait3A_94 = tpu.memref_slice %arg24[%add3A_41, %dma_wait3A] : memref<10240x128xf32, #tpu.memory_space<vmem_shared>> -> memref<40x128xf32, #tpu.memory_space<vmem_shared>>
      %dma_wait3A_95 = arith.constant 0 : i32
      %dma_wait3A_96 = tpu.memref_slice %arg24[%add3A_41, %dma_wait3A_95] : memref<10240x128xf32, #tpu.memory_space<vmem_shared>> -> memref<40x128xf32, #tpu.memory_space<vmem_shared>>
      tpu.wait_dma2 semaphore(%run_scoped3A : memref<!tpu.dma_semaphore, #tpu.memory_space<semaphore_mem>>) src(%arg22 : memref<40x128xf32, #tpu.memory_space<vmem>>) dst(%dma_wait3A_96 : memref<40x128xf32, #tpu.memory_space<vmem_shared>>)
      tpu.yield
    }) : () -> ()
    %add3A_42 = arith.constant 560 : i32
    %add3A_43 = arith.addi %mul3A_13, %add3A_42 : i32
    "tpu.region"() ({
      %run_scoped3A = tpu.sem_alloc : memref<!tpu.dma_semaphore, #tpu.memory_space<semaphore_mem>>
      %dma_start3A = arith.constant 0 : i32
      %dma_start3A_91 = tpu.memref_slice %arg24[%add3A_43, %dma_start3A] : memref<10240x128xf32, #tpu.memory_space<vmem_shared>> -> memref<40x128xf32, #tpu.memory_space<vmem_shared>>
      %dma_start3A_92 = arith.constant 0 : i32
      %dma_start3A_93 = tpu.memref_slice %arg24[%add3A_43, %dma_start3A_92] : memref<10240x128xf32, #tpu.memory_space<vmem_shared>> -> memref<40x128xf32, #tpu.memory_space<vmem_shared>>
      tpu.enqueue_dma source(%arg22 : memref<40x128xf32, #tpu.memory_space<vmem>>) target(%dma_start3A_93 : memref<40x128xf32, #tpu.memory_space<vmem_shared>>) target_semaphore(%run_scoped3A : memref<!tpu.dma_semaphore, #tpu.memory_space<semaphore_mem>>)
      %dma_wait3A = arith.constant 0 : i32
      %dma_wait3A_94 = tpu.memref_slice %arg24[%add3A_43, %dma_wait3A] : memref<10240x128xf32, #tpu.memory_space<vmem_shared>> -> memref<40x128xf32, #tpu.memory_space<vmem_shared>>
      %dma_wait3A_95 = arith.constant 0 : i32
      %dma_wait3A_96 = tpu.memref_slice %arg24[%add3A_43, %dma_wait3A_95] : memref<10240x128xf32, #tpu.memory_space<vmem_shared>> -> memref<40x128xf32, #tpu.memory_space<vmem_shared>>
      tpu.wait_dma2 semaphore(%run_scoped3A : memref<!tpu.dma_semaphore, #tpu.memory_space<semaphore_mem>>) src(%arg22 : memref<40x128xf32, #tpu.memory_space<vmem>>) dst(%dma_wait3A_96 : memref<40x128xf32, #tpu.memory_space<vmem_shared>>)
      tpu.yield
    }) : () -> ()
    %add3A_44 = arith.constant 600 : i32
    %add3A_45 = arith.addi %mul3A_13, %add3A_44 : i32
    "tpu.region"() ({
      %run_scoped3A = tpu.sem_alloc : memref<!tpu.dma_semaphore, #tpu.memory_space<semaphore_mem>>
      %dma_start3A = arith.constant 0 : i32
      %dma_start3A_91 = tpu.memref_slice %arg24[%add3A_45, %dma_start3A] : memref<10240x128xf32, #tpu.memory_space<vmem_shared>> -> memref<40x128xf32, #tpu.memory_space<vmem_shared>>
      %dma_start3A_92 = arith.constant 0 : i32
      %dma_start3A_93 = tpu.memref_slice %arg24[%add3A_45, %dma_start3A_92] : memref<10240x128xf32, #tpu.memory_space<vmem_shared>> -> memref<40x128xf32, #tpu.memory_space<vmem_shared>>
      tpu.enqueue_dma source(%arg22 : memref<40x128xf32, #tpu.memory_space<vmem>>) target(%dma_start3A_93 : memref<40x128xf32, #tpu.memory_space<vmem_shared>>) target_semaphore(%run_scoped3A : memref<!tpu.dma_semaphore, #tpu.memory_space<semaphore_mem>>)
      %dma_wait3A = arith.constant 0 : i32
      %dma_wait3A_94 = tpu.memref_slice %arg24[%add3A_45, %dma_wait3A] : memref<10240x128xf32, #tpu.memory_space<vmem_shared>> -> memref<40x128xf32, #tpu.memory_space<vmem_shared>>
      %dma_wait3A_95 = arith.constant 0 : i32
      %dma_wait3A_96 = tpu.memref_slice %arg24[%add3A_45, %dma_wait3A_95] : memref<10240x128xf32, #tpu.memory_space<vmem_shared>> -> memref<40x128xf32, #tpu.memory_space<vmem_shared>>
      tpu.wait_dma2 semaphore(%run_scoped3A : memref<!tpu.dma_semaphore, #tpu.memory_space<semaphore_mem>>) src(%arg22 : memref<40x128xf32, #tpu.memory_space<vmem>>) dst(%dma_wait3A_96 : memref<40x128xf32, #tpu.memory_space<vmem_shared>>)
      tpu.yield
    }) : () -> ()
    %mul3A_46 = arith.constant 40 : i32
    %mul3A_47 = arith.muli %arg1, %mul3A_46 : i32
    "tpu.region"() ({
      %run_scoped3A = tpu.sem_alloc : memref<!tpu.dma_semaphore, #tpu.memory_space<semaphore_mem>>
      %dma_start3A = arith.constant 0 : i32
      %dma_start3A_91 = tpu.memref_slice %arg25[%mul3A_47, %dma_start3A] : memref<640x128xf32, #tpu.memory_space<vmem_shared>> -> memref<40x128xf32, #tpu.memory_space<vmem_shared>>
      %dma_start3A_92 = arith.constant 0 : i32
      %dma_start3A_93 = tpu.memref_slice %arg25[%mul3A_47, %dma_start3A_92] : memref<640x128xf32, #tpu.memory_space<vmem_shared>> -> memref<40x128xf32, #tpu.memory_space<vmem_shared>>
      tpu.enqueue_dma source(%arg22 : memref<40x128xf32, #tpu.memory_space<vmem>>) target(%dma_start3A_93 : memref<40x128xf32, #tpu.memory_space<vmem_shared>>) target_semaphore(%run_scoped3A : memref<!tpu.dma_semaphore, #tpu.memory_space<semaphore_mem>>)
      %dma_wait3A = arith.constant 0 : i32
      %dma_wait3A_94 = tpu.memref_slice %arg25[%mul3A_47, %dma_wait3A] : memref<640x128xf32, #tpu.memory_space<vmem_shared>> -> memref<40x128xf32, #tpu.memory_space<vmem_shared>>
      %dma_wait3A_95 = arith.constant 0 : i32
      %dma_wait3A_96 = tpu.memref_slice %arg25[%mul3A_47, %dma_wait3A_95] : memref<640x128xf32, #tpu.memory_space<vmem_shared>> -> memref<40x128xf32, #tpu.memory_space<vmem_shared>>
      tpu.wait_dma2 semaphore(%run_scoped3A : memref<!tpu.dma_semaphore, #tpu.memory_space<semaphore_mem>>) src(%arg22 : memref<40x128xf32, #tpu.memory_space<vmem>>) dst(%dma_wait3A_96 : memref<40x128xf32, #tpu.memory_space<vmem_shared>>)
      tpu.yield
    }) : () -> ()
    %barrier3A = arith.constant 0 : index
    tpu.barrier barrier_id(%barrier3A)
    %mul3A_48 = arith.constant 10000 : i32
    %mul3A_49 = arith.muli %add3A, %mul3A_48 : i32
    %scan3A_50 = arith.constant 0 : i32
    %scan3A_51 = arith.constant 0 : i32
    %scan3A_52 = arith.constant 250 : i32
    %scan3A_53 = arith.addi %scan3A_51, %scan3A_52 : i32
    %scan3A_54 = arith.constant 1 : i32
    scf.for %scan3A_91 = %scan3A_51 to %scan3A_53 step %scan3A_54  : i32 {
      %mul3A_92 = arith.constant 40 : i32
      %mul3A_93 = arith.muli %scan3A_91, %mul3A_92 : i32
      %add3A_94 = arith.addi %mul3A_49, %mul3A_93 : i32
      "tpu.region"() ({
        %run_scoped3A = tpu.sem_alloc : memref<!tpu.dma_semaphore, #tpu.memory_space<semaphore_mem>>
        %dma_start3A_153 = tpu.memref_slice %arg5[%add3A_94] : memref<320000xi32, #tpu.memory_space<hbm>> -> memref<40xi32, #tpu.memory_space<hbm>>
        %dma_start3A_154 = tpu.memref_slice %arg5[%add3A_94] : memref<320000xi32, #tpu.memory_space<hbm>> -> memref<40xi32, #tpu.memory_space<hbm>>
        tpu.enqueue_dma source(%dma_start3A_154 : memref<40xi32, #tpu.memory_space<hbm>>) target(%arg12 : memref<40xi32, #tpu.memory_space<vmem>>) target_semaphore(%run_scoped3A : memref<!tpu.dma_semaphore, #tpu.memory_space<semaphore_mem>>)
        %dma_wait3A_155 = tpu.memref_slice %arg5[%add3A_94] : memref<320000xi32, #tpu.memory_space<hbm>> -> memref<40xi32, #tpu.memory_space<hbm>>
        %dma_wait3A_156 = tpu.memref_slice %arg5[%add3A_94] : memref<320000xi32, #tpu.memory_space<hbm>> -> memref<40xi32, #tpu.memory_space<hbm>>
        tpu.wait_dma2 semaphore(%run_scoped3A : memref<!tpu.dma_semaphore, #tpu.memory_space<semaphore_mem>>) src(%dma_wait3A_156 : memref<40xi32, #tpu.memory_space<hbm>>) dst(%arg12 : memref<40xi32, #tpu.memory_space<vmem>>)
        tpu.yield
      }) : () -> ()
      "tpu.region"() ({
        %run_scoped3A = tpu.sem_alloc : memref<!tpu.dma_semaphore, #tpu.memory_space<semaphore_mem>>
        %dma_start3A_153 = tpu.memref_slice %arg6[%add3A_94] : memref<320000xi32, #tpu.memory_space<hbm>> -> memref<40xi32, #tpu.memory_space<hbm>>
        %dma_start3A_154 = tpu.memref_slice %arg6[%add3A_94] : memref<320000xi32, #tpu.memory_space<hbm>> -> memref<40xi32, #tpu.memory_space<hbm>>
        tpu.enqueue_dma source(%dma_start3A_154 : memref<40xi32, #tpu.memory_space<hbm>>) target(%arg13 : memref<40xi32, #tpu.memory_space<vmem>>) target_semaphore(%run_scoped3A : memref<!tpu.dma_semaphore, #tpu.memory_space<semaphore_mem>>)
        %dma_wait3A_155 = tpu.memref_slice %arg6[%add3A_94] : memref<320000xi32, #tpu.memory_space<hbm>> -> memref<40xi32, #tpu.memory_space<hbm>>
        %dma_wait3A_156 = tpu.memref_slice %arg6[%add3A_94] : memref<320000xi32, #tpu.memory_space<hbm>> -> memref<40xi32, #tpu.memory_space<hbm>>
        tpu.wait_dma2 semaphore(%run_scoped3A : memref<!tpu.dma_semaphore, #tpu.memory_space<semaphore_mem>>) src(%dma_wait3A_156 : memref<40xi32, #tpu.memory_space<hbm>>) dst(%arg13 : memref<40xi32, #tpu.memory_space<vmem>>)
        tpu.yield
      }) : () -> ()
      "tpu.region"() ({
        %run_scoped3A = tpu.sem_alloc : memref<!tpu.dma_semaphore, #tpu.memory_space<semaphore_mem>>
        %dma_start3A_153 = tpu.memref_slice %arg7[%add3A_94] : memref<320000xi32, #tpu.memory_space<hbm>> -> memref<40xi32, #tpu.memory_space<hbm>>
        %dma_start3A_154 = tpu.memref_slice %arg7[%add3A_94] : memref<320000xi32, #tpu.memory_space<hbm>> -> memref<40xi32, #tpu.memory_space<hbm>>
        tpu.enqueue_dma source(%dma_start3A_154 : memref<40xi32, #tpu.memory_space<hbm>>) target(%arg14 : memref<40xi32, #tpu.memory_space<vmem>>) target_semaphore(%run_scoped3A : memref<!tpu.dma_semaphore, #tpu.memory_space<semaphore_mem>>)
        %dma_wait3A_155 = tpu.memref_slice %arg7[%add3A_94] : memref<320000xi32, #tpu.memory_space<hbm>> -> memref<40xi32, #tpu.memory_space<hbm>>
        %dma_wait3A_156 = tpu.memref_slice %arg7[%add3A_94] : memref<320000xi32, #tpu.memory_space<hbm>> -> memref<40xi32, #tpu.memory_space<hbm>>
        tpu.wait_dma2 semaphore(%run_scoped3A : memref<!tpu.dma_semaphore, #tpu.memory_space<semaphore_mem>>) src(%dma_wait3A_156 : memref<40xi32, #tpu.memory_space<hbm>>) dst(%arg14 : memref<40xi32, #tpu.memory_space<vmem>>)
        tpu.yield
      }) : () -> ()
      "tpu.region"() ({
        %run_scoped3A = tpu.sem_alloc : memref<!tpu.dma_semaphore, #tpu.memory_space<semaphore_mem>>
        %dma_start3A_153 = tpu.memref_slice %arg8[%add3A_94] : memref<320000xi32, #tpu.memory_space<hbm>> -> memref<40xi32, #tpu.memory_space<hbm>>
        %dma_start3A_154 = tpu.memref_slice %arg8[%add3A_94] : memref<320000xi32, #tpu.memory_space<hbm>> -> memref<40xi32, #tpu.memory_space<hbm>>
        tpu.enqueue_dma source(%dma_start3A_154 : memref<40xi32, #tpu.memory_space<hbm>>) target(%arg15 : memref<40xi32, #tpu.memory_space<vmem>>) target_semaphore(%run_scoped3A : memref<!tpu.dma_semaphore, #tpu.memory_space<semaphore_mem>>)
        %dma_wait3A_155 = tpu.memref_slice %arg8[%add3A_94] : memref<320000xi32, #tpu.memory_space<hbm>> -> memref<40xi32, #tpu.memory_space<hbm>>
        %dma_wait3A_156 = tpu.memref_slice %arg8[%add3A_94] : memref<320000xi32, #tpu.memory_space<hbm>> -> memref<40xi32, #tpu.memory_space<hbm>>
        tpu.wait_dma2 semaphore(%run_scoped3A : memref<!tpu.dma_semaphore, #tpu.memory_space<semaphore_mem>>) src(%dma_wait3A_156 : memref<40xi32, #tpu.memory_space<hbm>>) dst(%arg15 : memref<40xi32, #tpu.memory_space<vmem>>)
        tpu.yield
      }) : () -> ()
      "tpu.region"() ({
        %run_scoped3A = tpu.sem_alloc : memref<!tpu.dma_semaphore, #tpu.memory_space<semaphore_mem>>
        %dma_start3A_153 = tpu.memref_slice %arg9[%add3A_94] : memref<320000xi32, #tpu.memory_space<hbm>> -> memref<40xi32, #tpu.memory_space<hbm>>
        %dma_start3A_154 = tpu.memref_slice %arg9[%add3A_94] : memref<320000xi32, #tpu.memory_space<hbm>> -> memref<40xi32, #tpu.memory_space<hbm>>
        tpu.enqueue_dma source(%dma_start3A_154 : memref<40xi32, #tpu.memory_space<hbm>>) target(%arg16 : memref<40xi32, #tpu.memory_space<vmem>>) target_semaphore(%run_scoped3A : memref<!tpu.dma_semaphore, #tpu.memory_space<semaphore_mem>>)
        %dma_wait3A_155 = tpu.memref_slice %arg9[%add3A_94] : memref<320000xi32, #tpu.memory_space<hbm>> -> memref<40xi32, #tpu.memory_space<hbm>>
        %dma_wait3A_156 = tpu.memref_slice %arg9[%add3A_94] : memref<320000xi32, #tpu.memory_space<hbm>> -> memref<40xi32, #tpu.memory_space<hbm>>
        tpu.wait_dma2 semaphore(%run_scoped3A : memref<!tpu.dma_semaphore, #tpu.memory_space<semaphore_mem>>) src(%dma_wait3A_156 : memref<40xi32, #tpu.memory_space<hbm>>) dst(%arg16 : memref<40xi32, #tpu.memory_space<vmem>>)
        tpu.yield
      }) : () -> ()
      %dma_start3A = arith.constant 0 : i32
      %dma_start3A_95 = arith.constant 0 : i32
      %dma_start3A_96 = tpu.memref_slice %arg3[%dma_start3A, %dma_start3A_95] : memref<10000x128xf32, #tpu.memory_space<hbm>> -> memref<10000x128xf32, #tpu.memory_space<hbm>>
      tpu.enqueue_indirect_dma source(%dma_start3A_96 : memref<10000x128xf32, #tpu.memory_space<hbm>>) target(%arg17 : memref<40x128xf32, #tpu.memory_space<vmem>>) offsets(%arg12 : memref<40xi32, #tpu.memory_space<vmem>>) semaphore(%arg26 : memref<!tpu.dma_semaphore, #tpu.memory_space<semaphore_mem>>)
      %dma_start3A_97 = arith.constant 0 : i32
      %dma_start3A_98 = arith.constant 0 : i32
      %dma_start3A_99 = tpu.memref_slice %arg2[%dma_start3A_97, %dma_start3A_98] : memref<10000x128xf32, #tpu.memory_space<hbm>> -> memref<10000x128xf32, #tpu.memory_space<hbm>>
      tpu.enqueue_indirect_dma source(%dma_start3A_99 : memref<10000x128xf32, #tpu.memory_space<hbm>>) target(%arg18 : memref<40x128xf32, #tpu.memory_space<vmem>>) offsets(%arg13 : memref<40xi32, #tpu.memory_space<vmem>>) semaphore(%arg27 : memref<!tpu.dma_semaphore, #tpu.memory_space<semaphore_mem>>)
      %dma_start3A_100 = arith.constant 0 : i32
      %dma_start3A_101 = arith.constant 0 : i32
      %dma_start3A_102 = tpu.memref_slice %arg4[%dma_start3A_100, %dma_start3A_101] : memref<10000x128xf32, #tpu.memory_space<hbm>> -> memref<10000x128xf32, #tpu.memory_space<hbm>>
      tpu.enqueue_indirect_dma source(%dma_start3A_102 : memref<10000x128xf32, #tpu.memory_space<hbm>>) target(%arg19 : memref<40x128xf32, #tpu.memory_space<vmem>>) offsets(%arg12 : memref<40xi32, #tpu.memory_space<vmem>>) semaphore(%arg28 : memref<!tpu.dma_semaphore, #tpu.memory_space<semaphore_mem>>)
      %dma_wait3A = arith.constant 0 : i32
      %dma_wait3A_103 = arith.constant 0 : i32
      %dma_wait3A_104 = tpu.memref_slice %arg3[%dma_wait3A, %dma_wait3A_103] : memref<10000x128xf32, #tpu.memory_space<hbm>> -> memref<10000x128xf32, #tpu.memory_space<hbm>>
      tpu.wait_indirect_dma semaphore(%arg26 : memref<!tpu.dma_semaphore, #tpu.memory_space<semaphore_mem>>) src(%dma_wait3A_104 : memref<10000x128xf32, #tpu.memory_space<hbm>>) dst(%arg17 : memref<40x128xf32, #tpu.memory_space<vmem>>)
      %dma_wait3A_105 = arith.constant 0 : i32
      %dma_wait3A_106 = arith.constant 0 : i32
      %dma_wait3A_107 = tpu.memref_slice %arg2[%dma_wait3A_105, %dma_wait3A_106] : memref<10000x128xf32, #tpu.memory_space<hbm>> -> memref<10000x128xf32, #tpu.memory_space<hbm>>
      tpu.wait_indirect_dma semaphore(%arg27 : memref<!tpu.dma_semaphore, #tpu.memory_space<semaphore_mem>>) src(%dma_wait3A_107 : memref<10000x128xf32, #tpu.memory_space<hbm>>) dst(%arg18 : memref<40x128xf32, #tpu.memory_space<vmem>>)
      %dma_wait3A_108 = arith.constant 0 : i32
      %dma_wait3A_109 = arith.constant 0 : i32
      %dma_wait3A_110 = tpu.memref_slice %arg4[%dma_wait3A_108, %dma_wait3A_109] : memref<10000x128xf32, #tpu.memory_space<hbm>> -> memref<10000x128xf32, #tpu.memory_space<hbm>>
      tpu.wait_indirect_dma semaphore(%arg28 : memref<!tpu.dma_semaphore, #tpu.memory_space<semaphore_mem>>) src(%dma_wait3A_110 : memref<10000x128xf32, #tpu.memory_space<hbm>>) dst(%arg19 : memref<40x128xf32, #tpu.memory_space<vmem>>)
      %dma_start3A_111 = arith.constant 0 : i32
      %dma_start3A_112 = arith.constant 0 : i32
      %dma_start3A_113 = tpu.memref_slice %arg3[%dma_start3A_111, %dma_start3A_112] : memref<10000x128xf32, #tpu.memory_space<hbm>> -> memref<10000x128xf32, #tpu.memory_space<hbm>>
      tpu.enqueue_indirect_dma source(%dma_start3A_113 : memref<10000x128xf32, #tpu.memory_space<hbm>>) target(%arg17 : memref<40x128xf32, #tpu.memory_space<vmem>>) offsets(%arg12 : memref<40xi32, #tpu.memory_space<vmem>>) semaphore(%arg26 : memref<!tpu.dma_semaphore, #tpu.memory_space<semaphore_mem>>)
      %dma_start3A_114 = arith.constant 0 : i32
      %dma_start3A_115 = arith.constant 0 : i32
      %dma_start3A_116 = tpu.memref_slice %arg2[%dma_start3A_114, %dma_start3A_115] : memref<10000x128xf32, #tpu.memory_space<hbm>> -> memref<10000x128xf32, #tpu.memory_space<hbm>>
      tpu.enqueue_indirect_dma source(%dma_start3A_116 : memref<10000x128xf32, #tpu.memory_space<hbm>>) target(%arg18 : memref<40x128xf32, #tpu.memory_space<vmem>>) offsets(%arg13 : memref<40xi32, #tpu.memory_space<vmem>>) semaphore(%arg27 : memref<!tpu.dma_semaphore, #tpu.memory_space<semaphore_mem>>)
      %dma_start3A_117 = arith.constant 0 : i32
      %dma_start3A_118 = arith.constant 0 : i32
      %dma_start3A_119 = tpu.memref_slice %arg4[%dma_start3A_117, %dma_start3A_118] : memref<10000x128xf32, #tpu.memory_space<hbm>> -> memref<10000x128xf32, #tpu.memory_space<hbm>>
      tpu.enqueue_indirect_dma source(%dma_start3A_119 : memref<10000x128xf32, #tpu.memory_space<hbm>>) target(%arg19 : memref<40x128xf32, #tpu.memory_space<vmem>>) offsets(%arg12 : memref<40xi32, #tpu.memory_space<vmem>>) semaphore(%arg28 : memref<!tpu.dma_semaphore, #tpu.memory_space<semaphore_mem>>)
      %dma_wait3A_120 = arith.constant 0 : i32
      %dma_wait3A_121 = arith.constant 0 : i32
      %dma_wait3A_122 = tpu.memref_slice %arg3[%dma_wait3A_120, %dma_wait3A_121] : memref<10000x128xf32, #tpu.memory_space<hbm>> -> memref<10000x128xf32, #tpu.memory_space<hbm>>
      tpu.wait_indirect_dma semaphore(%arg26 : memref<!tpu.dma_semaphore, #tpu.memory_space<semaphore_mem>>) src(%dma_wait3A_122 : memref<10000x128xf32, #tpu.memory_space<hbm>>) dst(%arg17 : memref<40x128xf32, #tpu.memory_space<vmem>>)
      %dma_wait3A_123 = arith.constant 0 : i32
      %dma_wait3A_124 = arith.constant 0 : i32
      %dma_wait3A_125 = tpu.memref_slice %arg2[%dma_wait3A_123, %dma_wait3A_124] : memref<10000x128xf32, #tpu.memory_space<hbm>> -> memref<10000x128xf32, #tpu.memory_space<hbm>>
      tpu.wait_indirect_dma semaphore(%arg27 : memref<!tpu.dma_semaphore, #tpu.memory_space<semaphore_mem>>) src(%dma_wait3A_125 : memref<10000x128xf32, #tpu.memory_space<hbm>>) dst(%arg18 : memref<40x128xf32, #tpu.memory_space<vmem>>)
      %dma_wait3A_126 = arith.constant 0 : i32
      %dma_wait3A_127 = arith.constant 0 : i32
      %dma_wait3A_128 = tpu.memref_slice %arg4[%dma_wait3A_126, %dma_wait3A_127] : memref<10000x128xf32, #tpu.memory_space<hbm>> -> memref<10000x128xf32, #tpu.memory_space<hbm>>
      tpu.wait_indirect_dma semaphore(%arg28 : memref<!tpu.dma_semaphore, #tpu.memory_space<semaphore_mem>>) src(%dma_wait3A_128 : memref<10000x128xf32, #tpu.memory_space<hbm>>) dst(%arg19 : memref<40x128xf32, #tpu.memory_space<vmem>>)
      %scan3A_129 = arith.constant 0 : i32
      %scan3A_130 = arith.constant 0 : i32
      %scan3A_131 = arith.constant 2 : i32
      %scan3A_132 = arith.addi %scan3A_130, %scan3A_131 : i32
      %scan3A_133 = arith.constant 1 : i32
      scf.for %scan3A_153 = %scan3A_130 to %scan3A_132 step %scan3A_133  : i32 {
        %mul3A_154 = arith.constant 16 : i32
        %mul3A_155 = arith.muli %scan3A_153, %mul3A_154 : i32
        %get3A = arith.index_cast %mul3A_155 : i32 to index
        %get3A_156 = tpu.vector_load %arg13[%get3A] {strides = array<i32>} : memref<40xi32, #tpu.memory_space<vmem>>, vector<16xi32>,
        %and3A = arith.constant 15 : i32
        %and3A_157 = vector.broadcast %and3A : i32 to vector<16xi32>
        %and3A_158 = arith.andi %get3A_156, %and3A_157 : vector<16xi32>
        %shift_right_logical3A = arith.constant 1 : i32
        %shift_right_logical3A_159 = vector.broadcast %shift_right_logical3A : i32 to vector<16xi32>
        %shift_right_logical3A_160 = arith.shrui %and3A_158, %shift_right_logical3A_159 : vector<16xi32>
        %shift_left3A = arith.constant 4 : i32
        %shift_left3A_161 = vector.broadcast %shift_left3A : i32 to vector<16xi32>
        %shift_left3A_162 = arith.shli %shift_right_logical3A_160, %shift_left3A_161 : vector<16xi32>
        %mul3A_163 = arith.constant 16 : i32
        %mul3A_164 = arith.muli %scan3A_153, %mul3A_163 : i32
        %swap3A_165 = arith.index_cast %mul3A_164 : i32 to index
        %swap3A_166 = tpu.vector_load %arg15[%swap3A_165] {strides = array<i32>} : memref<40xi32, #tpu.memory_space<vmem>>, vector<16xi32>,
        tpu.vector_store %arg15[%swap3A_165], %shift_left3A_162 {strides = array<i32>} : memref<40xi32, #tpu.memory_space<vmem>>, vector<16xi32>,
        %and3A_167 = arith.constant 1 : i32
        %and3A_168 = vector.broadcast %and3A_167 : i32 to vector<16xi32>
        %and3A_169 = arith.andi %get3A_156, %and3A_168 : vector<16xi32>
        %shift_left3A_170 = arith.constant 3 : i32
        %shift_left3A_171 = vector.broadcast %shift_left3A_170 : i32 to vector<16xi32>
        %shift_left3A_172 = arith.shli %and3A_169, %shift_left3A_171 : vector<16xi32>
        %mul3A_173 = arith.constant 16 : i32
        %mul3A_174 = arith.muli %scan3A_153, %mul3A_173 : i32
        %swap3A_175 = arith.index_cast %mul3A_174 : i32 to index
        %swap3A_176 = tpu.vector_load %arg16[%swap3A_175] {strides = array<i32>} : memref<40xi32, #tpu.memory_space<vmem>>, vector<16xi32>,
        tpu.vector_store %arg16[%swap3A_175], %shift_left3A_172 {strides = array<i32>} : memref<40xi32, #tpu.memory_space<vmem>>, vector<16xi32>,
      }
      %scan3A_134 = arith.constant 2 : i32
      %scan3A_135 = arith.constant 0 : i32
      %scan3A_136 = arith.constant 0 : i32
      %scan3A_137 = arith.constant 40 : i32
      %scan3A_138 = arith.addi %scan3A_136, %scan3A_137 : i32
      %scan3A_139 = arith.constant 1 : i32
      scf.for %scan3A_153 = %scan3A_136 to %scan3A_138 step %scan3A_139  : i32 {
        %get3A = arith.index_cast %scan3A_153 : i32 to index
        %get3A_154 = arith.constant 0 : index
        %get3A_155 = tpu.vector_load %arg17[%get3A, %get3A_154] {strides = array<i32>} : memref<40x128xf32, #tpu.memory_space<vmem>>, vector<16xf32>,
        %get3A_156 = arith.index_cast %scan3A_153 : i32 to index
        %get3A_157 = arith.constant 0 : index
        %get3A_158 = tpu.vector_load %arg18[%get3A_156, %get3A_157] {strides = array<i32>} : memref<40x128xf32, #tpu.memory_space<vmem>>, vector<16xf32>,
        %mul3A_159 = arith.mulf %get3A_155, %get3A_158 : vector<16xf32>
        %add3A_160 = arith.constant 0 : i32
        %add3A_161 = vector.broadcast %add3A_160 : i32 to vector<16xi32>
        %add3A_162 = arith.addi %add3A_161, %iota3A : vector<16xi32>
        %mul3A_163 = arith.constant 48 : i32
        %mul3A_164 = vector.broadcast %mul3A_163 : i32 to vector<16xi32>
        %mul3A_165 = arith.muli %add3A_162, %mul3A_164 : vector<16xi32>
        %add3A_166 = vector.broadcast %scan3A_153 : i32 to vector<16xi32>
        %add3A_167 = arith.addi %mul3A_165, %add3A_166 : vector<16xi32>
        tpu.vector_store_idx %arg20[%add3A_167], %mul3A_159 : memref<6144xf32, #tpu.memory_space<vmem>>[vector<16xi32>], vector<16xf32>,
        %get3A_168 = arith.index_cast %scan3A_153 : i32 to index
        %get3A_169 = arith.constant 16 : index
        %get3A_170 = tpu.vector_load %arg17[%get3A_168, %get3A_169] {strides = array<i32>} : memref<40x128xf32, #tpu.memory_space<vmem>>, vector<16xf32>,
        %get3A_171 = arith.index_cast %scan3A_153 : i32 to index
        %get3A_172 = arith.constant 16 : index
        %get3A_173 = tpu.vector_load %arg18[%get3A_171, %get3A_172] {strides = array<i32>} : memref<40x128xf32, #tpu.memory_space<vmem>>, vector<16xf32>,
        %mul3A_174 = arith.mulf %get3A_170, %get3A_173 : vector<16xf32>
        %add3A_175 = arith.constant 16 : i32
        %add3A_176 = vector.broadcast %add3A_175 : i32 to vector<16xi32>
        %add3A_177 = arith.addi %add3A_176, %iota3A : vector<16xi32>
        %mul3A_178 = arith.constant 48 : i32
        %mul3A_179 = vector.broadcast %mul3A_178 : i32 to vector<16xi32>
        %mul3A_180 = arith.muli %add3A_177, %mul3A_179 : vector<16xi32>
        %add3A_181 = vector.broadcast %scan3A_153 : i32 to vector<16xi32>
        %add3A_182 = arith.addi %mul3A_180, %add3A_181 : vector<16xi32>
        tpu.vector_store_idx %arg20[%add3A_182], %mul3A_174 : memref<6144xf32, #tpu.memory_space<vmem>>[vector<16xi32>], vector<16xf32>,
        %get3A_183 = arith.index_cast %scan3A_153 : i32 to index
        %get3A_184 = arith.constant 32 : index
        %get3A_185 = tpu.vector_load %arg17[%get3A_183, %get3A_184] {strides = array<i32>} : memref<40x128xf32, #tpu.memory_space<vmem>>, vector<16xf32>,
        %get3A_186 = arith.index_cast %scan3A_153 : i32 to index
        %get3A_187 = arith.constant 32 : index
        %get3A_188 = tpu.vector_load %arg18[%get3A_186, %get3A_187] {strides = array<i32>} : memref<40x128xf32, #tpu.memory_space<vmem>>, vector<16xf32>,
        %mul3A_189 = arith.mulf %get3A_185, %get3A_188 : vector<16xf32>
        %add3A_190 = arith.constant 32 : i32
        %add3A_191 = vector.broadcast %add3A_190 : i32 to vector<16xi32>
        %add3A_192 = arith.addi %add3A_191, %iota3A : vector<16xi32>
        %mul3A_193 = arith.constant 48 : i32
        %mul3A_194 = vector.broadcast %mul3A_193 : i32 to vector<16xi32>
        %mul3A_195 = arith.muli %add3A_192, %mul3A_194 : vector<16xi32>
        %add3A_196 = vector.broadcast %scan3A_153 : i32 to vector<16xi32>
        %add3A_197 = arith.addi %mul3A_195, %add3A_196 : vector<16xi32>
        tpu.vector_store_idx %arg20[%add3A_197], %mul3A_189 : memref<6144xf32, #tpu.memory_space<vmem>>[vector<16xi32>], vector<16xf32>,
        %get3A_198 = arith.index_cast %scan3A_153 : i32 to index
        %get3A_199 = arith.constant 48 : index
        %get3A_200 = tpu.vector_load %arg17[%get3A_198, %get3A_199] {strides = array<i32>} : memref<40x128xf32, #tpu.memory_space<vmem>>, vector<16xf32>,
        %get3A_201 = arith.index_cast %scan3A_153 : i32 to index
        %get3A_202 = arith.constant 48 : index
        %get3A_203 = tpu.vector_load %arg18[%get3A_201, %get3A_202] {strides = array<i32>} : memref<40x128xf32, #tpu.memory_space<vmem>>, vector<16xf32>,
        %mul3A_204 = arith.mulf %get3A_200, %get3A_203 : vector<16xf32>
        %add3A_205 = arith.constant 48 : i32
        %add3A_206 = vector.broadcast %add3A_205 : i32 to vector<16xi32>
        %add3A_207 = arith.addi %add3A_206, %iota3A : vector<16xi32>
        %mul3A_208 = arith.constant 48 : i32
        %mul3A_209 = vector.broadcast %mul3A_208 : i32 to vector<16xi32>
        %mul3A_210 = arith.muli %add3A_207, %mul3A_209 : vector<16xi32>
        %add3A_211 = vector.broadcast %scan3A_153 : i32 to vector<16xi32>
        %add3A_212 = arith.addi %mul3A_210, %add3A_211 : vector<16xi32>
        tpu.vector_store_idx %arg20[%add3A_212], %mul3A_204 : memref<6144xf32, #tpu.memory_space<vmem>>[vector<16xi32>], vector<16xf32>,
        %get3A_213 = arith.index_cast %scan3A_153 : i32 to index
        %get3A_214 = arith.constant 64 : index
        %get3A_215 = tpu.vector_load %arg17[%get3A_213, %get3A_214] {strides = array<i32>} : memref<40x128xf32, #tpu.memory_space<vmem>>, vector<16xf32>,
        %get3A_216 = arith.index_cast %scan3A_153 : i32 to index
        %get3A_217 = arith.constant 64 : index
        %get3A_218 = tpu.vector_load %arg18[%get3A_216, %get3A_217] {strides = array<i32>} : memref<40x128xf32, #tpu.memory_space<vmem>>, vector<16xf32>,
        %mul3A_219 = arith.mulf %get3A_215, %get3A_218 : vector<16xf32>
        %add3A_220 = arith.constant 64 : i32
        %add3A_221 = vector.broadcast %add3A_220 : i32 to vector<16xi32>
        %add3A_222 = arith.addi %add3A_221, %iota3A : vector<16xi32>
        %mul3A_223 = arith.constant 48 : i32
        %mul3A_224 = vector.broadcast %mul3A_223 : i32 to vector<16xi32>
        %mul3A_225 = arith.muli %add3A_222, %mul3A_224 : vector<16xi32>
        %add3A_226 = vector.broadcast %scan3A_153 : i32 to vector<16xi32>
        %add3A_227 = arith.addi %mul3A_225, %add3A_226 : vector<16xi32>
        tpu.vector_store_idx %arg20[%add3A_227], %mul3A_219 : memref<6144xf32, #tpu.memory_space<vmem>>[vector<16xi32>], vector<16xf32>,
        %get3A_228 = arith.index_cast %scan3A_153 : i32 to index
        %get3A_229 = arith.constant 80 : index
        %get3A_230 = tpu.vector_load %arg17[%get3A_228, %get3A_229] {strides = array<i32>} : memref<40x128xf32, #tpu.memory_space<vmem>>, vector<16xf32>,
        %get3A_231 = arith.index_cast %scan3A_153 : i32 to index
        %get3A_232 = arith.constant 80 : index
        %get3A_233 = tpu.vector_load %arg18[%get3A_231, %get3A_232] {strides = array<i32>} : memref<40x128xf32, #tpu.memory_space<vmem>>, vector<16xf32>,
        %mul3A_234 = arith.mulf %get3A_230, %get3A_233 : vector<16xf32>
        %add3A_235 = arith.constant 80 : i32
        %add3A_236 = vector.broadcast %add3A_235 : i32 to vector<16xi32>
        %add3A_237 = arith.addi %add3A_236, %iota3A : vector<16xi32>
        %mul3A_238 = arith.constant 48 : i32
        %mul3A_239 = vector.broadcast %mul3A_238 : i32 to vector<16xi32>
        %mul3A_240 = arith.muli %add3A_237, %mul3A_239 : vector<16xi32>
        %add3A_241 = vector.broadcast %scan3A_153 : i32 to vector<16xi32>
        %add3A_242 = arith.addi %mul3A_240, %add3A_241 : vector<16xi32>
        tpu.vector_store_idx %arg20[%add3A_242], %mul3A_234 : memref<6144xf32, #tpu.memory_space<vmem>>[vector<16xi32>], vector<16xf32>,
        %get3A_243 = arith.index_cast %scan3A_153 : i32 to index
        %get3A_244 = arith.constant 96 : index
        %get3A_245 = tpu.vector_load %arg17[%get3A_243, %get3A_244] {strides = array<i32>} : memref<40x128xf32, #tpu.memory_space<vmem>>, vector<16xf32>,
        %get3A_246 = arith.index_cast %scan3A_153 : i32 to index
        %get3A_247 = arith.constant 96 : index
        %get3A_248 = tpu.vector_load %arg18[%get3A_246, %get3A_247] {strides = array<i32>} : memref<40x128xf32, #tpu.memory_space<vmem>>, vector<16xf32>,
        %mul3A_249 = arith.mulf %get3A_245, %get3A_248 : vector<16xf32>
        %add3A_250 = arith.constant 96 : i32
        %add3A_251 = vector.broadcast %add3A_250 : i32 to vector<16xi32>
        %add3A_252 = arith.addi %add3A_251, %iota3A : vector<16xi32>
        %mul3A_253 = arith.constant 48 : i32
        %mul3A_254 = vector.broadcast %mul3A_253 : i32 to vector<16xi32>
        %mul3A_255 = arith.muli %add3A_252, %mul3A_254 : vector<16xi32>
        %add3A_256 = vector.broadcast %scan3A_153 : i32 to vector<16xi32>
        %add3A_257 = arith.addi %mul3A_255, %add3A_256 : vector<16xi32>
        tpu.vector_store_idx %arg20[%add3A_257], %mul3A_249 : memref<6144xf32, #tpu.memory_space<vmem>>[vector<16xi32>], vector<16xf32>,
        %get3A_258 = arith.index_cast %scan3A_153 : i32 to index
        %get3A_259 = arith.constant 112 : index
        %get3A_260 = tpu.vector_load %arg17[%get3A_258, %get3A_259] {strides = array<i32>} : memref<40x128xf32, #tpu.memory_space<vmem>>, vector<16xf32>,
        %get3A_261 = arith.index_cast %scan3A_153 : i32 to index
        %get3A_262 = arith.constant 112 : index
        %get3A_263 = tpu.vector_load %arg18[%get3A_261, %get3A_262] {strides = array<i32>} : memref<40x128xf32, #tpu.memory_space<vmem>>, vector<16xf32>,
        %mul3A_264 = arith.mulf %get3A_260, %get3A_263 : vector<16xf32>
        %add3A_265 = arith.constant 112 : i32
        %add3A_266 = vector.broadcast %add3A_265 : i32 to vector<16xi32>
        %add3A_267 = arith.addi %add3A_266, %iota3A : vector<16xi32>
        %mul3A_268 = arith.constant 48 : i32
        %mul3A_269 = vector.broadcast %mul3A_268 : i32 to vector<16xi32>
        %mul3A_270 = arith.muli %add3A_267, %mul3A_269 : vector<16xi32>
        %add3A_271 = vector.broadcast %scan3A_153 : i32 to vector<16xi32>
        %add3A_272 = arith.addi %mul3A_270, %add3A_271 : vector<16xi32>
        tpu.vector_store_idx %arg20[%add3A_272], %mul3A_264 : memref<6144xf32, #tpu.memory_space<vmem>>[vector<16xi32>], vector<16xf32>,
      }
      %scan3A_140 = arith.constant 40 : i32
      %scan3A_141 = arith.constant 0 : i32
      %scan3A_142 = arith.constant 0 : i32
      %scan3A_143 = arith.constant 24 : i32
      %scan3A_144 = arith.addi %scan3A_142, %scan3A_143 : i32
      %scan3A_145 = arith.constant 1 : i32
      scf.for %scan3A_153 = %scan3A_142 to %scan3A_144 step %scan3A_145  : i32 {
        %jit3A = arith.constant 8 : i32
        %div3A = arith.divsi %scan3A_153, %jit3A : i32
        %sign3A = arith.constant 0 : i32
        %sign3A_154 = arith.cmpi sgt, %scan3A_153, %sign3A : i32
        %sign3A_155 = arith.extui %sign3A_154 : i1 to i32
        %sign3A_156 = arith.constant 0 : i32
        %sign3A_157 = arith.cmpi slt, %scan3A_153, %sign3A_156 : i32
        %sign3A_158 = arith.extui %sign3A_157 : i1 to i32
        %sign3A_159 = arith.subi %sign3A_155, %sign3A_158 : i32
        %sign3A_160 = arith.constant 0 : i32
        %sign3A_161 = arith.cmpi sgt, %jit3A, %sign3A_160 : i32
        %sign3A_162 = arith.extui %sign3A_161 : i1 to i32
        %sign3A_163 = arith.constant 0 : i32
        %sign3A_164 = arith.cmpi slt, %jit3A, %sign3A_163 : i32
        %sign3A_165 = arith.extui %sign3A_164 : i1 to i32
        %sign3A_166 = arith.subi %sign3A_162, %sign3A_165 : i32
        %ne3A = arith.cmpi ne, %sign3A_159, %sign3A_166 : i32
        %rem3A = arith.remsi %scan3A_153, %jit3A : i32
        %ne3A_167 = arith.constant 0 : i32
        %ne3A_168 = arith.cmpi ne, %rem3A, %ne3A_167 : i32
        %and3A = arith.andi %ne3A, %ne3A_168 : i1
        %sub3A = arith.constant 1 : i32
        %sub3A_169 = arith.subi %div3A, %sub3A : i32
        %select_n3A = arith.select %and3A, %sub3A_169, %div3A : i32
        %jit3A_170 = arith.constant 8 : i32
        %eq3A = arith.constant 0 : i32
        %eq3A_171 = arith.cmpi eq, %jit3A_170, %eq3A : i32
        %jit3A_172 = arith.constant 1 : i32
        %select_n3A_173 = arith.select %eq3A_171, %jit3A_172, %jit3A_170 : i32
        %rem3A_174 = arith.remsi %scan3A_153, %select_n3A_173 : i32
        %ne3A_175 = arith.constant 0 : i32
        %ne3A_176 = arith.cmpi ne, %rem3A_174, %ne3A_175 : i32
        %lt3A = arith.constant 0 : i32
        %lt3A_177 = arith.cmpi slt, %rem3A_174, %lt3A : i32
        %lt3A_178 = arith.constant 0 : i32
        %lt3A_179 = arith.cmpi slt, %select_n3A_173, %lt3A_178 : i32
        %ne3A_180 = arith.xori %lt3A_177, %lt3A_179 : i1
        %and3A_181 = arith.andi %ne3A_180, %ne3A_176 : i1
        %add3A_182 = arith.addi %rem3A_174, %select_n3A_173 : i32
        %select_n3A_183 = arith.select %and3A_181, %add3A_182, %rem3A_174 : i32
        %broadcast_in_dim3A_184 = arith.constant 0.000000e+00 : f32
        %broadcast_in_dim3A_185 = vector.broadcast %broadcast_in_dim3A_184 : f32 to vector<16xf32>
        %mul3A_186 = arith.constant 16 : i32
        %mul3A_187 = arith.muli %select_n3A_183, %mul3A_186 : i32
        %add3A_188 = arith.constant 0 : i32
        %add3A_189 = arith.addi %mul3A_187, %add3A_188 : i32
        %mul3A_190 = arith.constant 48 : i32
        %mul3A_191 = arith.muli %add3A_189, %mul3A_190 : i32
        %mul3A_192 = arith.constant 16 : i32
        %mul3A_193 = arith.muli %select_n3A, %mul3A_192 : i32
        %add3A_194 = arith.addi %mul3A_191, %mul3A_193 : i32
        %get3A = arith.index_cast %add3A_194 : i32 to index
        %get3A_195 = tpu.vector_load %arg20[%get3A] {strides = array<i32>} : memref<6144xf32, #tpu.memory_space<vmem>>, vector<16xf32>,
        %add3A_196 = arith.addf %broadcast_in_dim3A_185, %get3A_195 : vector<16xf32>
        %mul3A_197 = arith.constant 16 : i32
        %mul3A_198 = arith.muli %select_n3A_183, %mul3A_197 : i32
        %add3A_199 = arith.constant 1 : i32
        %add3A_200 = arith.addi %mul3A_198, %add3A_199 : i32
        %mul3A_201 = arith.constant 48 : i32
        %mul3A_202 = arith.muli %add3A_200, %mul3A_201 : i32
        %mul3A_203 = arith.constant 16 : i32
        %mul3A_204 = arith.muli %select_n3A, %mul3A_203 : i32
        %add3A_205 = arith.addi %mul3A_202, %mul3A_204 : i32
        %get3A_206 = arith.index_cast %add3A_205 : i32 to index
        %get3A_207 = tpu.vector_load %arg20[%get3A_206] {strides = array<i32>} : memref<6144xf32, #tpu.memory_space<vmem>>, vector<16xf32>,
        %add3A_208 = arith.addf %add3A_196, %get3A_207 : vector<16xf32>
        %mul3A_209 = arith.constant 16 : i32
        %mul3A_210 = arith.muli %select_n3A_183, %mul3A_209 : i32
        %add3A_211 = arith.constant 2 : i32
        %add3A_212 = arith.addi %mul3A_210, %add3A_211 : i32
        %mul3A_213 = arith.constant 48 : i32
        %mul3A_214 = arith.muli %add3A_212, %mul3A_213 : i32
        %mul3A_215 = arith.constant 16 : i32
        %mul3A_216 = arith.muli %select_n3A, %mul3A_215 : i32
        %add3A_217 = arith.addi %mul3A_214, %mul3A_216 : i32
        %get3A_218 = arith.index_cast %add3A_217 : i32 to index
        %get3A_219 = tpu.vector_load %arg20[%get3A_218] {strides = array<i32>} : memref<6144xf32, #tpu.memory_space<vmem>>, vector<16xf32>,
        %add3A_220 = arith.addf %add3A_208, %get3A_219 : vector<16xf32>
        %mul3A_221 = arith.constant 16 : i32
        %mul3A_222 = arith.muli %select_n3A_183, %mul3A_221 : i32
        %add3A_223 = arith.constant 3 : i32
        %add3A_224 = arith.addi %mul3A_222, %add3A_223 : i32
        %mul3A_225 = arith.constant 48 : i32
        %mul3A_226 = arith.muli %add3A_224, %mul3A_225 : i32
        %mul3A_227 = arith.constant 16 : i32
        %mul3A_228 = arith.muli %select_n3A, %mul3A_227 : i32
        %add3A_229 = arith.addi %mul3A_226, %mul3A_228 : i32
        %get3A_230 = arith.index_cast %add3A_229 : i32 to index
        %get3A_231 = tpu.vector_load %arg20[%get3A_230] {strides = array<i32>} : memref<6144xf32, #tpu.memory_space<vmem>>, vector<16xf32>,
        %add3A_232 = arith.addf %add3A_220, %get3A_231 : vector<16xf32>
        %mul3A_233 = arith.constant 16 : i32
        %mul3A_234 = arith.muli %select_n3A_183, %mul3A_233 : i32
        %add3A_235 = arith.constant 4 : i32
        %add3A_236 = arith.addi %mul3A_234, %add3A_235 : i32
        %mul3A_237 = arith.constant 48 : i32
        %mul3A_238 = arith.muli %add3A_236, %mul3A_237 : i32
        %mul3A_239 = arith.constant 16 : i32
        %mul3A_240 = arith.muli %select_n3A, %mul3A_239 : i32
        %add3A_241 = arith.addi %mul3A_238, %mul3A_240 : i32
        %get3A_242 = arith.index_cast %add3A_241 : i32 to index
        %get3A_243 = tpu.vector_load %arg20[%get3A_242] {strides = array<i32>} : memref<6144xf32, #tpu.memory_space<vmem>>, vector<16xf32>,
        %add3A_244 = arith.addf %add3A_232, %get3A_243 : vector<16xf32>
        %mul3A_245 = arith.constant 16 : i32
        %mul3A_246 = arith.muli %select_n3A_183, %mul3A_245 : i32
        %add3A_247 = arith.constant 5 : i32
        %add3A_248 = arith.addi %mul3A_246, %add3A_247 : i32
        %mul3A_249 = arith.constant 48 : i32
        %mul3A_250 = arith.muli %add3A_248, %mul3A_249 : i32
        %mul3A_251 = arith.constant 16 : i32
        %mul3A_252 = arith.muli %select_n3A, %mul3A_251 : i32
        %add3A_253 = arith.addi %mul3A_250, %mul3A_252 : i32
        %get3A_254 = arith.index_cast %add3A_253 : i32 to index
        %get3A_255 = tpu.vector_load %arg20[%get3A_254] {strides = array<i32>} : memref<6144xf32, #tpu.memory_space<vmem>>, vector<16xf32>,
        %add3A_256 = arith.addf %add3A_244, %get3A_255 : vector<16xf32>
        %mul3A_257 = arith.constant 16 : i32
        %mul3A_258 = arith.muli %select_n3A_183, %mul3A_257 : i32
        %add3A_259 = arith.constant 6 : i32
        %add3A_260 = arith.addi %mul3A_258, %add3A_259 : i32
        %mul3A_261 = arith.constant 48 : i32
        %mul3A_262 = arith.muli %add3A_260, %mul3A_261 : i32
        %mul3A_263 = arith.constant 16 : i32
        %mul3A_264 = arith.muli %select_n3A, %mul3A_263 : i32
        %add3A_265 = arith.addi %mul3A_262, %mul3A_264 : i32
        %get3A_266 = arith.index_cast %add3A_265 : i32 to index
        %get3A_267 = tpu.vector_load %arg20[%get3A_266] {strides = array<i32>} : memref<6144xf32, #tpu.memory_space<vmem>>, vector<16xf32>,
        %add3A_268 = arith.addf %add3A_256, %get3A_267 : vector<16xf32>
        %mul3A_269 = arith.constant 16 : i32
        %mul3A_270 = arith.muli %select_n3A_183, %mul3A_269 : i32
        %add3A_271 = arith.constant 7 : i32
        %add3A_272 = arith.addi %mul3A_270, %add3A_271 : i32
        %mul3A_273 = arith.constant 48 : i32
        %mul3A_274 = arith.muli %add3A_272, %mul3A_273 : i32
        %mul3A_275 = arith.constant 16 : i32
        %mul3A_276 = arith.muli %select_n3A, %mul3A_275 : i32
        %add3A_277 = arith.addi %mul3A_274, %mul3A_276 : i32
        %get3A_278 = arith.index_cast %add3A_277 : i32 to index
        %get3A_279 = tpu.vector_load %arg20[%get3A_278] {strides = array<i32>} : memref<6144xf32, #tpu.memory_space<vmem>>, vector<16xf32>,
        %add3A_280 = arith.addf %add3A_268, %get3A_279 : vector<16xf32>
        %mul3A_281 = arith.constant 16 : i32
        %mul3A_282 = arith.muli %select_n3A_183, %mul3A_281 : i32
        %add3A_283 = arith.constant 8 : i32
        %add3A_284 = arith.addi %mul3A_282, %add3A_283 : i32
        %mul3A_285 = arith.constant 48 : i32
        %mul3A_286 = arith.muli %add3A_284, %mul3A_285 : i32
        %mul3A_287 = arith.constant 16 : i32
        %mul3A_288 = arith.muli %select_n3A, %mul3A_287 : i32
        %add3A_289 = arith.addi %mul3A_286, %mul3A_288 : i32
        %get3A_290 = arith.index_cast %add3A_289 : i32 to index
        %get3A_291 = tpu.vector_load %arg20[%get3A_290] {strides = array<i32>} : memref<6144xf32, #tpu.memory_space<vmem>>, vector<16xf32>,
        %add3A_292 = arith.addf %add3A_280, %get3A_291 : vector<16xf32>
        %mul3A_293 = arith.constant 16 : i32
        %mul3A_294 = arith.muli %select_n3A_183, %mul3A_293 : i32
        %add3A_295 = arith.constant 9 : i32
        %add3A_296 = arith.addi %mul3A_294, %add3A_295 : i32
        %mul3A_297 = arith.constant 48 : i32
        %mul3A_298 = arith.muli %add3A_296, %mul3A_297 : i32
        %mul3A_299 = arith.constant 16 : i32
        %mul3A_300 = arith.muli %select_n3A, %mul3A_299 : i32
        %add3A_301 = arith.addi %mul3A_298, %mul3A_300 : i32
        %get3A_302 = arith.index_cast %add3A_301 : i32 to index
        %get3A_303 = tpu.vector_load %arg20[%get3A_302] {strides = array<i32>} : memref<6144xf32, #tpu.memory_space<vmem>>, vector<16xf32>,
        %add3A_304 = arith.addf %add3A_292, %get3A_303 : vector<16xf32>
        %mul3A_305 = arith.constant 16 : i32
        %mul3A_306 = arith.muli %select_n3A_183, %mul3A_305 : i32
        %add3A_307 = arith.constant 10 : i32
        %add3A_308 = arith.addi %mul3A_306, %add3A_307 : i32
        %mul3A_309 = arith.constant 48 : i32
        %mul3A_310 = arith.muli %add3A_308, %mul3A_309 : i32
        %mul3A_311 = arith.constant 16 : i32
        %mul3A_312 = arith.muli %select_n3A, %mul3A_311 : i32
        %add3A_313 = arith.addi %mul3A_310, %mul3A_312 : i32
        %get3A_314 = arith.index_cast %add3A_313 : i32 to index
        %get3A_315 = tpu.vector_load %arg20[%get3A_314] {strides = array<i32>} : memref<6144xf32, #tpu.memory_space<vmem>>, vector<16xf32>,
        %add3A_316 = arith.addf %add3A_304, %get3A_315 : vector<16xf32>
        %mul3A_317 = arith.constant 16 : i32
        %mul3A_318 = arith.muli %select_n3A_183, %mul3A_317 : i32
        %add3A_319 = arith.constant 11 : i32
        %add3A_320 = arith.addi %mul3A_318, %add3A_319 : i32
        %mul3A_321 = arith.constant 48 : i32
        %mul3A_322 = arith.muli %add3A_320, %mul3A_321 : i32
        %mul3A_323 = arith.constant 16 : i32
        %mul3A_324 = arith.muli %select_n3A, %mul3A_323 : i32
        %add3A_325 = arith.addi %mul3A_322, %mul3A_324 : i32
        %get3A_326 = arith.index_cast %add3A_325 : i32 to index
        %get3A_327 = tpu.vector_load %arg20[%get3A_326] {strides = array<i32>} : memref<6144xf32, #tpu.memory_space<vmem>>, vector<16xf32>,
        %add3A_328 = arith.addf %add3A_316, %get3A_327 : vector<16xf32>
        %mul3A_329 = arith.constant 16 : i32
        %mul3A_330 = arith.muli %select_n3A_183, %mul3A_329 : i32
        %add3A_331 = arith.constant 12 : i32
        %add3A_332 = arith.addi %mul3A_330, %add3A_331 : i32
        %mul3A_333 = arith.constant 48 : i32
        %mul3A_334 = arith.muli %add3A_332, %mul3A_333 : i32
        %mul3A_335 = arith.constant 16 : i32
        %mul3A_336 = arith.muli %select_n3A, %mul3A_335 : i32
        %add3A_337 = arith.addi %mul3A_334, %mul3A_336 : i32
        %get3A_338 = arith.index_cast %add3A_337 : i32 to index
        %get3A_339 = tpu.vector_load %arg20[%get3A_338] {strides = array<i32>} : memref<6144xf32, #tpu.memory_space<vmem>>, vector<16xf32>,
        %add3A_340 = arith.addf %add3A_328, %get3A_339 : vector<16xf32>
        %mul3A_341 = arith.constant 16 : i32
        %mul3A_342 = arith.muli %select_n3A_183, %mul3A_341 : i32
        %add3A_343 = arith.constant 13 : i32
        %add3A_344 = arith.addi %mul3A_342, %add3A_343 : i32
        %mul3A_345 = arith.constant 48 : i32
        %mul3A_346 = arith.muli %add3A_344, %mul3A_345 : i32
        %mul3A_347 = arith.constant 16 : i32
        %mul3A_348 = arith.muli %select_n3A, %mul3A_347 : i32
        %add3A_349 = arith.addi %mul3A_346, %mul3A_348 : i32
        %get3A_350 = arith.index_cast %add3A_349 : i32 to index
        %get3A_351 = tpu.vector_load %arg20[%get3A_350] {strides = array<i32>} : memref<6144xf32, #tpu.memory_space<vmem>>, vector<16xf32>,
        %add3A_352 = arith.addf %add3A_340, %get3A_351 : vector<16xf32>
        %mul3A_353 = arith.constant 16 : i32
        %mul3A_354 = arith.muli %select_n3A_183, %mul3A_353 : i32
        %add3A_355 = arith.constant 14 : i32
        %add3A_356 = arith.addi %mul3A_354, %add3A_355 : i32
        %mul3A_357 = arith.constant 48 : i32
        %mul3A_358 = arith.muli %add3A_356, %mul3A_357 : i32
        %mul3A_359 = arith.constant 16 : i32
        %mul3A_360 = arith.muli %select_n3A, %mul3A_359 : i32
        %add3A_361 = arith.addi %mul3A_358, %mul3A_360 : i32
        %get3A_362 = arith.index_cast %add3A_361 : i32 to index
        %get3A_363 = tpu.vector_load %arg20[%get3A_362] {strides = array<i32>} : memref<6144xf32, #tpu.memory_space<vmem>>, vector<16xf32>,
        %add3A_364 = arith.addf %add3A_352, %get3A_363 : vector<16xf32>
        %mul3A_365 = arith.constant 16 : i32
        %mul3A_366 = arith.muli %select_n3A_183, %mul3A_365 : i32
        %add3A_367 = arith.constant 15 : i32
        %add3A_368 = arith.addi %mul3A_366, %add3A_367 : i32
        %mul3A_369 = arith.constant 48 : i32
        %mul3A_370 = arith.muli %add3A_368, %mul3A_369 : i32
        %mul3A_371 = arith.constant 16 : i32
        %mul3A_372 = arith.muli %select_n3A, %mul3A_371 : i32
        %add3A_373 = arith.addi %mul3A_370, %mul3A_372 : i32
        %get3A_374 = arith.index_cast %add3A_373 : i32 to index
        %get3A_375 = tpu.vector_load %arg20[%get3A_374] {strides = array<i32>} : memref<6144xf32, #tpu.memory_space<vmem>>, vector<16xf32>,
        %add3A_376 = arith.addf %add3A_364, %get3A_375 : vector<16xf32>
        %exp3A = math.exp %add3A_376 : vector<16xf32>
        %mul3A_377 = arith.constant 48 : i32
        %mul3A_378 = arith.muli %select_n3A_183, %mul3A_377 : i32
        %mul3A_379 = arith.constant 16 : i32
        %mul3A_380 = arith.muli %select_n3A, %mul3A_379 : i32
        %add3A_381 = arith.addi %mul3A_378, %mul3A_380 : i32
        %swap3A_382 = arith.index_cast %add3A_381 : i32 to index
        %swap3A_383 = tpu.vector_load %arg21[%swap3A_382] {strides = array<i32>} : memref<432xf32, #tpu.memory_space<vmem>>, vector<16xf32>,
        tpu.vector_store %arg21[%swap3A_382], %exp3A {strides = array<i32>} : memref<432xf32, #tpu.memory_space<vmem>>, vector<16xf32>,
      }
      %scan3A_146 = arith.constant 24 : i32
      %scan3A_147 = arith.constant 0 : i32
      %scan3A_148 = arith.constant 0 : i32
      %scan3A_149 = arith.constant 40 : i32
      %scan3A_150 = arith.addi %scan3A_148, %scan3A_149 : i32
      %scan3A_151 = arith.constant 1 : i32
      scf.for %scan3A_153 = %scan3A_148 to %scan3A_150 step %scan3A_151  : i32 {
        %broadcast_in_dim3A_154 = arith.constant 0 : i32
        %broadcast_in_dim3A_155 = vector.broadcast %broadcast_in_dim3A_154 : i32 to vector<16xi32>
        %add3A_156 = vector.broadcast %scan3A_153 : i32 to vector<16xi32>
        %add3A_157 = arith.addi %broadcast_in_dim3A_155, %add3A_156 : vector<16xi32>
        %gather3A = tpu.vector_load_idx %arg15[%add3A_157] : memref<40xi32, #tpu.memory_space<vmem>>[vector<16xi32>], vector<16xi32>,
        %broadcast_in_dim3A_158 = arith.constant 0 : i32
        %broadcast_in_dim3A_159 = vector.broadcast %broadcast_in_dim3A_158 : i32 to vector<16xi32>
        %add3A_160 = vector.broadcast %scan3A_153 : i32 to vector<16xi32>
        %add3A_161 = arith.addi %broadcast_in_dim3A_159, %add3A_160 : vector<16xi32>
        %gather3A_162 = tpu.vector_load_idx %arg16[%add3A_161] : memref<40xi32, #tpu.memory_space<vmem>>[vector<16xi32>], vector<16xi32>,
        %ge3A = arith.cmpi sge, %iota3A, %gather3A_162 : vector<16xi32>
        %add3A_163 = arith.constant 8 : i32
        %add3A_164 = vector.broadcast %add3A_163 : i32 to vector<16xi32>
        %add3A_165 = arith.addi %gather3A_162, %add3A_164 : vector<16xi32>
        %lt3A = arith.cmpi slt, %iota3A, %add3A_165 : vector<16xi32>
        %and3A = arith.andi %ge3A, %lt3A : vector<16xi1>
        %sub3A = arith.subi %iota3A, %gather3A_162 : vector<16xi32>
        %jit3A = arith.constant 8 : i32
        %broadcast_in_dim3A_166 = vector.broadcast %jit3A : i32 to vector<16xi32>
        %select_n3A = arith.select %and3A, %sub3A, %broadcast_in_dim3A_166 : vector<16xi1>, vector<16xi32>
        %mul3A_167 = arith.constant 48 : i32
        %mul3A_168 = vector.broadcast %mul3A_167 : i32 to vector<16xi32>
        %mul3A_169 = arith.muli %select_n3A, %mul3A_168 : vector<16xi32>
        %add3A_170 = vector.broadcast %scan3A_153 : i32 to vector<16xi32>
        %add3A_171 = arith.addi %mul3A_169, %add3A_170 : vector<16xi32>
        %gather3A_172 = tpu.vector_load_idx %arg21[%add3A_171] : memref<432xf32, #tpu.memory_space<vmem>>[vector<16xi32>], vector<16xf32>,
        %eq3A = arith.constant 0 : i32
        %eq3A_173 = vector.broadcast %eq3A : i32 to vector<16xi32>
        %eq3A_174 = arith.cmpi eq, %gather3A, %eq3A_173 : vector<16xi32>
        %select_n3A_175 = arith.select %eq3A_174, %gather3A_172, %broadcast_in_dim3A_1 : vector<16xi1>, vector<16xf32>
        %swap3A_176 = arith.index_cast %scan3A_153 : i32 to index
        %swap3A_177 = arith.constant 0 : index
        %swap3A_178 = tpu.vector_load %arg23[%swap3A_176, %swap3A_177] {strides = array<i32>} : memref<40x128xf32, #tpu.memory_space<vmem>>, vector<16xf32>,
        tpu.vector_store %arg23[%swap3A_176, %swap3A_177], %select_n3A_175 {strides = array<i32>} : memref<40x128xf32, #tpu.memory_space<vmem>>, vector<16xf32>,
        %eq3A_179 = arith.constant 16 : i32
        %eq3A_180 = vector.broadcast %eq3A_179 : i32 to vector<16xi32>
        %eq3A_181 = arith.cmpi eq, %gather3A, %eq3A_180 : vector<16xi32>
        %select_n3A_182 = arith.select %eq3A_181, %gather3A_172, %broadcast_in_dim3A_1 : vector<16xi1>, vector<16xf32>
        %swap3A_183 = arith.index_cast %scan3A_153 : i32 to index
        %swap3A_184 = arith.constant 16 : index
        %swap3A_185 = tpu.vector_load %arg23[%swap3A_183, %swap3A_184] {strides = array<i32>} : memref<40x128xf32, #tpu.memory_space<vmem>>, vector<16xf32>,
        tpu.vector_store %arg23[%swap3A_183, %swap3A_184], %select_n3A_182 {strides = array<i32>} : memref<40x128xf32, #tpu.memory_space<vmem>>, vector<16xf32>,
        %eq3A_186 = arith.constant 32 : i32
        %eq3A_187 = vector.broadcast %eq3A_186 : i32 to vector<16xi32>
        %eq3A_188 = arith.cmpi eq, %gather3A, %eq3A_187 : vector<16xi32>
        %select_n3A_189 = arith.select %eq3A_188, %gather3A_172, %broadcast_in_dim3A_1 : vector<16xi1>, vector<16xf32>
        %swap3A_190 = arith.index_cast %scan3A_153 : i32 to index
        %swap3A_191 = arith.constant 32 : index
        %swap3A_192 = tpu.vector_load %arg23[%swap3A_190, %swap3A_191] {strides = array<i32>} : memref<40x128xf32, #tpu.memory_space<vmem>>, vector<16xf32>,
        tpu.vector_store %arg23[%swap3A_190, %swap3A_191], %select_n3A_189 {strides = array<i32>} : memref<40x128xf32, #tpu.memory_space<vmem>>, vector<16xf32>,
        %eq3A_193 = arith.constant 48 : i32
        %eq3A_194 = vector.broadcast %eq3A_193 : i32 to vector<16xi32>
        %eq3A_195 = arith.cmpi eq, %gather3A, %eq3A_194 : vector<16xi32>
        %select_n3A_196 = arith.select %eq3A_195, %gather3A_172, %broadcast_in_dim3A_1 : vector<16xi1>, vector<16xf32>
        %swap3A_197 = arith.index_cast %scan3A_153 : i32 to index
        %swap3A_198 = arith.constant 48 : index
        %swap3A_199 = tpu.vector_load %arg23[%swap3A_197, %swap3A_198] {strides = array<i32>} : memref<40x128xf32, #tpu.memory_space<vmem>>, vector<16xf32>,
        tpu.vector_store %arg23[%swap3A_197, %swap3A_198], %select_n3A_196 {strides = array<i32>} : memref<40x128xf32, #tpu.memory_space<vmem>>, vector<16xf32>,
        %eq3A_200 = arith.constant 64 : i32
        %eq3A_201 = vector.broadcast %eq3A_200 : i32 to vector<16xi32>
        %eq3A_202 = arith.cmpi eq, %gather3A, %eq3A_201 : vector<16xi32>
        %select_n3A_203 = arith.select %eq3A_202, %gather3A_172, %broadcast_in_dim3A_1 : vector<16xi1>, vector<16xf32>
        %swap3A_204 = arith.index_cast %scan3A_153 : i32 to index
        %swap3A_205 = arith.constant 64 : index
        %swap3A_206 = tpu.vector_load %arg23[%swap3A_204, %swap3A_205] {strides = array<i32>} : memref<40x128xf32, #tpu.memory_space<vmem>>, vector<16xf32>,
        tpu.vector_store %arg23[%swap3A_204, %swap3A_205], %select_n3A_203 {strides = array<i32>} : memref<40x128xf32, #tpu.memory_space<vmem>>, vector<16xf32>,
        %eq3A_207 = arith.constant 80 : i32
        %eq3A_208 = vector.broadcast %eq3A_207 : i32 to vector<16xi32>
        %eq3A_209 = arith.cmpi eq, %gather3A, %eq3A_208 : vector<16xi32>
        %select_n3A_210 = arith.select %eq3A_209, %gather3A_172, %broadcast_in_dim3A_1 : vector<16xi1>, vector<16xf32>
        %swap3A_211 = arith.index_cast %scan3A_153 : i32 to index
        %swap3A_212 = arith.constant 80 : index
        %swap3A_213 = tpu.vector_load %arg23[%swap3A_211, %swap3A_212] {strides = array<i32>} : memref<40x128xf32, #tpu.memory_space<vmem>>, vector<16xf32>,
        tpu.vector_store %arg23[%swap3A_211, %swap3A_212], %select_n3A_210 {strides = array<i32>} : memref<40x128xf32, #tpu.memory_space<vmem>>, vector<16xf32>,
        %eq3A_214 = arith.constant 96 : i32
        %eq3A_215 = vector.broadcast %eq3A_214 : i32 to vector<16xi32>
        %eq3A_216 = arith.cmpi eq, %gather3A, %eq3A_215 : vector<16xi32>
        %select_n3A_217 = arith.select %eq3A_216, %gather3A_172, %broadcast_in_dim3A_1 : vector<16xi1>, vector<16xf32>
        %swap3A_218 = arith.index_cast %scan3A_153 : i32 to index
        %swap3A_219 = arith.constant 96 : index
        %swap3A_220 = tpu.vector_load %arg23[%swap3A_218, %swap3A_219] {strides = array<i32>} : memref<40x128xf32, #tpu.memory_space<vmem>>, vector<16xf32>,
        tpu.vector_store %arg23[%swap3A_218, %swap3A_219], %select_n3A_217 {strides = array<i32>} : memref<40x128xf32, #tpu.memory_space<vmem>>, vector<16xf32>,
        %eq3A_221 = arith.constant 112 : i32
        %eq3A_222 = vector.broadcast %eq3A_221 : i32 to vector<16xi32>
        %eq3A_223 = arith.cmpi eq, %gather3A, %eq3A_222 : vector<16xi32>
        %select_n3A_224 = arith.select %eq3A_223, %gather3A_172, %broadcast_in_dim3A_1 : vector<16xi1>, vector<16xf32>
        %swap3A_225 = arith.index_cast %scan3A_153 : i32 to index
        %swap3A_226 = arith.constant 112 : index
        %swap3A_227 = tpu.vector_load %arg23[%swap3A_225, %swap3A_226] {strides = array<i32>} : memref<40x128xf32, #tpu.memory_space<vmem>>, vector<16xf32>,
        tpu.vector_store %arg23[%swap3A_225, %swap3A_226], %select_n3A_224 {strides = array<i32>} : memref<40x128xf32, #tpu.memory_space<vmem>>, vector<16xf32>,
        %broadcast_in_dim3A_228 = arith.constant 0 : i32
        %broadcast_in_dim3A_229 = vector.broadcast %broadcast_in_dim3A_228 : i32 to vector<16xi32>
        %add3A_230 = vector.broadcast %scan3A_153 : i32 to vector<16xi32>
        %add3A_231 = arith.addi %broadcast_in_dim3A_229, %add3A_230 : vector<16xi32>
        %gather3A_232 = tpu.vector_load_idx %arg21[%add3A_231] : memref<432xf32, #tpu.memory_space<vmem>>[vector<16xi32>], vector<16xf32>,
        %get3A = arith.index_cast %scan3A_153 : i32 to index
        %get3A_233 = arith.constant 0 : index
        %get3A_234 = tpu.vector_load %arg19[%get3A, %get3A_233] {strides = array<i32>} : memref<40x128xf32, #tpu.memory_space<vmem>>, vector<16xf32>,
        %mul3A_235 = arith.mulf %get3A_234, %gather3A_232 : vector<16xf32>
        %swap3A_236 = arith.index_cast %scan3A_153 : i32 to index
        %swap3A_237 = arith.constant 0 : index
        %swap3A_238 = tpu.vector_load %arg22[%swap3A_236, %swap3A_237] {strides = array<i32>} : memref<40x128xf32, #tpu.memory_space<vmem>>, vector<16xf32>,
        tpu.vector_store %arg22[%swap3A_236, %swap3A_237], %mul3A_235 {strides = array<i32>} : memref<40x128xf32, #tpu.memory_space<vmem>>, vector<16xf32>,
        %broadcast_in_dim3A_239 = arith.constant 48 : i32
        %broadcast_in_dim3A_240 = vector.broadcast %broadcast_in_dim3A_239 : i32 to vector<16xi32>
        %add3A_241 = vector.broadcast %scan3A_153 : i32 to vector<16xi32>
        %add3A_242 = arith.addi %broadcast_in_dim3A_240, %add3A_241 : vector<16xi32>
        %gather3A_243 = tpu.vector_load_idx %arg21[%add3A_242] : memref<432xf32, #tpu.memory_space<vmem>>[vector<16xi32>], vector<16xf32>,
        %get3A_244 = arith.index_cast %scan3A_153 : i32 to index
        %get3A_245 = arith.constant 16 : index
        %get3A_246 = tpu.vector_load %arg19[%get3A_244, %get3A_245] {strides = array<i32>} : memref<40x128xf32, #tpu.memory_space<vmem>>, vector<16xf32>,
        %mul3A_247 = arith.mulf %get3A_246, %gather3A_243 : vector<16xf32>
        %swap3A_248 = arith.index_cast %scan3A_153 : i32 to index
        %swap3A_249 = arith.constant 16 : index
        %swap3A_250 = tpu.vector_load %arg22[%swap3A_248, %swap3A_249] {strides = array<i32>} : memref<40x128xf32, #tpu.memory_space<vmem>>, vector<16xf32>,
        tpu.vector_store %arg22[%swap3A_248, %swap3A_249], %mul3A_247 {strides = array<i32>} : memref<40x128xf32, #tpu.memory_space<vmem>>, vector<16xf32>,
        %broadcast_in_dim3A_251 = arith.constant 96 : i32
        %broadcast_in_dim3A_252 = vector.broadcast %broadcast_in_dim3A_251 : i32 to vector<16xi32>
        %add3A_253 = vector.broadcast %scan3A_153 : i32 to vector<16xi32>
        %add3A_254 = arith.addi %broadcast_in_dim3A_252, %add3A_253 : vector<16xi32>
        %gather3A_255 = tpu.vector_load_idx %arg21[%add3A_254] : memref<432xf32, #tpu.memory_space<vmem>>[vector<16xi32>], vector<16xf32>,
        %get3A_256 = arith.index_cast %scan3A_153 : i32 to index
        %get3A_257 = arith.constant 32 : index
        %get3A_258 = tpu.vector_load %arg19[%get3A_256, %get3A_257] {strides = array<i32>} : memref<40x128xf32, #tpu.memory_space<vmem>>, vector<16xf32>,
        %mul3A_259 = arith.mulf %get3A_258, %gather3A_255 : vector<16xf32>
        %swap3A_260 = arith.index_cast %scan3A_153 : i32 to index
        %swap3A_261 = arith.constant 32 : index
        %swap3A_262 = tpu.vector_load %arg22[%swap3A_260, %swap3A_261] {strides = array<i32>} : memref<40x128xf32, #tpu.memory_space<vmem>>, vector<16xf32>,
        tpu.vector_store %arg22[%swap3A_260, %swap3A_261], %mul3A_259 {strides = array<i32>} : memref<40x128xf32, #tpu.memory_space<vmem>>, vector<16xf32>,
        %broadcast_in_dim3A_263 = arith.constant 144 : i32
        %broadcast_in_dim3A_264 = vector.broadcast %broadcast_in_dim3A_263 : i32 to vector<16xi32>
        %add3A_265 = vector.broadcast %scan3A_153 : i32 to vector<16xi32>
        %add3A_266 = arith.addi %broadcast_in_dim3A_264, %add3A_265 : vector<16xi32>
        %gather3A_267 = tpu.vector_load_idx %arg21[%add3A_266] : memref<432xf32, #tpu.memory_space<vmem>>[vector<16xi32>], vector<16xf32>,
        %get3A_268 = arith.index_cast %scan3A_153 : i32 to index
        %get3A_269 = arith.constant 48 : index
        %get3A_270 = tpu.vector_load %arg19[%get3A_268, %get3A_269] {strides = array<i32>} : memref<40x128xf32, #tpu.memory_space<vmem>>, vector<16xf32>,
        %mul3A_271 = arith.mulf %get3A_270, %gather3A_267 : vector<16xf32>
        %swap3A_272 = arith.index_cast %scan3A_153 : i32 to index
        %swap3A_273 = arith.constant 48 : index
        %swap3A_274 = tpu.vector_load %arg22[%swap3A_272, %swap3A_273] {strides = array<i32>} : memref<40x128xf32, #tpu.memory_space<vmem>>, vector<16xf32>,
        tpu.vector_store %arg22[%swap3A_272, %swap3A_273], %mul3A_271 {strides = array<i32>} : memref<40x128xf32, #tpu.memory_space<vmem>>, vector<16xf32>,
        %broadcast_in_dim3A_275 = arith.constant 192 : i32
        %broadcast_in_dim3A_276 = vector.broadcast %broadcast_in_dim3A_275 : i32 to vector<16xi32>
        %add3A_277 = vector.broadcast %scan3A_153 : i32 to vector<16xi32>
        %add3A_278 = arith.addi %broadcast_in_dim3A_276, %add3A_277 : vector<16xi32>
        %gather3A_279 = tpu.vector_load_idx %arg21[%add3A_278] : memref<432xf32, #tpu.memory_space<vmem>>[vector<16xi32>], vector<16xf32>,
        %get3A_280 = arith.index_cast %scan3A_153 : i32 to index
        %get3A_281 = arith.constant 64 : index
        %get3A_282 = tpu.vector_load %arg19[%get3A_280, %get3A_281] {strides = array<i32>} : memref<40x128xf32, #tpu.memory_space<vmem>>, vector<16xf32>,
        %mul3A_283 = arith.mulf %get3A_282, %gather3A_279 : vector<16xf32>
        %swap3A_284 = arith.index_cast %scan3A_153 : i32 to index
        %swap3A_285 = arith.constant 64 : index
        %swap3A_286 = tpu.vector_load %arg22[%swap3A_284, %swap3A_285] {strides = array<i32>} : memref<40x128xf32, #tpu.memory_space<vmem>>, vector<16xf32>,
        tpu.vector_store %arg22[%swap3A_284, %swap3A_285], %mul3A_283 {strides = array<i32>} : memref<40x128xf32, #tpu.memory_space<vmem>>, vector<16xf32>,
        %broadcast_in_dim3A_287 = arith.constant 240 : i32
        %broadcast_in_dim3A_288 = vector.broadcast %broadcast_in_dim3A_287 : i32 to vector<16xi32>
        %add3A_289 = vector.broadcast %scan3A_153 : i32 to vector<16xi32>
        %add3A_290 = arith.addi %broadcast_in_dim3A_288, %add3A_289 : vector<16xi32>
        %gather3A_291 = tpu.vector_load_idx %arg21[%add3A_290] : memref<432xf32, #tpu.memory_space<vmem>>[vector<16xi32>], vector<16xf32>,
        %get3A_292 = arith.index_cast %scan3A_153 : i32 to index
        %get3A_293 = arith.constant 80 : index
        %get3A_294 = tpu.vector_load %arg19[%get3A_292, %get3A_293] {strides = array<i32>} : memref<40x128xf32, #tpu.memory_space<vmem>>, vector<16xf32>,
        %mul3A_295 = arith.mulf %get3A_294, %gather3A_291 : vector<16xf32>
        %swap3A_296 = arith.index_cast %scan3A_153 : i32 to index
        %swap3A_297 = arith.constant 80 : index
        %swap3A_298 = tpu.vector_load %arg22[%swap3A_296, %swap3A_297] {strides = array<i32>} : memref<40x128xf32, #tpu.memory_space<vmem>>, vector<16xf32>,
        tpu.vector_store %arg22[%swap3A_296, %swap3A_297], %mul3A_295 {strides = array<i32>} : memref<40x128xf32, #tpu.memory_space<vmem>>, vector<16xf32>,
        %broadcast_in_dim3A_299 = arith.constant 288 : i32
        %broadcast_in_dim3A_300 = vector.broadcast %broadcast_in_dim3A_299 : i32 to vector<16xi32>
        %add3A_301 = vector.broadcast %scan3A_153 : i32 to vector<16xi32>
        %add3A_302 = arith.addi %broadcast_in_dim3A_300, %add3A_301 : vector<16xi32>
        %gather3A_303 = tpu.vector_load_idx %arg21[%add3A_302] : memref<432xf32, #tpu.memory_space<vmem>>[vector<16xi32>], vector<16xf32>,
        %get3A_304 = arith.index_cast %scan3A_153 : i32 to index
        %get3A_305 = arith.constant 96 : index
        %get3A_306 = tpu.vector_load %arg19[%get3A_304, %get3A_305] {strides = array<i32>} : memref<40x128xf32, #tpu.memory_space<vmem>>, vector<16xf32>,
        %mul3A_307 = arith.mulf %get3A_306, %gather3A_303 : vector<16xf32>
        %swap3A_308 = arith.index_cast %scan3A_153 : i32 to index
        %swap3A_309 = arith.constant 96 : index
        %swap3A_310 = tpu.vector_load %arg22[%swap3A_308, %swap3A_309] {strides = array<i32>} : memref<40x128xf32, #tpu.memory_space<vmem>>, vector<16xf32>,
        tpu.vector_store %arg22[%swap3A_308, %swap3A_309], %mul3A_307 {strides = array<i32>} : memref<40x128xf32, #tpu.memory_space<vmem>>, vector<16xf32>,
        %broadcast_in_dim3A_311 = arith.constant 336 : i32
        %broadcast_in_dim3A_312 = vector.broadcast %broadcast_in_dim3A_311 : i32 to vector<16xi32>
        %add3A_313 = vector.broadcast %scan3A_153 : i32 to vector<16xi32>
        %add3A_314 = arith.addi %broadcast_in_dim3A_312, %add3A_313 : vector<16xi32>
        %gather3A_315 = tpu.vector_load_idx %arg21[%add3A_314] : memref<432xf32, #tpu.memory_space<vmem>>[vector<16xi32>], vector<16xf32>,
        %get3A_316 = arith.index_cast %scan3A_153 : i32 to index
        %get3A_317 = arith.constant 112 : index
        %get3A_318 = tpu.vector_load %arg19[%get3A_316, %get3A_317] {strides = array<i32>} : memref<40x128xf32, #tpu.memory_space<vmem>>, vector<16xf32>,
        %mul3A_319 = arith.mulf %get3A_318, %gather3A_315 : vector<16xf32>
        %swap3A_320 = arith.index_cast %scan3A_153 : i32 to index
        %swap3A_321 = arith.constant 112 : index
        %swap3A_322 = tpu.vector_load %arg22[%swap3A_320, %swap3A_321] {strides = array<i32>} : memref<40x128xf32, #tpu.memory_space<vmem>>, vector<16xf32>,
        tpu.vector_store %arg22[%swap3A_320, %swap3A_321], %mul3A_319 {strides = array<i32>} : memref<40x128xf32, #tpu.memory_space<vmem>>, vector<16xf32>,
      }
      %scan3A_152 = arith.constant 40 : i32
      "tpu.region"() ({
        %run_scoped3A = tpu.sem_alloc : memref<!tpu.dma_semaphore, #tpu.memory_space<semaphore_mem>>
        %dma_start3A_153 = arith.constant 0 : i32
        %dma_start3A_154 = arith.constant 0 : i32
        %dma_start3A_155 = tpu.memref_slice %arg24[%dma_start3A_153, %dma_start3A_154] : memref<10240x128xf32, #tpu.memory_space<vmem_shared>> -> memref<10240x128xf32, #tpu.memory_space<vmem_shared>>
        tpu.enqueue_indirect_dma source(%arg22 : memref<40x128xf32, #tpu.memory_space<vmem>>) target(%dma_start3A_155 : memref<10240x128xf32, #tpu.memory_space<vmem_shared>>) offsets(%arg13 : memref<40xi32, #tpu.memory_space<vmem>>) semaphore(%run_scoped3A : memref<!tpu.dma_semaphore, #tpu.memory_space<semaphore_mem>>) {add = true}
        %dma_wait3A_156 = arith.constant 0 : i32
        %dma_wait3A_157 = arith.constant 0 : i32
        %dma_wait3A_158 = tpu.memref_slice %arg24[%dma_wait3A_156, %dma_wait3A_157] : memref<10240x128xf32, #tpu.memory_space<vmem_shared>> -> memref<10240x128xf32, #tpu.memory_space<vmem_shared>>
        tpu.wait_indirect_dma semaphore(%run_scoped3A : memref<!tpu.dma_semaphore, #tpu.memory_space<semaphore_mem>>) src(%arg22 : memref<40x128xf32, #tpu.memory_space<vmem>>) dst(%dma_wait3A_158 : memref<10240x128xf32, #tpu.memory_space<vmem_shared>>)
        tpu.yield
      }) : () -> ()
      "tpu.region"() ({
        %run_scoped3A = tpu.sem_alloc : memref<!tpu.dma_semaphore, #tpu.memory_space<semaphore_mem>>
        %dma_start3A_153 = arith.constant 0 : i32
        %dma_start3A_154 = arith.constant 0 : i32
        %dma_start3A_155 = tpu.memref_slice %arg25[%dma_start3A_153, %dma_start3A_154] : memref<640x128xf32, #tpu.memory_space<vmem_shared>> -> memref<640x128xf32, #tpu.memory_space<vmem_shared>>
        tpu.enqueue_indirect_dma source(%arg23 : memref<40x128xf32, #tpu.memory_space<vmem>>) target(%dma_start3A_155 : memref<640x128xf32, #tpu.memory_space<vmem_shared>>) offsets(%arg14 : memref<40xi32, #tpu.memory_space<vmem>>) semaphore(%run_scoped3A : memref<!tpu.dma_semaphore, #tpu.memory_space<semaphore_mem>>) {add = true}
        %dma_wait3A_156 = arith.constant 0 : i32
        %dma_wait3A_157 = arith.constant 0 : i32
        %dma_wait3A_158 = tpu.memref_slice %arg25[%dma_wait3A_156, %dma_wait3A_157] : memref<640x128xf32, #tpu.memory_space<vmem_shared>> -> memref<640x128xf32, #tpu.memory_space<vmem_shared>>
        tpu.wait_indirect_dma semaphore(%run_scoped3A : memref<!tpu.dma_semaphore, #tpu.memory_space<semaphore_mem>>) src(%arg23 : memref<40x128xf32, #tpu.memory_space<vmem>>) dst(%dma_wait3A_158 : memref<640x128xf32, #tpu.memory_space<vmem_shared>>)
        tpu.yield
      }) : () -> ()
    }
    %scan3A_55 = arith.constant 250 : i32
    %barrier3A_56 = arith.constant 0 : index
    tpu.barrier barrier_id(%barrier3A_56)
    %add3A_57 = arith.constant 0 : i32
    %add3A_58 = arith.addi %mul3A_13, %add3A_57 : i32
    "tpu.region"() ({
      %run_scoped3A = tpu.sem_alloc : memref<!tpu.dma_semaphore, #tpu.memory_space<semaphore_mem>>
      %dma_start3A = arith.constant 0 : i32
      %dma_start3A_91 = tpu.memref_slice %arg24[%add3A_58, %dma_start3A] : memref<10240x128xf32, #tpu.memory_space<vmem_shared>> -> memref<40x128xf32, #tpu.memory_space<vmem_shared>>
      %dma_start3A_92 = arith.constant 0 : i32
      %dma_start3A_93 = tpu.memref_slice %arg24[%add3A_58, %dma_start3A_92] : memref<10240x128xf32, #tpu.memory_space<vmem_shared>> -> memref<40x128xf32, #tpu.memory_space<vmem_shared>>
      tpu.enqueue_dma source(%dma_start3A_93 : memref<40x128xf32, #tpu.memory_space<vmem_shared>>) target(%arg22 : memref<40x128xf32, #tpu.memory_space<vmem>>) target_semaphore(%run_scoped3A : memref<!tpu.dma_semaphore, #tpu.memory_space<semaphore_mem>>)
      %dma_wait3A = arith.constant 0 : i32
      %dma_wait3A_94 = tpu.memref_slice %arg24[%add3A_58, %dma_wait3A] : memref<10240x128xf32, #tpu.memory_space<vmem_shared>> -> memref<40x128xf32, #tpu.memory_space<vmem_shared>>
      %dma_wait3A_95 = arith.constant 0 : i32
      %dma_wait3A_96 = tpu.memref_slice %arg24[%add3A_58, %dma_wait3A_95] : memref<10240x128xf32, #tpu.memory_space<vmem_shared>> -> memref<40x128xf32, #tpu.memory_space<vmem_shared>>
      tpu.wait_dma2 semaphore(%run_scoped3A : memref<!tpu.dma_semaphore, #tpu.memory_space<semaphore_mem>>) src(%dma_wait3A_96 : memref<40x128xf32, #tpu.memory_space<vmem_shared>>) dst(%arg22 : memref<40x128xf32, #tpu.memory_space<vmem>>)
      tpu.yield
    }) : () -> ()
    "tpu.region"() ({
      %run_scoped3A = tpu.sem_alloc : memref<!tpu.dma_semaphore, #tpu.memory_space<semaphore_mem>>
      %dma_start3A = arith.constant 0 : i32
      %dma_start3A_91 = tpu.memref_slice %arg10[%arg0, %add3A_58, %dma_start3A] : memref<2x10240x128xf32, #tpu.memory_space<hbm>> -> memref<1x40x128xf32, #tpu.memory_space<hbm>>
      %dma_start3A_92 = tpu.memref_squeeze %dma_start3A_91 : memref<1x40x128xf32, #tpu.memory_space<hbm>> -> memref<40x128xf32, #tpu.memory_space<hbm>>
      %dma_start3A_93 = arith.constant 0 : i32
      %dma_start3A_94 = tpu.memref_slice %arg10[%arg0, %add3A_58, %dma_start3A_93] : memref<2x10240x128xf32, #tpu.memory_space<hbm>> -> memref<1x40x128xf32, #tpu.memory_space<hbm>>
      %dma_start3A_95 = tpu.memref_squeeze %dma_start3A_94 : memref<1x40x128xf32, #tpu.memory_space<hbm>> -> memref<40x128xf32, #tpu.memory_space<hbm>>
      tpu.enqueue_dma source(%arg22 : memref<40x128xf32, #tpu.memory_space<vmem>>) target(%dma_start3A_95 : memref<40x128xf32, #tpu.memory_space<hbm>>) target_semaphore(%run_scoped3A : memref<!tpu.dma_semaphore, #tpu.memory_space<semaphore_mem>>)
      %dma_wait3A = arith.constant 0 : i32
      %dma_wait3A_96 = tpu.memref_slice %arg10[%arg0, %add3A_58, %dma_wait3A] : memref<2x10240x128xf32, #tpu.memory_space<hbm>> -> memref<1x40x128xf32, #tpu.memory_space<hbm>>
      %dma_wait3A_97 = tpu.memref_squeeze %dma_wait3A_96 : memref<1x40x128xf32, #tpu.memory_space<hbm>> -> memref<40x128xf32, #tpu.memory_space<hbm>>
      %dma_wait3A_98 = arith.constant 0 : i32
      %dma_wait3A_99 = tpu.memref_slice %arg10[%arg0, %add3A_58, %dma_wait3A_98] : memref<2x10240x128xf32, #tpu.memory_space<hbm>> -> memref<1x40x128xf32, #tpu.memory_space<hbm>>
      %dma_wait3A_100 = tpu.memref_squeeze %dma_wait3A_99 : memref<1x40x128xf32, #tpu.memory_space<hbm>> -> memref<40x128xf32, #tpu.memory_space<hbm>>
      tpu.wait_dma2 semaphore(%run_scoped3A : memref<!tpu.dma_semaphore, #tpu.memory_space<semaphore_mem>>) src(%arg22 : memref<40x128xf32, #tpu.memory_space<vmem>>) dst(%dma_wait3A_100 : memref<40x128xf32, #tpu.memory_space<hbm>>)
      tpu.yield
    }) : () -> ()
    %add3A_59 = arith.constant 40 : i32
    %add3A_60 = arith.addi %mul3A_13, %add3A_59 : i32
    "tpu.region"() ({
      %run_scoped3A = tpu.sem_alloc : memref<!tpu.dma_semaphore, #tpu.memory_space<semaphore_mem>>
      %dma_start3A = arith.constant 0 : i32
      %dma_start3A_91 = tpu.memref_slice %arg24[%add3A_60, %dma_start3A] : memref<10240x128xf32, #tpu.memory_space<vmem_shared>> -> memref<40x128xf32, #tpu.memory_space<vmem_shared>>
      %dma_start3A_92 = arith.constant 0 : i32
      %dma_start3A_93 = tpu.memref_slice %arg24[%add3A_60, %dma_start3A_92] : memref<10240x128xf32, #tpu.memory_space<vmem_shared>> -> memref<40x128xf32, #tpu.memory_space<vmem_shared>>
      tpu.enqueue_dma source(%dma_start3A_93 : memref<40x128xf32, #tpu.memory_space<vmem_shared>>) target(%arg22 : memref<40x128xf32, #tpu.memory_space<vmem>>) target_semaphore(%run_scoped3A : memref<!tpu.dma_semaphore, #tpu.memory_space<semaphore_mem>>)
      %dma_wait3A = arith.constant 0 : i32
      %dma_wait3A_94 = tpu.memref_slice %arg24[%add3A_60, %dma_wait3A] : memref<10240x128xf32, #tpu.memory_space<vmem_shared>> -> memref<40x128xf32, #tpu.memory_space<vmem_shared>>
      %dma_wait3A_95 = arith.constant 0 : i32
      %dma_wait3A_96 = tpu.memref_slice %arg24[%add3A_60, %dma_wait3A_95] : memref<10240x128xf32, #tpu.memory_space<vmem_shared>> -> memref<40x128xf32, #tpu.memory_space<vmem_shared>>
      tpu.wait_dma2 semaphore(%run_scoped3A : memref<!tpu.dma_semaphore, #tpu.memory_space<semaphore_mem>>) src(%dma_wait3A_96 : memref<40x128xf32, #tpu.memory_space<vmem_shared>>) dst(%arg22 : memref<40x128xf32, #tpu.memory_space<vmem>>)
      tpu.yield
    }) : () -> ()
    "tpu.region"() ({
      %run_scoped3A = tpu.sem_alloc : memref<!tpu.dma_semaphore, #tpu.memory_space<semaphore_mem>>
      %dma_start3A = arith.constant 0 : i32
      %dma_start3A_91 = tpu.memref_slice %arg10[%arg0, %add3A_60, %dma_start3A] : memref<2x10240x128xf32, #tpu.memory_space<hbm>> -> memref<1x40x128xf32, #tpu.memory_space<hbm>>
      %dma_start3A_92 = tpu.memref_squeeze %dma_start3A_91 : memref<1x40x128xf32, #tpu.memory_space<hbm>> -> memref<40x128xf32, #tpu.memory_space<hbm>>
      %dma_start3A_93 = arith.constant 0 : i32
      %dma_start3A_94 = tpu.memref_slice %arg10[%arg0, %add3A_60, %dma_start3A_93] : memref<2x10240x128xf32, #tpu.memory_space<hbm>> -> memref<1x40x128xf32, #tpu.memory_space<hbm>>
      %dma_start3A_95 = tpu.memref_squeeze %dma_start3A_94 : memref<1x40x128xf32, #tpu.memory_space<hbm>> -> memref<40x128xf32, #tpu.memory_space<hbm>>
      tpu.enqueue_dma source(%arg22 : memref<40x128xf32, #tpu.memory_space<vmem>>) target(%dma_start3A_95 : memref<40x128xf32, #tpu.memory_space<hbm>>) target_semaphore(%run_scoped3A : memref<!tpu.dma_semaphore, #tpu.memory_space<semaphore_mem>>)
      %dma_wait3A = arith.constant 0 : i32
      %dma_wait3A_96 = tpu.memref_slice %arg10[%arg0, %add3A_60, %dma_wait3A] : memref<2x10240x128xf32, #tpu.memory_space<hbm>> -> memref<1x40x128xf32, #tpu.memory_space<hbm>>
      %dma_wait3A_97 = tpu.memref_squeeze %dma_wait3A_96 : memref<1x40x128xf32, #tpu.memory_space<hbm>> -> memref<40x128xf32, #tpu.memory_space<hbm>>
      %dma_wait3A_98 = arith.constant 0 : i32
      %dma_wait3A_99 = tpu.memref_slice %arg10[%arg0, %add3A_60, %dma_wait3A_98] : memref<2x10240x128xf32, #tpu.memory_space<hbm>> -> memref<1x40x128xf32, #tpu.memory_space<hbm>>
      %dma_wait3A_100 = tpu.memref_squeeze %dma_wait3A_99 : memref<1x40x128xf32, #tpu.memory_space<hbm>> -> memref<40x128xf32, #tpu.memory_space<hbm>>
      tpu.wait_dma2 semaphore(%run_scoped3A : memref<!tpu.dma_semaphore, #tpu.memory_space<semaphore_mem>>) src(%arg22 : memref<40x128xf32, #tpu.memory_space<vmem>>) dst(%dma_wait3A_100 : memref<40x128xf32, #tpu.memory_space<hbm>>)
      tpu.yield
    }) : () -> ()
    %add3A_61 = arith.constant 80 : i32
    %add3A_62 = arith.addi %mul3A_13, %add3A_61 : i32
    "tpu.region"() ({
      %run_scoped3A = tpu.sem_alloc : memref<!tpu.dma_semaphore, #tpu.memory_space<semaphore_mem>>
      %dma_start3A = arith.constant 0 : i32
      %dma_start3A_91 = tpu.memref_slice %arg24[%add3A_62, %dma_start3A] : memref<10240x128xf32, #tpu.memory_space<vmem_shared>> -> memref<40x128xf32, #tpu.memory_space<vmem_shared>>
      %dma_start3A_92 = arith.constant 0 : i32
      %dma_start3A_93 = tpu.memref_slice %arg24[%add3A_62, %dma_start3A_92] : memref<10240x128xf32, #tpu.memory_space<vmem_shared>> -> memref<40x128xf32, #tpu.memory_space<vmem_shared>>
      tpu.enqueue_dma source(%dma_start3A_93 : memref<40x128xf32, #tpu.memory_space<vmem_shared>>) target(%arg22 : memref<40x128xf32, #tpu.memory_space<vmem>>) target_semaphore(%run_scoped3A : memref<!tpu.dma_semaphore, #tpu.memory_space<semaphore_mem>>)
      %dma_wait3A = arith.constant 0 : i32
      %dma_wait3A_94 = tpu.memref_slice %arg24[%add3A_62, %dma_wait3A] : memref<10240x128xf32, #tpu.memory_space<vmem_shared>> -> memref<40x128xf32, #tpu.memory_space<vmem_shared>>
      %dma_wait3A_95 = arith.constant 0 : i32
      %dma_wait3A_96 = tpu.memref_slice %arg24[%add3A_62, %dma_wait3A_95] : memref<10240x128xf32, #tpu.memory_space<vmem_shared>> -> memref<40x128xf32, #tpu.memory_space<vmem_shared>>
      tpu.wait_dma2 semaphore(%run_scoped3A : memref<!tpu.dma_semaphore, #tpu.memory_space<semaphore_mem>>) src(%dma_wait3A_96 : memref<40x128xf32, #tpu.memory_space<vmem_shared>>) dst(%arg22 : memref<40x128xf32, #tpu.memory_space<vmem>>)
      tpu.yield
    }) : () -> ()
    "tpu.region"() ({
      %run_scoped3A = tpu.sem_alloc : memref<!tpu.dma_semaphore, #tpu.memory_space<semaphore_mem>>
      %dma_start3A = arith.constant 0 : i32
      %dma_start3A_91 = tpu.memref_slice %arg10[%arg0, %add3A_62, %dma_start3A] : memref<2x10240x128xf32, #tpu.memory_space<hbm>> -> memref<1x40x128xf32, #tpu.memory_space<hbm>>
      %dma_start3A_92 = tpu.memref_squeeze %dma_start3A_91 : memref<1x40x128xf32, #tpu.memory_space<hbm>> -> memref<40x128xf32, #tpu.memory_space<hbm>>
      %dma_start3A_93 = arith.constant 0 : i32
      %dma_start3A_94 = tpu.memref_slice %arg10[%arg0, %add3A_62, %dma_start3A_93] : memref<2x10240x128xf32, #tpu.memory_space<hbm>> -> memref<1x40x128xf32, #tpu.memory_space<hbm>>
      %dma_start3A_95 = tpu.memref_squeeze %dma_start3A_94 : memref<1x40x128xf32, #tpu.memory_space<hbm>> -> memref<40x128xf32, #tpu.memory_space<hbm>>
      tpu.enqueue_dma source(%arg22 : memref<40x128xf32, #tpu.memory_space<vmem>>) target(%dma_start3A_95 : memref<40x128xf32, #tpu.memory_space<hbm>>) target_semaphore(%run_scoped3A : memref<!tpu.dma_semaphore, #tpu.memory_space<semaphore_mem>>)
      %dma_wait3A = arith.constant 0 : i32
      %dma_wait3A_96 = tpu.memref_slice %arg10[%arg0, %add3A_62, %dma_wait3A] : memref<2x10240x128xf32, #tpu.memory_space<hbm>> -> memref<1x40x128xf32, #tpu.memory_space<hbm>>
      %dma_wait3A_97 = tpu.memref_squeeze %dma_wait3A_96 : memref<1x40x128xf32, #tpu.memory_space<hbm>> -> memref<40x128xf32, #tpu.memory_space<hbm>>
      %dma_wait3A_98 = arith.constant 0 : i32
      %dma_wait3A_99 = tpu.memref_slice %arg10[%arg0, %add3A_62, %dma_wait3A_98] : memref<2x10240x128xf32, #tpu.memory_space<hbm>> -> memref<1x40x128xf32, #tpu.memory_space<hbm>>
      %dma_wait3A_100 = tpu.memref_squeeze %dma_wait3A_99 : memref<1x40x128xf32, #tpu.memory_space<hbm>> -> memref<40x128xf32, #tpu.memory_space<hbm>>
      tpu.wait_dma2 semaphore(%run_scoped3A : memref<!tpu.dma_semaphore, #tpu.memory_space<semaphore_mem>>) src(%arg22 : memref<40x128xf32, #tpu.memory_space<vmem>>) dst(%dma_wait3A_100 : memref<40x128xf32, #tpu.memory_space<hbm>>)
      tpu.yield
    }) : () -> ()
    %add3A_63 = arith.constant 120 : i32
    %add3A_64 = arith.addi %mul3A_13, %add3A_63 : i32
    "tpu.region"() ({
      %run_scoped3A = tpu.sem_alloc : memref<!tpu.dma_semaphore, #tpu.memory_space<semaphore_mem>>
      %dma_start3A = arith.constant 0 : i32
      %dma_start3A_91 = tpu.memref_slice %arg24[%add3A_64, %dma_start3A] : memref<10240x128xf32, #tpu.memory_space<vmem_shared>> -> memref<40x128xf32, #tpu.memory_space<vmem_shared>>
      %dma_start3A_92 = arith.constant 0 : i32
      %dma_start3A_93 = tpu.memref_slice %arg24[%add3A_64, %dma_start3A_92] : memref<10240x128xf32, #tpu.memory_space<vmem_shared>> -> memref<40x128xf32, #tpu.memory_space<vmem_shared>>
      tpu.enqueue_dma source(%dma_start3A_93 : memref<40x128xf32, #tpu.memory_space<vmem_shared>>) target(%arg22 : memref<40x128xf32, #tpu.memory_space<vmem>>) target_semaphore(%run_scoped3A : memref<!tpu.dma_semaphore, #tpu.memory_space<semaphore_mem>>)
      %dma_wait3A = arith.constant 0 : i32
      %dma_wait3A_94 = tpu.memref_slice %arg24[%add3A_64, %dma_wait3A] : memref<10240x128xf32, #tpu.memory_space<vmem_shared>> -> memref<40x128xf32, #tpu.memory_space<vmem_shared>>
      %dma_wait3A_95 = arith.constant 0 : i32
      %dma_wait3A_96 = tpu.memref_slice %arg24[%add3A_64, %dma_wait3A_95] : memref<10240x128xf32, #tpu.memory_space<vmem_shared>> -> memref<40x128xf32, #tpu.memory_space<vmem_shared>>
      tpu.wait_dma2 semaphore(%run_scoped3A : memref<!tpu.dma_semaphore, #tpu.memory_space<semaphore_mem>>) src(%dma_wait3A_96 : memref<40x128xf32, #tpu.memory_space<vmem_shared>>) dst(%arg22 : memref<40x128xf32, #tpu.memory_space<vmem>>)
      tpu.yield
    }) : () -> ()
    "tpu.region"() ({
      %run_scoped3A = tpu.sem_alloc : memref<!tpu.dma_semaphore, #tpu.memory_space<semaphore_mem>>
      %dma_start3A = arith.constant 0 : i32
      %dma_start3A_91 = tpu.memref_slice %arg10[%arg0, %add3A_64, %dma_start3A] : memref<2x10240x128xf32, #tpu.memory_space<hbm>> -> memref<1x40x128xf32, #tpu.memory_space<hbm>>
      %dma_start3A_92 = tpu.memref_squeeze %dma_start3A_91 : memref<1x40x128xf32, #tpu.memory_space<hbm>> -> memref<40x128xf32, #tpu.memory_space<hbm>>
      %dma_start3A_93 = arith.constant 0 : i32
      %dma_start3A_94 = tpu.memref_slice %arg10[%arg0, %add3A_64, %dma_start3A_93] : memref<2x10240x128xf32, #tpu.memory_space<hbm>> -> memref<1x40x128xf32, #tpu.memory_space<hbm>>
      %dma_start3A_95 = tpu.memref_squeeze %dma_start3A_94 : memref<1x40x128xf32, #tpu.memory_space<hbm>> -> memref<40x128xf32, #tpu.memory_space<hbm>>
      tpu.enqueue_dma source(%arg22 : memref<40x128xf32, #tpu.memory_space<vmem>>) target(%dma_start3A_95 : memref<40x128xf32, #tpu.memory_space<hbm>>) target_semaphore(%run_scoped3A : memref<!tpu.dma_semaphore, #tpu.memory_space<semaphore_mem>>)
      %dma_wait3A = arith.constant 0 : i32
      %dma_wait3A_96 = tpu.memref_slice %arg10[%arg0, %add3A_64, %dma_wait3A] : memref<2x10240x128xf32, #tpu.memory_space<hbm>> -> memref<1x40x128xf32, #tpu.memory_space<hbm>>
      %dma_wait3A_97 = tpu.memref_squeeze %dma_wait3A_96 : memref<1x40x128xf32, #tpu.memory_space<hbm>> -> memref<40x128xf32, #tpu.memory_space<hbm>>
      %dma_wait3A_98 = arith.constant 0 : i32
      %dma_wait3A_99 = tpu.memref_slice %arg10[%arg0, %add3A_64, %dma_wait3A_98] : memref<2x10240x128xf32, #tpu.memory_space<hbm>> -> memref<1x40x128xf32, #tpu.memory_space<hbm>>
      %dma_wait3A_100 = tpu.memref_squeeze %dma_wait3A_99 : memref<1x40x128xf32, #tpu.memory_space<hbm>> -> memref<40x128xf32, #tpu.memory_space<hbm>>
      tpu.wait_dma2 semaphore(%run_scoped3A : memref<!tpu.dma_semaphore, #tpu.memory_space<semaphore_mem>>) src(%arg22 : memref<40x128xf32, #tpu.memory_space<vmem>>) dst(%dma_wait3A_100 : memref<40x128xf32, #tpu.memory_space<hbm>>)
      tpu.yield
    }) : () -> ()
    %add3A_65 = arith.constant 160 : i32
    %add3A_66 = arith.addi %mul3A_13, %add3A_65 : i32
    "tpu.region"() ({
      %run_scoped3A = tpu.sem_alloc : memref<!tpu.dma_semaphore, #tpu.memory_space<semaphore_mem>>
      %dma_start3A = arith.constant 0 : i32
      %dma_start3A_91 = tpu.memref_slice %arg24[%add3A_66, %dma_start3A] : memref<10240x128xf32, #tpu.memory_space<vmem_shared>> -> memref<40x128xf32, #tpu.memory_space<vmem_shared>>
      %dma_start3A_92 = arith.constant 0 : i32
      %dma_start3A_93 = tpu.memref_slice %arg24[%add3A_66, %dma_start3A_92] : memref<10240x128xf32, #tpu.memory_space<vmem_shared>> -> memref<40x128xf32, #tpu.memory_space<vmem_shared>>
      tpu.enqueue_dma source(%dma_start3A_93 : memref<40x128xf32, #tpu.memory_space<vmem_shared>>) target(%arg22 : memref<40x128xf32, #tpu.memory_space<vmem>>) target_semaphore(%run_scoped3A : memref<!tpu.dma_semaphore, #tpu.memory_space<semaphore_mem>>)
      %dma_wait3A = arith.constant 0 : i32
      %dma_wait3A_94 = tpu.memref_slice %arg24[%add3A_66, %dma_wait3A] : memref<10240x128xf32, #tpu.memory_space<vmem_shared>> -> memref<40x128xf32, #tpu.memory_space<vmem_shared>>
      %dma_wait3A_95 = arith.constant 0 : i32
      %dma_wait3A_96 = tpu.memref_slice %arg24[%add3A_66, %dma_wait3A_95] : memref<10240x128xf32, #tpu.memory_space<vmem_shared>> -> memref<40x128xf32, #tpu.memory_space<vmem_shared>>
      tpu.wait_dma2 semaphore(%run_scoped3A : memref<!tpu.dma_semaphore, #tpu.memory_space<semaphore_mem>>) src(%dma_wait3A_96 : memref<40x128xf32, #tpu.memory_space<vmem_shared>>) dst(%arg22 : memref<40x128xf32, #tpu.memory_space<vmem>>)
      tpu.yield
    }) : () -> ()
    "tpu.region"() ({
      %run_scoped3A = tpu.sem_alloc : memref<!tpu.dma_semaphore, #tpu.memory_space<semaphore_mem>>
      %dma_start3A = arith.constant 0 : i32
      %dma_start3A_91 = tpu.memref_slice %arg10[%arg0, %add3A_66, %dma_start3A] : memref<2x10240x128xf32, #tpu.memory_space<hbm>> -> memref<1x40x128xf32, #tpu.memory_space<hbm>>
      %dma_start3A_92 = tpu.memref_squeeze %dma_start3A_91 : memref<1x40x128xf32, #tpu.memory_space<hbm>> -> memref<40x128xf32, #tpu.memory_space<hbm>>
      %dma_start3A_93 = arith.constant 0 : i32
      %dma_start3A_94 = tpu.memref_slice %arg10[%arg0, %add3A_66, %dma_start3A_93] : memref<2x10240x128xf32, #tpu.memory_space<hbm>> -> memref<1x40x128xf32, #tpu.memory_space<hbm>>
      %dma_start3A_95 = tpu.memref_squeeze %dma_start3A_94 : memref<1x40x128xf32, #tpu.memory_space<hbm>> -> memref<40x128xf32, #tpu.memory_space<hbm>>
      tpu.enqueue_dma source(%arg22 : memref<40x128xf32, #tpu.memory_space<vmem>>) target(%dma_start3A_95 : memref<40x128xf32, #tpu.memory_space<hbm>>) target_semaphore(%run_scoped3A : memref<!tpu.dma_semaphore, #tpu.memory_space<semaphore_mem>>)
      %dma_wait3A = arith.constant 0 : i32
      %dma_wait3A_96 = tpu.memref_slice %arg10[%arg0, %add3A_66, %dma_wait3A] : memref<2x10240x128xf32, #tpu.memory_space<hbm>> -> memref<1x40x128xf32, #tpu.memory_space<hbm>>
      %dma_wait3A_97 = tpu.memref_squeeze %dma_wait3A_96 : memref<1x40x128xf32, #tpu.memory_space<hbm>> -> memref<40x128xf32, #tpu.memory_space<hbm>>
      %dma_wait3A_98 = arith.constant 0 : i32
      %dma_wait3A_99 = tpu.memref_slice %arg10[%arg0, %add3A_66, %dma_wait3A_98] : memref<2x10240x128xf32, #tpu.memory_space<hbm>> -> memref<1x40x128xf32, #tpu.memory_space<hbm>>
      %dma_wait3A_100 = tpu.memref_squeeze %dma_wait3A_99 : memref<1x40x128xf32, #tpu.memory_space<hbm>> -> memref<40x128xf32, #tpu.memory_space<hbm>>
      tpu.wait_dma2 semaphore(%run_scoped3A : memref<!tpu.dma_semaphore, #tpu.memory_space<semaphore_mem>>) src(%arg22 : memref<40x128xf32, #tpu.memory_space<vmem>>) dst(%dma_wait3A_100 : memref<40x128xf32, #tpu.memory_space<hbm>>)
      tpu.yield
    }) : () -> ()
    %add3A_67 = arith.constant 200 : i32
    %add3A_68 = arith.addi %mul3A_13, %add3A_67 : i32
    "tpu.region"() ({
      %run_scoped3A = tpu.sem_alloc : memref<!tpu.dma_semaphore, #tpu.memory_space<semaphore_mem>>
      %dma_start3A = arith.constant 0 : i32
      %dma_start3A_91 = tpu.memref_slice %arg24[%add3A_68, %dma_start3A] : memref<10240x128xf32, #tpu.memory_space<vmem_shared>> -> memref<40x128xf32, #tpu.memory_space<vmem_shared>>
      %dma_start3A_92 = arith.constant 0 : i32
      %dma_start3A_93 = tpu.memref_slice %arg24[%add3A_68, %dma_start3A_92] : memref<10240x128xf32, #tpu.memory_space<vmem_shared>> -> memref<40x128xf32, #tpu.memory_space<vmem_shared>>
      tpu.enqueue_dma source(%dma_start3A_93 : memref<40x128xf32, #tpu.memory_space<vmem_shared>>) target(%arg22 : memref<40x128xf32, #tpu.memory_space<vmem>>) target_semaphore(%run_scoped3A : memref<!tpu.dma_semaphore, #tpu.memory_space<semaphore_mem>>)
      %dma_wait3A = arith.constant 0 : i32
      %dma_wait3A_94 = tpu.memref_slice %arg24[%add3A_68, %dma_wait3A] : memref<10240x128xf32, #tpu.memory_space<vmem_shared>> -> memref<40x128xf32, #tpu.memory_space<vmem_shared>>
      %dma_wait3A_95 = arith.constant 0 : i32
      %dma_wait3A_96 = tpu.memref_slice %arg24[%add3A_68, %dma_wait3A_95] : memref<10240x128xf32, #tpu.memory_space<vmem_shared>> -> memref<40x128xf32, #tpu.memory_space<vmem_shared>>
      tpu.wait_dma2 semaphore(%run_scoped3A : memref<!tpu.dma_semaphore, #tpu.memory_space<semaphore_mem>>) src(%dma_wait3A_96 : memref<40x128xf32, #tpu.memory_space<vmem_shared>>) dst(%arg22 : memref<40x128xf32, #tpu.memory_space<vmem>>)
      tpu.yield
    }) : () -> ()
    "tpu.region"() ({
      %run_scoped3A = tpu.sem_alloc : memref<!tpu.dma_semaphore, #tpu.memory_space<semaphore_mem>>
      %dma_start3A = arith.constant 0 : i32
      %dma_start3A_91 = tpu.memref_slice %arg10[%arg0, %add3A_68, %dma_start3A] : memref<2x10240x128xf32, #tpu.memory_space<hbm>> -> memref<1x40x128xf32, #tpu.memory_space<hbm>>
      %dma_start3A_92 = tpu.memref_squeeze %dma_start3A_91 : memref<1x40x128xf32, #tpu.memory_space<hbm>> -> memref<40x128xf32, #tpu.memory_space<hbm>>
      %dma_start3A_93 = arith.constant 0 : i32
      %dma_start3A_94 = tpu.memref_slice %arg10[%arg0, %add3A_68, %dma_start3A_93] : memref<2x10240x128xf32, #tpu.memory_space<hbm>> -> memref<1x40x128xf32, #tpu.memory_space<hbm>>
      %dma_start3A_95 = tpu.memref_squeeze %dma_start3A_94 : memref<1x40x128xf32, #tpu.memory_space<hbm>> -> memref<40x128xf32, #tpu.memory_space<hbm>>
      tpu.enqueue_dma source(%arg22 : memref<40x128xf32, #tpu.memory_space<vmem>>) target(%dma_start3A_95 : memref<40x128xf32, #tpu.memory_space<hbm>>) target_semaphore(%run_scoped3A : memref<!tpu.dma_semaphore, #tpu.memory_space<semaphore_mem>>)
      %dma_wait3A = arith.constant 0 : i32
      %dma_wait3A_96 = tpu.memref_slice %arg10[%arg0, %add3A_68, %dma_wait3A] : memref<2x10240x128xf32, #tpu.memory_space<hbm>> -> memref<1x40x128xf32, #tpu.memory_space<hbm>>
      %dma_wait3A_97 = tpu.memref_squeeze %dma_wait3A_96 : memref<1x40x128xf32, #tpu.memory_space<hbm>> -> memref<40x128xf32, #tpu.memory_space<hbm>>
      %dma_wait3A_98 = arith.constant 0 : i32
      %dma_wait3A_99 = tpu.memref_slice %arg10[%arg0, %add3A_68, %dma_wait3A_98] : memref<2x10240x128xf32, #tpu.memory_space<hbm>> -> memref<1x40x128xf32, #tpu.memory_space<hbm>>
      %dma_wait3A_100 = tpu.memref_squeeze %dma_wait3A_99 : memref<1x40x128xf32, #tpu.memory_space<hbm>> -> memref<40x128xf32, #tpu.memory_space<hbm>>
      tpu.wait_dma2 semaphore(%run_scoped3A : memref<!tpu.dma_semaphore, #tpu.memory_space<semaphore_mem>>) src(%arg22 : memref<40x128xf32, #tpu.memory_space<vmem>>) dst(%dma_wait3A_100 : memref<40x128xf32, #tpu.memory_space<hbm>>)
      tpu.yield
    }) : () -> ()
    %add3A_69 = arith.constant 240 : i32
    %add3A_70 = arith.addi %mul3A_13, %add3A_69 : i32
    "tpu.region"() ({
      %run_scoped3A = tpu.sem_alloc : memref<!tpu.dma_semaphore, #tpu.memory_space<semaphore_mem>>
      %dma_start3A = arith.constant 0 : i32
      %dma_start3A_91 = tpu.memref_slice %arg24[%add3A_70, %dma_start3A] : memref<10240x128xf32, #tpu.memory_space<vmem_shared>> -> memref<40x128xf32, #tpu.memory_space<vmem_shared>>
      %dma_start3A_92 = arith.constant 0 : i32
      %dma_start3A_93 = tpu.memref_slice %arg24[%add3A_70, %dma_start3A_92] : memref<10240x128xf32, #tpu.memory_space<vmem_shared>> -> memref<40x128xf32, #tpu.memory_space<vmem_shared>>
      tpu.enqueue_dma source(%dma_start3A_93 : memref<40x128xf32, #tpu.memory_space<vmem_shared>>) target(%arg22 : memref<40x128xf32, #tpu.memory_space<vmem>>) target_semaphore(%run_scoped3A : memref<!tpu.dma_semaphore, #tpu.memory_space<semaphore_mem>>)
      %dma_wait3A = arith.constant 0 : i32
      %dma_wait3A_94 = tpu.memref_slice %arg24[%add3A_70, %dma_wait3A] : memref<10240x128xf32, #tpu.memory_space<vmem_shared>> -> memref<40x128xf32, #tpu.memory_space<vmem_shared>>
      %dma_wait3A_95 = arith.constant 0 : i32
      %dma_wait3A_96 = tpu.memref_slice %arg24[%add3A_70, %dma_wait3A_95] : memref<10240x128xf32, #tpu.memory_space<vmem_shared>> -> memref<40x128xf32, #tpu.memory_space<vmem_shared>>
      tpu.wait_dma2 semaphore(%run_scoped3A : memref<!tpu.dma_semaphore, #tpu.memory_space<semaphore_mem>>) src(%dma_wait3A_96 : memref<40x128xf32, #tpu.memory_space<vmem_shared>>) dst(%arg22 : memref<40x128xf32, #tpu.memory_space<vmem>>)
      tpu.yield
    }) : () -> ()
    "tpu.region"() ({
      %run_scoped3A = tpu.sem_alloc : memref<!tpu.dma_semaphore, #tpu.memory_space<semaphore_mem>>
      %dma_start3A = arith.constant 0 : i32
      %dma_start3A_91 = tpu.memref_slice %arg10[%arg0, %add3A_70, %dma_start3A] : memref<2x10240x128xf32, #tpu.memory_space<hbm>> -> memref<1x40x128xf32, #tpu.memory_space<hbm>>
      %dma_start3A_92 = tpu.memref_squeeze %dma_start3A_91 : memref<1x40x128xf32, #tpu.memory_space<hbm>> -> memref<40x128xf32, #tpu.memory_space<hbm>>
      %dma_start3A_93 = arith.constant 0 : i32
      %dma_start3A_94 = tpu.memref_slice %arg10[%arg0, %add3A_70, %dma_start3A_93] : memref<2x10240x128xf32, #tpu.memory_space<hbm>> -> memref<1x40x128xf32, #tpu.memory_space<hbm>>
      %dma_start3A_95 = tpu.memref_squeeze %dma_start3A_94 : memref<1x40x128xf32, #tpu.memory_space<hbm>> -> memref<40x128xf32, #tpu.memory_space<hbm>>
      tpu.enqueue_dma source(%arg22 : memref<40x128xf32, #tpu.memory_space<vmem>>) target(%dma_start3A_95 : memref<40x128xf32, #tpu.memory_space<hbm>>) target_semaphore(%run_scoped3A : memref<!tpu.dma_semaphore, #tpu.memory_space<semaphore_mem>>)
      %dma_wait3A = arith.constant 0 : i32
      %dma_wait3A_96 = tpu.memref_slice %arg10[%arg0, %add3A_70, %dma_wait3A] : memref<2x10240x128xf32, #tpu.memory_space<hbm>> -> memref<1x40x128xf32, #tpu.memory_space<hbm>>
      %dma_wait3A_97 = tpu.memref_squeeze %dma_wait3A_96 : memref<1x40x128xf32, #tpu.memory_space<hbm>> -> memref<40x128xf32, #tpu.memory_space<hbm>>
      %dma_wait3A_98 = arith.constant 0 : i32
      %dma_wait3A_99 = tpu.memref_slice %arg10[%arg0, %add3A_70, %dma_wait3A_98] : memref<2x10240x128xf32, #tpu.memory_space<hbm>> -> memref<1x40x128xf32, #tpu.memory_space<hbm>>
      %dma_wait3A_100 = tpu.memref_squeeze %dma_wait3A_99 : memref<1x40x128xf32, #tpu.memory_space<hbm>> -> memref<40x128xf32, #tpu.memory_space<hbm>>
      tpu.wait_dma2 semaphore(%run_scoped3A : memref<!tpu.dma_semaphore, #tpu.memory_space<semaphore_mem>>) src(%arg22 : memref<40x128xf32, #tpu.memory_space<vmem>>) dst(%dma_wait3A_100 : memref<40x128xf32, #tpu.memory_space<hbm>>)
      tpu.yield
    }) : () -> ()
    %add3A_71 = arith.constant 280 : i32
    %add3A_72 = arith.addi %mul3A_13, %add3A_71 : i32
    "tpu.region"() ({
      %run_scoped3A = tpu.sem_alloc : memref<!tpu.dma_semaphore, #tpu.memory_space<semaphore_mem>>
      %dma_start3A = arith.constant 0 : i32
      %dma_start3A_91 = tpu.memref_slice %arg24[%add3A_72, %dma_start3A] : memref<10240x128xf32, #tpu.memory_space<vmem_shared>> -> memref<40x128xf32, #tpu.memory_space<vmem_shared>>
      %dma_start3A_92 = arith.constant 0 : i32
      %dma_start3A_93 = tpu.memref_slice %arg24[%add3A_72, %dma_start3A_92] : memref<10240x128xf32, #tpu.memory_space<vmem_shared>> -> memref<40x128xf32, #tpu.memory_space<vmem_shared>>
      tpu.enqueue_dma source(%dma_start3A_93 : memref<40x128xf32, #tpu.memory_space<vmem_shared>>) target(%arg22 : memref<40x128xf32, #tpu.memory_space<vmem>>) target_semaphore(%run_scoped3A : memref<!tpu.dma_semaphore, #tpu.memory_space<semaphore_mem>>)
      %dma_wait3A = arith.constant 0 : i32
      %dma_wait3A_94 = tpu.memref_slice %arg24[%add3A_72, %dma_wait3A] : memref<10240x128xf32, #tpu.memory_space<vmem_shared>> -> memref<40x128xf32, #tpu.memory_space<vmem_shared>>
      %dma_wait3A_95 = arith.constant 0 : i32
      %dma_wait3A_96 = tpu.memref_slice %arg24[%add3A_72, %dma_wait3A_95] : memref<10240x128xf32, #tpu.memory_space<vmem_shared>> -> memref<40x128xf32, #tpu.memory_space<vmem_shared>>
      tpu.wait_dma2 semaphore(%run_scoped3A : memref<!tpu.dma_semaphore, #tpu.memory_space<semaphore_mem>>) src(%dma_wait3A_96 : memref<40x128xf32, #tpu.memory_space<vmem_shared>>) dst(%arg22 : memref<40x128xf32, #tpu.memory_space<vmem>>)
      tpu.yield
    }) : () -> ()
    "tpu.region"() ({
      %run_scoped3A = tpu.sem_alloc : memref<!tpu.dma_semaphore, #tpu.memory_space<semaphore_mem>>
      %dma_start3A = arith.constant 0 : i32
      %dma_start3A_91 = tpu.memref_slice %arg10[%arg0, %add3A_72, %dma_start3A] : memref<2x10240x128xf32, #tpu.memory_space<hbm>> -> memref<1x40x128xf32, #tpu.memory_space<hbm>>
      %dma_start3A_92 = tpu.memref_squeeze %dma_start3A_91 : memref<1x40x128xf32, #tpu.memory_space<hbm>> -> memref<40x128xf32, #tpu.memory_space<hbm>>
      %dma_start3A_93 = arith.constant 0 : i32
      %dma_start3A_94 = tpu.memref_slice %arg10[%arg0, %add3A_72, %dma_start3A_93] : memref<2x10240x128xf32, #tpu.memory_space<hbm>> -> memref<1x40x128xf32, #tpu.memory_space<hbm>>
      %dma_start3A_95 = tpu.memref_squeeze %dma_start3A_94 : memref<1x40x128xf32, #tpu.memory_space<hbm>> -> memref<40x128xf32, #tpu.memory_space<hbm>>
      tpu.enqueue_dma source(%arg22 : memref<40x128xf32, #tpu.memory_space<vmem>>) target(%dma_start3A_95 : memref<40x128xf32, #tpu.memory_space<hbm>>) target_semaphore(%run_scoped3A : memref<!tpu.dma_semaphore, #tpu.memory_space<semaphore_mem>>)
      %dma_wait3A = arith.constant 0 : i32
      %dma_wait3A_96 = tpu.memref_slice %arg10[%arg0, %add3A_72, %dma_wait3A] : memref<2x10240x128xf32, #tpu.memory_space<hbm>> -> memref<1x40x128xf32, #tpu.memory_space<hbm>>
      %dma_wait3A_97 = tpu.memref_squeeze %dma_wait3A_96 : memref<1x40x128xf32, #tpu.memory_space<hbm>> -> memref<40x128xf32, #tpu.memory_space<hbm>>
      %dma_wait3A_98 = arith.constant 0 : i32
      %dma_wait3A_99 = tpu.memref_slice %arg10[%arg0, %add3A_72, %dma_wait3A_98] : memref<2x10240x128xf32, #tpu.memory_space<hbm>> -> memref<1x40x128xf32, #tpu.memory_space<hbm>>
      %dma_wait3A_100 = tpu.memref_squeeze %dma_wait3A_99 : memref<1x40x128xf32, #tpu.memory_space<hbm>> -> memref<40x128xf32, #tpu.memory_space<hbm>>
      tpu.wait_dma2 semaphore(%run_scoped3A : memref<!tpu.dma_semaphore, #tpu.memory_space<semaphore_mem>>) src(%arg22 : memref<40x128xf32, #tpu.memory_space<vmem>>) dst(%dma_wait3A_100 : memref<40x128xf32, #tpu.memory_space<hbm>>)
      tpu.yield
    }) : () -> ()
    %add3A_73 = arith.constant 320 : i32
    %add3A_74 = arith.addi %mul3A_13, %add3A_73 : i32
    "tpu.region"() ({
      %run_scoped3A = tpu.sem_alloc : memref<!tpu.dma_semaphore, #tpu.memory_space<semaphore_mem>>
      %dma_start3A = arith.constant 0 : i32
      %dma_start3A_91 = tpu.memref_slice %arg24[%add3A_74, %dma_start3A] : memref<10240x128xf32, #tpu.memory_space<vmem_shared>> -> memref<40x128xf32, #tpu.memory_space<vmem_shared>>
      %dma_start3A_92 = arith.constant 0 : i32
      %dma_start3A_93 = tpu.memref_slice %arg24[%add3A_74, %dma_start3A_92] : memref<10240x128xf32, #tpu.memory_space<vmem_shared>> -> memref<40x128xf32, #tpu.memory_space<vmem_shared>>
      tpu.enqueue_dma source(%dma_start3A_93 : memref<40x128xf32, #tpu.memory_space<vmem_shared>>) target(%arg22 : memref<40x128xf32, #tpu.memory_space<vmem>>) target_semaphore(%run_scoped3A : memref<!tpu.dma_semaphore, #tpu.memory_space<semaphore_mem>>)
      %dma_wait3A = arith.constant 0 : i32
      %dma_wait3A_94 = tpu.memref_slice %arg24[%add3A_74, %dma_wait3A] : memref<10240x128xf32, #tpu.memory_space<vmem_shared>> -> memref<40x128xf32, #tpu.memory_space<vmem_shared>>
      %dma_wait3A_95 = arith.constant 0 : i32
      %dma_wait3A_96 = tpu.memref_slice %arg24[%add3A_74, %dma_wait3A_95] : memref<10240x128xf32, #tpu.memory_space<vmem_shared>> -> memref<40x128xf32, #tpu.memory_space<vmem_shared>>
      tpu.wait_dma2 semaphore(%run_scoped3A : memref<!tpu.dma_semaphore, #tpu.memory_space<semaphore_mem>>) src(%dma_wait3A_96 : memref<40x128xf32, #tpu.memory_space<vmem_shared>>) dst(%arg22 : memref<40x128xf32, #tpu.memory_space<vmem>>)
      tpu.yield
    }) : () -> ()
    "tpu.region"() ({
      %run_scoped3A = tpu.sem_alloc : memref<!tpu.dma_semaphore, #tpu.memory_space<semaphore_mem>>
      %dma_start3A = arith.constant 0 : i32
      %dma_start3A_91 = tpu.memref_slice %arg10[%arg0, %add3A_74, %dma_start3A] : memref<2x10240x128xf32, #tpu.memory_space<hbm>> -> memref<1x40x128xf32, #tpu.memory_space<hbm>>
      %dma_start3A_92 = tpu.memref_squeeze %dma_start3A_91 : memref<1x40x128xf32, #tpu.memory_space<hbm>> -> memref<40x128xf32, #tpu.memory_space<hbm>>
      %dma_start3A_93 = arith.constant 0 : i32
      %dma_start3A_94 = tpu.memref_slice %arg10[%arg0, %add3A_74, %dma_start3A_93] : memref<2x10240x128xf32, #tpu.memory_space<hbm>> -> memref<1x40x128xf32, #tpu.memory_space<hbm>>
      %dma_start3A_95 = tpu.memref_squeeze %dma_start3A_94 : memref<1x40x128xf32, #tpu.memory_space<hbm>> -> memref<40x128xf32, #tpu.memory_space<hbm>>
      tpu.enqueue_dma source(%arg22 : memref<40x128xf32, #tpu.memory_space<vmem>>) target(%dma_start3A_95 : memref<40x128xf32, #tpu.memory_space<hbm>>) target_semaphore(%run_scoped3A : memref<!tpu.dma_semaphore, #tpu.memory_space<semaphore_mem>>)
      %dma_wait3A = arith.constant 0 : i32
      %dma_wait3A_96 = tpu.memref_slice %arg10[%arg0, %add3A_74, %dma_wait3A] : memref<2x10240x128xf32, #tpu.memory_space<hbm>> -> memref<1x40x128xf32, #tpu.memory_space<hbm>>
      %dma_wait3A_97 = tpu.memref_squeeze %dma_wait3A_96 : memref<1x40x128xf32, #tpu.memory_space<hbm>> -> memref<40x128xf32, #tpu.memory_space<hbm>>
      %dma_wait3A_98 = arith.constant 0 : i32
      %dma_wait3A_99 = tpu.memref_slice %arg10[%arg0, %add3A_74, %dma_wait3A_98] : memref<2x10240x128xf32, #tpu.memory_space<hbm>> -> memref<1x40x128xf32, #tpu.memory_space<hbm>>
      %dma_wait3A_100 = tpu.memref_squeeze %dma_wait3A_99 : memref<1x40x128xf32, #tpu.memory_space<hbm>> -> memref<40x128xf32, #tpu.memory_space<hbm>>
      tpu.wait_dma2 semaphore(%run_scoped3A : memref<!tpu.dma_semaphore, #tpu.memory_space<semaphore_mem>>) src(%arg22 : memref<40x128xf32, #tpu.memory_space<vmem>>) dst(%dma_wait3A_100 : memref<40x128xf32, #tpu.memory_space<hbm>>)
      tpu.yield
    }) : () -> ()
    %add3A_75 = arith.constant 360 : i32
    %add3A_76 = arith.addi %mul3A_13, %add3A_75 : i32
    "tpu.region"() ({
      %run_scoped3A = tpu.sem_alloc : memref<!tpu.dma_semaphore, #tpu.memory_space<semaphore_mem>>
      %dma_start3A = arith.constant 0 : i32
      %dma_start3A_91 = tpu.memref_slice %arg24[%add3A_76, %dma_start3A] : memref<10240x128xf32, #tpu.memory_space<vmem_shared>> -> memref<40x128xf32, #tpu.memory_space<vmem_shared>>
      %dma_start3A_92 = arith.constant 0 : i32
      %dma_start3A_93 = tpu.memref_slice %arg24[%add3A_76, %dma_start3A_92] : memref<10240x128xf32, #tpu.memory_space<vmem_shared>> -> memref<40x128xf32, #tpu.memory_space<vmem_shared>>
      tpu.enqueue_dma source(%dma_start3A_93 : memref<40x128xf32, #tpu.memory_space<vmem_shared>>) target(%arg22 : memref<40x128xf32, #tpu.memory_space<vmem>>) target_semaphore(%run_scoped3A : memref<!tpu.dma_semaphore, #tpu.memory_space<semaphore_mem>>)
      %dma_wait3A = arith.constant 0 : i32
      %dma_wait3A_94 = tpu.memref_slice %arg24[%add3A_76, %dma_wait3A] : memref<10240x128xf32, #tpu.memory_space<vmem_shared>> -> memref<40x128xf32, #tpu.memory_space<vmem_shared>>
      %dma_wait3A_95 = arith.constant 0 : i32
      %dma_wait3A_96 = tpu.memref_slice %arg24[%add3A_76, %dma_wait3A_95] : memref<10240x128xf32, #tpu.memory_space<vmem_shared>> -> memref<40x128xf32, #tpu.memory_space<vmem_shared>>
      tpu.wait_dma2 semaphore(%run_scoped3A : memref<!tpu.dma_semaphore, #tpu.memory_space<semaphore_mem>>) src(%dma_wait3A_96 : memref<40x128xf32, #tpu.memory_space<vmem_shared>>) dst(%arg22 : memref<40x128xf32, #tpu.memory_space<vmem>>)
      tpu.yield
    }) : () -> ()
    "tpu.region"() ({
      %run_scoped3A = tpu.sem_alloc : memref<!tpu.dma_semaphore, #tpu.memory_space<semaphore_mem>>
      %dma_start3A = arith.constant 0 : i32
      %dma_start3A_91 = tpu.memref_slice %arg10[%arg0, %add3A_76, %dma_start3A] : memref<2x10240x128xf32, #tpu.memory_space<hbm>> -> memref<1x40x128xf32, #tpu.memory_space<hbm>>
      %dma_start3A_92 = tpu.memref_squeeze %dma_start3A_91 : memref<1x40x128xf32, #tpu.memory_space<hbm>> -> memref<40x128xf32, #tpu.memory_space<hbm>>
      %dma_start3A_93 = arith.constant 0 : i32
      %dma_start3A_94 = tpu.memref_slice %arg10[%arg0, %add3A_76, %dma_start3A_93] : memref<2x10240x128xf32, #tpu.memory_space<hbm>> -> memref<1x40x128xf32, #tpu.memory_space<hbm>>
      %dma_start3A_95 = tpu.memref_squeeze %dma_start3A_94 : memref<1x40x128xf32, #tpu.memory_space<hbm>> -> memref<40x128xf32, #tpu.memory_space<hbm>>
      tpu.enqueue_dma source(%arg22 : memref<40x128xf32, #tpu.memory_space<vmem>>) target(%dma_start3A_95 : memref<40x128xf32, #tpu.memory_space<hbm>>) target_semaphore(%run_scoped3A : memref<!tpu.dma_semaphore, #tpu.memory_space<semaphore_mem>>)
      %dma_wait3A = arith.constant 0 : i32
      %dma_wait3A_96 = tpu.memref_slice %arg10[%arg0, %add3A_76, %dma_wait3A] : memref<2x10240x128xf32, #tpu.memory_space<hbm>> -> memref<1x40x128xf32, #tpu.memory_space<hbm>>
      %dma_wait3A_97 = tpu.memref_squeeze %dma_wait3A_96 : memref<1x40x128xf32, #tpu.memory_space<hbm>> -> memref<40x128xf32, #tpu.memory_space<hbm>>
      %dma_wait3A_98 = arith.constant 0 : i32
      %dma_wait3A_99 = tpu.memref_slice %arg10[%arg0, %add3A_76, %dma_wait3A_98] : memref<2x10240x128xf32, #tpu.memory_space<hbm>> -> memref<1x40x128xf32, #tpu.memory_space<hbm>>
      %dma_wait3A_100 = tpu.memref_squeeze %dma_wait3A_99 : memref<1x40x128xf32, #tpu.memory_space<hbm>> -> memref<40x128xf32, #tpu.memory_space<hbm>>
      tpu.wait_dma2 semaphore(%run_scoped3A : memref<!tpu.dma_semaphore, #tpu.memory_space<semaphore_mem>>) src(%arg22 : memref<40x128xf32, #tpu.memory_space<vmem>>) dst(%dma_wait3A_100 : memref<40x128xf32, #tpu.memory_space<hbm>>)
      tpu.yield
    }) : () -> ()
    %add3A_77 = arith.constant 400 : i32
    %add3A_78 = arith.addi %mul3A_13, %add3A_77 : i32
    "tpu.region"() ({
      %run_scoped3A = tpu.sem_alloc : memref<!tpu.dma_semaphore, #tpu.memory_space<semaphore_mem>>
      %dma_start3A = arith.constant 0 : i32
      %dma_start3A_91 = tpu.memref_slice %arg24[%add3A_78, %dma_start3A] : memref<10240x128xf32, #tpu.memory_space<vmem_shared>> -> memref<40x128xf32, #tpu.memory_space<vmem_shared>>
      %dma_start3A_92 = arith.constant 0 : i32
      %dma_start3A_93 = tpu.memref_slice %arg24[%add3A_78, %dma_start3A_92] : memref<10240x128xf32, #tpu.memory_space<vmem_shared>> -> memref<40x128xf32, #tpu.memory_space<vmem_shared>>
      tpu.enqueue_dma source(%dma_start3A_93 : memref<40x128xf32, #tpu.memory_space<vmem_shared>>) target(%arg22 : memref<40x128xf32, #tpu.memory_space<vmem>>) target_semaphore(%run_scoped3A : memref<!tpu.dma_semaphore, #tpu.memory_space<semaphore_mem>>)
      %dma_wait3A = arith.constant 0 : i32
      %dma_wait3A_94 = tpu.memref_slice %arg24[%add3A_78, %dma_wait3A] : memref<10240x128xf32, #tpu.memory_space<vmem_shared>> -> memref<40x128xf32, #tpu.memory_space<vmem_shared>>
      %dma_wait3A_95 = arith.constant 0 : i32
      %dma_wait3A_96 = tpu.memref_slice %arg24[%add3A_78, %dma_wait3A_95] : memref<10240x128xf32, #tpu.memory_space<vmem_shared>> -> memref<40x128xf32, #tpu.memory_space<vmem_shared>>
      tpu.wait_dma2 semaphore(%run_scoped3A : memref<!tpu.dma_semaphore, #tpu.memory_space<semaphore_mem>>) src(%dma_wait3A_96 : memref<40x128xf32, #tpu.memory_space<vmem_shared>>) dst(%arg22 : memref<40x128xf32, #tpu.memory_space<vmem>>)
      tpu.yield
    }) : () -> ()
    "tpu.region"() ({
      %run_scoped3A = tpu.sem_alloc : memref<!tpu.dma_semaphore, #tpu.memory_space<semaphore_mem>>
      %dma_start3A = arith.constant 0 : i32
      %dma_start3A_91 = tpu.memref_slice %arg10[%arg0, %add3A_78, %dma_start3A] : memref<2x10240x128xf32, #tpu.memory_space<hbm>> -> memref<1x40x128xf32, #tpu.memory_space<hbm>>
      %dma_start3A_92 = tpu.memref_squeeze %dma_start3A_91 : memref<1x40x128xf32, #tpu.memory_space<hbm>> -> memref<40x128xf32, #tpu.memory_space<hbm>>
      %dma_start3A_93 = arith.constant 0 : i32
      %dma_start3A_94 = tpu.memref_slice %arg10[%arg0, %add3A_78, %dma_start3A_93] : memref<2x10240x128xf32, #tpu.memory_space<hbm>> -> memref<1x40x128xf32, #tpu.memory_space<hbm>>
      %dma_start3A_95 = tpu.memref_squeeze %dma_start3A_94 : memref<1x40x128xf32, #tpu.memory_space<hbm>> -> memref<40x128xf32, #tpu.memory_space<hbm>>
      tpu.enqueue_dma source(%arg22 : memref<40x128xf32, #tpu.memory_space<vmem>>) target(%dma_start3A_95 : memref<40x128xf32, #tpu.memory_space<hbm>>) target_semaphore(%run_scoped3A : memref<!tpu.dma_semaphore, #tpu.memory_space<semaphore_mem>>)
      %dma_wait3A = arith.constant 0 : i32
      %dma_wait3A_96 = tpu.memref_slice %arg10[%arg0, %add3A_78, %dma_wait3A] : memref<2x10240x128xf32, #tpu.memory_space<hbm>> -> memref<1x40x128xf32, #tpu.memory_space<hbm>>
      %dma_wait3A_97 = tpu.memref_squeeze %dma_wait3A_96 : memref<1x40x128xf32, #tpu.memory_space<hbm>> -> memref<40x128xf32, #tpu.memory_space<hbm>>
      %dma_wait3A_98 = arith.constant 0 : i32
      %dma_wait3A_99 = tpu.memref_slice %arg10[%arg0, %add3A_78, %dma_wait3A_98] : memref<2x10240x128xf32, #tpu.memory_space<hbm>> -> memref<1x40x128xf32, #tpu.memory_space<hbm>>
      %dma_wait3A_100 = tpu.memref_squeeze %dma_wait3A_99 : memref<1x40x128xf32, #tpu.memory_space<hbm>> -> memref<40x128xf32, #tpu.memory_space<hbm>>
      tpu.wait_dma2 semaphore(%run_scoped3A : memref<!tpu.dma_semaphore, #tpu.memory_space<semaphore_mem>>) src(%arg22 : memref<40x128xf32, #tpu.memory_space<vmem>>) dst(%dma_wait3A_100 : memref<40x128xf32, #tpu.memory_space<hbm>>)
      tpu.yield
    }) : () -> ()
    %add3A_79 = arith.constant 440 : i32
    %add3A_80 = arith.addi %mul3A_13, %add3A_79 : i32
    "tpu.region"() ({
      %run_scoped3A = tpu.sem_alloc : memref<!tpu.dma_semaphore, #tpu.memory_space<semaphore_mem>>
      %dma_start3A = arith.constant 0 : i32
      %dma_start3A_91 = tpu.memref_slice %arg24[%add3A_80, %dma_start3A] : memref<10240x128xf32, #tpu.memory_space<vmem_shared>> -> memref<40x128xf32, #tpu.memory_space<vmem_shared>>
      %dma_start3A_92 = arith.constant 0 : i32
      %dma_start3A_93 = tpu.memref_slice %arg24[%add3A_80, %dma_start3A_92] : memref<10240x128xf32, #tpu.memory_space<vmem_shared>> -> memref<40x128xf32, #tpu.memory_space<vmem_shared>>
      tpu.enqueue_dma source(%dma_start3A_93 : memref<40x128xf32, #tpu.memory_space<vmem_shared>>) target(%arg22 : memref<40x128xf32, #tpu.memory_space<vmem>>) target_semaphore(%run_scoped3A : memref<!tpu.dma_semaphore, #tpu.memory_space<semaphore_mem>>)
      %dma_wait3A = arith.constant 0 : i32
      %dma_wait3A_94 = tpu.memref_slice %arg24[%add3A_80, %dma_wait3A] : memref<10240x128xf32, #tpu.memory_space<vmem_shared>> -> memref<40x128xf32, #tpu.memory_space<vmem_shared>>
      %dma_wait3A_95 = arith.constant 0 : i32
      %dma_wait3A_96 = tpu.memref_slice %arg24[%add3A_80, %dma_wait3A_95] : memref<10240x128xf32, #tpu.memory_space<vmem_shared>> -> memref<40x128xf32, #tpu.memory_space<vmem_shared>>
      tpu.wait_dma2 semaphore(%run_scoped3A : memref<!tpu.dma_semaphore, #tpu.memory_space<semaphore_mem>>) src(%dma_wait3A_96 : memref<40x128xf32, #tpu.memory_space<vmem_shared>>) dst(%arg22 : memref<40x128xf32, #tpu.memory_space<vmem>>)
      tpu.yield
    }) : () -> ()
    "tpu.region"() ({
      %run_scoped3A = tpu.sem_alloc : memref<!tpu.dma_semaphore, #tpu.memory_space<semaphore_mem>>
      %dma_start3A = arith.constant 0 : i32
      %dma_start3A_91 = tpu.memref_slice %arg10[%arg0, %add3A_80, %dma_start3A] : memref<2x10240x128xf32, #tpu.memory_space<hbm>> -> memref<1x40x128xf32, #tpu.memory_space<hbm>>
      %dma_start3A_92 = tpu.memref_squeeze %dma_start3A_91 : memref<1x40x128xf32, #tpu.memory_space<hbm>> -> memref<40x128xf32, #tpu.memory_space<hbm>>
      %dma_start3A_93 = arith.constant 0 : i32
      %dma_start3A_94 = tpu.memref_slice %arg10[%arg0, %add3A_80, %dma_start3A_93] : memref<2x10240x128xf32, #tpu.memory_space<hbm>> -> memref<1x40x128xf32, #tpu.memory_space<hbm>>
      %dma_start3A_95 = tpu.memref_squeeze %dma_start3A_94 : memref<1x40x128xf32, #tpu.memory_space<hbm>> -> memref<40x128xf32, #tpu.memory_space<hbm>>
      tpu.enqueue_dma source(%arg22 : memref<40x128xf32, #tpu.memory_space<vmem>>) target(%dma_start3A_95 : memref<40x128xf32, #tpu.memory_space<hbm>>) target_semaphore(%run_scoped3A : memref<!tpu.dma_semaphore, #tpu.memory_space<semaphore_mem>>)
      %dma_wait3A = arith.constant 0 : i32
      %dma_wait3A_96 = tpu.memref_slice %arg10[%arg0, %add3A_80, %dma_wait3A] : memref<2x10240x128xf32, #tpu.memory_space<hbm>> -> memref<1x40x128xf32, #tpu.memory_space<hbm>>
      %dma_wait3A_97 = tpu.memref_squeeze %dma_wait3A_96 : memref<1x40x128xf32, #tpu.memory_space<hbm>> -> memref<40x128xf32, #tpu.memory_space<hbm>>
      %dma_wait3A_98 = arith.constant 0 : i32
      %dma_wait3A_99 = tpu.memref_slice %arg10[%arg0, %add3A_80, %dma_wait3A_98] : memref<2x10240x128xf32, #tpu.memory_space<hbm>> -> memref<1x40x128xf32, #tpu.memory_space<hbm>>
      %dma_wait3A_100 = tpu.memref_squeeze %dma_wait3A_99 : memref<1x40x128xf32, #tpu.memory_space<hbm>> -> memref<40x128xf32, #tpu.memory_space<hbm>>
      tpu.wait_dma2 semaphore(%run_scoped3A : memref<!tpu.dma_semaphore, #tpu.memory_space<semaphore_mem>>) src(%arg22 : memref<40x128xf32, #tpu.memory_space<vmem>>) dst(%dma_wait3A_100 : memref<40x128xf32, #tpu.memory_space<hbm>>)
      tpu.yield
    }) : () -> ()
    %add3A_81 = arith.constant 480 : i32
    %add3A_82 = arith.addi %mul3A_13, %add3A_81 : i32
    "tpu.region"() ({
      %run_scoped3A = tpu.sem_alloc : memref<!tpu.dma_semaphore, #tpu.memory_space<semaphore_mem>>
      %dma_start3A = arith.constant 0 : i32
      %dma_start3A_91 = tpu.memref_slice %arg24[%add3A_82, %dma_start3A] : memref<10240x128xf32, #tpu.memory_space<vmem_shared>> -> memref<40x128xf32, #tpu.memory_space<vmem_shared>>
      %dma_start3A_92 = arith.constant 0 : i32
      %dma_start3A_93 = tpu.memref_slice %arg24[%add3A_82, %dma_start3A_92] : memref<10240x128xf32, #tpu.memory_space<vmem_shared>> -> memref<40x128xf32, #tpu.memory_space<vmem_shared>>
      tpu.enqueue_dma source(%dma_start3A_93 : memref<40x128xf32, #tpu.memory_space<vmem_shared>>) target(%arg22 : memref<40x128xf32, #tpu.memory_space<vmem>>) target_semaphore(%run_scoped3A : memref<!tpu.dma_semaphore, #tpu.memory_space<semaphore_mem>>)
      %dma_wait3A = arith.constant 0 : i32
      %dma_wait3A_94 = tpu.memref_slice %arg24[%add3A_82, %dma_wait3A] : memref<10240x128xf32, #tpu.memory_space<vmem_shared>> -> memref<40x128xf32, #tpu.memory_space<vmem_shared>>
      %dma_wait3A_95 = arith.constant 0 : i32
      %dma_wait3A_96 = tpu.memref_slice %arg24[%add3A_82, %dma_wait3A_95] : memref<10240x128xf32, #tpu.memory_space<vmem_shared>> -> memref<40x128xf32, #tpu.memory_space<vmem_shared>>
      tpu.wait_dma2 semaphore(%run_scoped3A : memref<!tpu.dma_semaphore, #tpu.memory_space<semaphore_mem>>) src(%dma_wait3A_96 : memref<40x128xf32, #tpu.memory_space<vmem_shared>>) dst(%arg22 : memref<40x128xf32, #tpu.memory_space<vmem>>)
      tpu.yield
    }) : () -> ()
    "tpu.region"() ({
      %run_scoped3A = tpu.sem_alloc : memref<!tpu.dma_semaphore, #tpu.memory_space<semaphore_mem>>
      %dma_start3A = arith.constant 0 : i32
      %dma_start3A_91 = tpu.memref_slice %arg10[%arg0, %add3A_82, %dma_start3A] : memref<2x10240x128xf32, #tpu.memory_space<hbm>> -> memref<1x40x128xf32, #tpu.memory_space<hbm>>
      %dma_start3A_92 = tpu.memref_squeeze %dma_start3A_91 : memref<1x40x128xf32, #tpu.memory_space<hbm>> -> memref<40x128xf32, #tpu.memory_space<hbm>>
      %dma_start3A_93 = arith.constant 0 : i32
      %dma_start3A_94 = tpu.memref_slice %arg10[%arg0, %add3A_82, %dma_start3A_93] : memref<2x10240x128xf32, #tpu.memory_space<hbm>> -> memref<1x40x128xf32, #tpu.memory_space<hbm>>
      %dma_start3A_95 = tpu.memref_squeeze %dma_start3A_94 : memref<1x40x128xf32, #tpu.memory_space<hbm>> -> memref<40x128xf32, #tpu.memory_space<hbm>>
      tpu.enqueue_dma source(%arg22 : memref<40x128xf32, #tpu.memory_space<vmem>>) target(%dma_start3A_95 : memref<40x128xf32, #tpu.memory_space<hbm>>) target_semaphore(%run_scoped3A : memref<!tpu.dma_semaphore, #tpu.memory_space<semaphore_mem>>)
      %dma_wait3A = arith.constant 0 : i32
      %dma_wait3A_96 = tpu.memref_slice %arg10[%arg0, %add3A_82, %dma_wait3A] : memref<2x10240x128xf32, #tpu.memory_space<hbm>> -> memref<1x40x128xf32, #tpu.memory_space<hbm>>
      %dma_wait3A_97 = tpu.memref_squeeze %dma_wait3A_96 : memref<1x40x128xf32, #tpu.memory_space<hbm>> -> memref<40x128xf32, #tpu.memory_space<hbm>>
      %dma_wait3A_98 = arith.constant 0 : i32
      %dma_wait3A_99 = tpu.memref_slice %arg10[%arg0, %add3A_82, %dma_wait3A_98] : memref<2x10240x128xf32, #tpu.memory_space<hbm>> -> memref<1x40x128xf32, #tpu.memory_space<hbm>>
      %dma_wait3A_100 = tpu.memref_squeeze %dma_wait3A_99 : memref<1x40x128xf32, #tpu.memory_space<hbm>> -> memref<40x128xf32, #tpu.memory_space<hbm>>
      tpu.wait_dma2 semaphore(%run_scoped3A : memref<!tpu.dma_semaphore, #tpu.memory_space<semaphore_mem>>) src(%arg22 : memref<40x128xf32, #tpu.memory_space<vmem>>) dst(%dma_wait3A_100 : memref<40x128xf32, #tpu.memory_space<hbm>>)
      tpu.yield
    }) : () -> ()
    %add3A_83 = arith.constant 520 : i32
    %add3A_84 = arith.addi %mul3A_13, %add3A_83 : i32
    "tpu.region"() ({
      %run_scoped3A = tpu.sem_alloc : memref<!tpu.dma_semaphore, #tpu.memory_space<semaphore_mem>>
      %dma_start3A = arith.constant 0 : i32
      %dma_start3A_91 = tpu.memref_slice %arg24[%add3A_84, %dma_start3A] : memref<10240x128xf32, #tpu.memory_space<vmem_shared>> -> memref<40x128xf32, #tpu.memory_space<vmem_shared>>
      %dma_start3A_92 = arith.constant 0 : i32
      %dma_start3A_93 = tpu.memref_slice %arg24[%add3A_84, %dma_start3A_92] : memref<10240x128xf32, #tpu.memory_space<vmem_shared>> -> memref<40x128xf32, #tpu.memory_space<vmem_shared>>
      tpu.enqueue_dma source(%dma_start3A_93 : memref<40x128xf32, #tpu.memory_space<vmem_shared>>) target(%arg22 : memref<40x128xf32, #tpu.memory_space<vmem>>) target_semaphore(%run_scoped3A : memref<!tpu.dma_semaphore, #tpu.memory_space<semaphore_mem>>)
      %dma_wait3A = arith.constant 0 : i32
      %dma_wait3A_94 = tpu.memref_slice %arg24[%add3A_84, %dma_wait3A] : memref<10240x128xf32, #tpu.memory_space<vmem_shared>> -> memref<40x128xf32, #tpu.memory_space<vmem_shared>>
      %dma_wait3A_95 = arith.constant 0 : i32
      %dma_wait3A_96 = tpu.memref_slice %arg24[%add3A_84, %dma_wait3A_95] : memref<10240x128xf32, #tpu.memory_space<vmem_shared>> -> memref<40x128xf32, #tpu.memory_space<vmem_shared>>
      tpu.wait_dma2 semaphore(%run_scoped3A : memref<!tpu.dma_semaphore, #tpu.memory_space<semaphore_mem>>) src(%dma_wait3A_96 : memref<40x128xf32, #tpu.memory_space<vmem_shared>>) dst(%arg22 : memref<40x128xf32, #tpu.memory_space<vmem>>)
      tpu.yield
    }) : () -> ()
    "tpu.region"() ({
      %run_scoped3A = tpu.sem_alloc : memref<!tpu.dma_semaphore, #tpu.memory_space<semaphore_mem>>
      %dma_start3A = arith.constant 0 : i32
      %dma_start3A_91 = tpu.memref_slice %arg10[%arg0, %add3A_84, %dma_start3A] : memref<2x10240x128xf32, #tpu.memory_space<hbm>> -> memref<1x40x128xf32, #tpu.memory_space<hbm>>
      %dma_start3A_92 = tpu.memref_squeeze %dma_start3A_91 : memref<1x40x128xf32, #tpu.memory_space<hbm>> -> memref<40x128xf32, #tpu.memory_space<hbm>>
      %dma_start3A_93 = arith.constant 0 : i32
      %dma_start3A_94 = tpu.memref_slice %arg10[%arg0, %add3A_84, %dma_start3A_93] : memref<2x10240x128xf32, #tpu.memory_space<hbm>> -> memref<1x40x128xf32, #tpu.memory_space<hbm>>
      %dma_start3A_95 = tpu.memref_squeeze %dma_start3A_94 : memref<1x40x128xf32, #tpu.memory_space<hbm>> -> memref<40x128xf32, #tpu.memory_space<hbm>>
      tpu.enqueue_dma source(%arg22 : memref<40x128xf32, #tpu.memory_space<vmem>>) target(%dma_start3A_95 : memref<40x128xf32, #tpu.memory_space<hbm>>) target_semaphore(%run_scoped3A : memref<!tpu.dma_semaphore, #tpu.memory_space<semaphore_mem>>)
      %dma_wait3A = arith.constant 0 : i32
      %dma_wait3A_96 = tpu.memref_slice %arg10[%arg0, %add3A_84, %dma_wait3A] : memref<2x10240x128xf32, #tpu.memory_space<hbm>> -> memref<1x40x128xf32, #tpu.memory_space<hbm>>
      %dma_wait3A_97 = tpu.memref_squeeze %dma_wait3A_96 : memref<1x40x128xf32, #tpu.memory_space<hbm>> -> memref<40x128xf32, #tpu.memory_space<hbm>>
      %dma_wait3A_98 = arith.constant 0 : i32
      %dma_wait3A_99 = tpu.memref_slice %arg10[%arg0, %add3A_84, %dma_wait3A_98] : memref<2x10240x128xf32, #tpu.memory_space<hbm>> -> memref<1x40x128xf32, #tpu.memory_space<hbm>>
      %dma_wait3A_100 = tpu.memref_squeeze %dma_wait3A_99 : memref<1x40x128xf32, #tpu.memory_space<hbm>> -> memref<40x128xf32, #tpu.memory_space<hbm>>
      tpu.wait_dma2 semaphore(%run_scoped3A : memref<!tpu.dma_semaphore, #tpu.memory_space<semaphore_mem>>) src(%arg22 : memref<40x128xf32, #tpu.memory_space<vmem>>) dst(%dma_wait3A_100 : memref<40x128xf32, #tpu.memory_space<hbm>>)
      tpu.yield
    }) : () -> ()
    %add3A_85 = arith.constant 560 : i32
    %add3A_86 = arith.addi %mul3A_13, %add3A_85 : i32
    "tpu.region"() ({
      %run_scoped3A = tpu.sem_alloc : memref<!tpu.dma_semaphore, #tpu.memory_space<semaphore_mem>>
      %dma_start3A = arith.constant 0 : i32
      %dma_start3A_91 = tpu.memref_slice %arg24[%add3A_86, %dma_start3A] : memref<10240x128xf32, #tpu.memory_space<vmem_shared>> -> memref<40x128xf32, #tpu.memory_space<vmem_shared>>
      %dma_start3A_92 = arith.constant 0 : i32
      %dma_start3A_93 = tpu.memref_slice %arg24[%add3A_86, %dma_start3A_92] : memref<10240x128xf32, #tpu.memory_space<vmem_shared>> -> memref<40x128xf32, #tpu.memory_space<vmem_shared>>
      tpu.enqueue_dma source(%dma_start3A_93 : memref<40x128xf32, #tpu.memory_space<vmem_shared>>) target(%arg22 : memref<40x128xf32, #tpu.memory_space<vmem>>) target_semaphore(%run_scoped3A : memref<!tpu.dma_semaphore, #tpu.memory_space<semaphore_mem>>)
      %dma_wait3A = arith.constant 0 : i32
      %dma_wait3A_94 = tpu.memref_slice %arg24[%add3A_86, %dma_wait3A] : memref<10240x128xf32, #tpu.memory_space<vmem_shared>> -> memref<40x128xf32, #tpu.memory_space<vmem_shared>>
      %dma_wait3A_95 = arith.constant 0 : i32
      %dma_wait3A_96 = tpu.memref_slice %arg24[%add3A_86, %dma_wait3A_95] : memref<10240x128xf32, #tpu.memory_space<vmem_shared>> -> memref<40x128xf32, #tpu.memory_space<vmem_shared>>
      tpu.wait_dma2 semaphore(%run_scoped3A : memref<!tpu.dma_semaphore, #tpu.memory_space<semaphore_mem>>) src(%dma_wait3A_96 : memref<40x128xf32, #tpu.memory_space<vmem_shared>>) dst(%arg22 : memref<40x128xf32, #tpu.memory_space<vmem>>)
      tpu.yield
    }) : () -> ()
    "tpu.region"() ({
      %run_scoped3A = tpu.sem_alloc : memref<!tpu.dma_semaphore, #tpu.memory_space<semaphore_mem>>
      %dma_start3A = arith.constant 0 : i32
      %dma_start3A_91 = tpu.memref_slice %arg10[%arg0, %add3A_86, %dma_start3A] : memref<2x10240x128xf32, #tpu.memory_space<hbm>> -> memref<1x40x128xf32, #tpu.memory_space<hbm>>
      %dma_start3A_92 = tpu.memref_squeeze %dma_start3A_91 : memref<1x40x128xf32, #tpu.memory_space<hbm>> -> memref<40x128xf32, #tpu.memory_space<hbm>>
      %dma_start3A_93 = arith.constant 0 : i32
      %dma_start3A_94 = tpu.memref_slice %arg10[%arg0, %add3A_86, %dma_start3A_93] : memref<2x10240x128xf32, #tpu.memory_space<hbm>> -> memref<1x40x128xf32, #tpu.memory_space<hbm>>
      %dma_start3A_95 = tpu.memref_squeeze %dma_start3A_94 : memref<1x40x128xf32, #tpu.memory_space<hbm>> -> memref<40x128xf32, #tpu.memory_space<hbm>>
      tpu.enqueue_dma source(%arg22 : memref<40x128xf32, #tpu.memory_space<vmem>>) target(%dma_start3A_95 : memref<40x128xf32, #tpu.memory_space<hbm>>) target_semaphore(%run_scoped3A : memref<!tpu.dma_semaphore, #tpu.memory_space<semaphore_mem>>)
      %dma_wait3A = arith.constant 0 : i32
      %dma_wait3A_96 = tpu.memref_slice %arg10[%arg0, %add3A_86, %dma_wait3A] : memref<2x10240x128xf32, #tpu.memory_space<hbm>> -> memref<1x40x128xf32, #tpu.memory_space<hbm>>
      %dma_wait3A_97 = tpu.memref_squeeze %dma_wait3A_96 : memref<1x40x128xf32, #tpu.memory_space<hbm>> -> memref<40x128xf32, #tpu.memory_space<hbm>>
      %dma_wait3A_98 = arith.constant 0 : i32
      %dma_wait3A_99 = tpu.memref_slice %arg10[%arg0, %add3A_86, %dma_wait3A_98] : memref<2x10240x128xf32, #tpu.memory_space<hbm>> -> memref<1x40x128xf32, #tpu.memory_space<hbm>>
      %dma_wait3A_100 = tpu.memref_squeeze %dma_wait3A_99 : memref<1x40x128xf32, #tpu.memory_space<hbm>> -> memref<40x128xf32, #tpu.memory_space<hbm>>
      tpu.wait_dma2 semaphore(%run_scoped3A : memref<!tpu.dma_semaphore, #tpu.memory_space<semaphore_mem>>) src(%arg22 : memref<40x128xf32, #tpu.memory_space<vmem>>) dst(%dma_wait3A_100 : memref<40x128xf32, #tpu.memory_space<hbm>>)
      tpu.yield
    }) : () -> ()
    %add3A_87 = arith.constant 600 : i32
    %add3A_88 = arith.addi %mul3A_13, %add3A_87 : i32
    "tpu.region"() ({
      %run_scoped3A = tpu.sem_alloc : memref<!tpu.dma_semaphore, #tpu.memory_space<semaphore_mem>>
      %dma_start3A = arith.constant 0 : i32
      %dma_start3A_91 = tpu.memref_slice %arg24[%add3A_88, %dma_start3A] : memref<10240x128xf32, #tpu.memory_space<vmem_shared>> -> memref<40x128xf32, #tpu.memory_space<vmem_shared>>
      %dma_start3A_92 = arith.constant 0 : i32
      %dma_start3A_93 = tpu.memref_slice %arg24[%add3A_88, %dma_start3A_92] : memref<10240x128xf32, #tpu.memory_space<vmem_shared>> -> memref<40x128xf32, #tpu.memory_space<vmem_shared>>
      tpu.enqueue_dma source(%dma_start3A_93 : memref<40x128xf32, #tpu.memory_space<vmem_shared>>) target(%arg22 : memref<40x128xf32, #tpu.memory_space<vmem>>) target_semaphore(%run_scoped3A : memref<!tpu.dma_semaphore, #tpu.memory_space<semaphore_mem>>)
      %dma_wait3A = arith.constant 0 : i32
      %dma_wait3A_94 = tpu.memref_slice %arg24[%add3A_88, %dma_wait3A] : memref<10240x128xf32, #tpu.memory_space<vmem_shared>> -> memref<40x128xf32, #tpu.memory_space<vmem_shared>>
      %dma_wait3A_95 = arith.constant 0 : i32
      %dma_wait3A_96 = tpu.memref_slice %arg24[%add3A_88, %dma_wait3A_95] : memref<10240x128xf32, #tpu.memory_space<vmem_shared>> -> memref<40x128xf32, #tpu.memory_space<vmem_shared>>
      tpu.wait_dma2 semaphore(%run_scoped3A : memref<!tpu.dma_semaphore, #tpu.memory_space<semaphore_mem>>) src(%dma_wait3A_96 : memref<40x128xf32, #tpu.memory_space<vmem_shared>>) dst(%arg22 : memref<40x128xf32, #tpu.memory_space<vmem>>)
      tpu.yield
    }) : () -> ()
    "tpu.region"() ({
      %run_scoped3A = tpu.sem_alloc : memref<!tpu.dma_semaphore, #tpu.memory_space<semaphore_mem>>
      %dma_start3A = arith.constant 0 : i32
      %dma_start3A_91 = tpu.memref_slice %arg10[%arg0, %add3A_88, %dma_start3A] : memref<2x10240x128xf32, #tpu.memory_space<hbm>> -> memref<1x40x128xf32, #tpu.memory_space<hbm>>
      %dma_start3A_92 = tpu.memref_squeeze %dma_start3A_91 : memref<1x40x128xf32, #tpu.memory_space<hbm>> -> memref<40x128xf32, #tpu.memory_space<hbm>>
      %dma_start3A_93 = arith.constant 0 : i32
      %dma_start3A_94 = tpu.memref_slice %arg10[%arg0, %add3A_88, %dma_start3A_93] : memref<2x10240x128xf32, #tpu.memory_space<hbm>> -> memref<1x40x128xf32, #tpu.memory_space<hbm>>
      %dma_start3A_95 = tpu.memref_squeeze %dma_start3A_94 : memref<1x40x128xf32, #tpu.memory_space<hbm>> -> memref<40x128xf32, #tpu.memory_space<hbm>>
      tpu.enqueue_dma source(%arg22 : memref<40x128xf32, #tpu.memory_space<vmem>>) target(%dma_start3A_95 : memref<40x128xf32, #tpu.memory_space<hbm>>) target_semaphore(%run_scoped3A : memref<!tpu.dma_semaphore, #tpu.memory_space<semaphore_mem>>)
      %dma_wait3A = arith.constant 0 : i32
      %dma_wait3A_96 = tpu.memref_slice %arg10[%arg0, %add3A_88, %dma_wait3A] : memref<2x10240x128xf32, #tpu.memory_space<hbm>> -> memref<1x40x128xf32, #tpu.memory_space<hbm>>
      %dma_wait3A_97 = tpu.memref_squeeze %dma_wait3A_96 : memref<1x40x128xf32, #tpu.memory_space<hbm>> -> memref<40x128xf32, #tpu.memory_space<hbm>>
      %dma_wait3A_98 = arith.constant 0 : i32
      %dma_wait3A_99 = tpu.memref_slice %arg10[%arg0, %add3A_88, %dma_wait3A_98] : memref<2x10240x128xf32, #tpu.memory_space<hbm>> -> memref<1x40x128xf32, #tpu.memory_space<hbm>>
      %dma_wait3A_100 = tpu.memref_squeeze %dma_wait3A_99 : memref<1x40x128xf32, #tpu.memory_space<hbm>> -> memref<40x128xf32, #tpu.memory_space<hbm>>
      tpu.wait_dma2 semaphore(%run_scoped3A : memref<!tpu.dma_semaphore, #tpu.memory_space<semaphore_mem>>) src(%arg22 : memref<40x128xf32, #tpu.memory_space<vmem>>) dst(%dma_wait3A_100 : memref<40x128xf32, #tpu.memory_space<hbm>>)
      tpu.yield
    }) : () -> ()
    %mul3A_89 = arith.constant 40 : i32
    %mul3A_90 = arith.muli %arg1, %mul3A_89 : i32
    "tpu.region"() ({
      %run_scoped3A = tpu.sem_alloc : memref<!tpu.dma_semaphore, #tpu.memory_space<semaphore_mem>>
      %dma_start3A = arith.constant 0 : i32
      %dma_start3A_91 = tpu.memref_slice %arg25[%mul3A_90, %dma_start3A] : memref<640x128xf32, #tpu.memory_space<vmem_shared>> -> memref<40x128xf32, #tpu.memory_space<vmem_shared>>
      %dma_start3A_92 = arith.constant 0 : i32
      %dma_start3A_93 = tpu.memref_slice %arg25[%mul3A_90, %dma_start3A_92] : memref<640x128xf32, #tpu.memory_space<vmem_shared>> -> memref<40x128xf32, #tpu.memory_space<vmem_shared>>
      tpu.enqueue_dma source(%dma_start3A_93 : memref<40x128xf32, #tpu.memory_space<vmem_shared>>) target(%arg22 : memref<40x128xf32, #tpu.memory_space<vmem>>) target_semaphore(%run_scoped3A : memref<!tpu.dma_semaphore, #tpu.memory_space<semaphore_mem>>)
      %dma_wait3A = arith.constant 0 : i32
      %dma_wait3A_94 = tpu.memref_slice %arg25[%mul3A_90, %dma_wait3A] : memref<640x128xf32, #tpu.memory_space<vmem_shared>> -> memref<40x128xf32, #tpu.memory_space<vmem_shared>>
      %dma_wait3A_95 = arith.constant 0 : i32
      %dma_wait3A_96 = tpu.memref_slice %arg25[%mul3A_90, %dma_wait3A_95] : memref<640x128xf32, #tpu.memory_space<vmem_shared>> -> memref<40x128xf32, #tpu.memory_space<vmem_shared>>
      tpu.wait_dma2 semaphore(%run_scoped3A : memref<!tpu.dma_semaphore, #tpu.memory_space<semaphore_mem>>) src(%dma_wait3A_96 : memref<40x128xf32, #tpu.memory_space<vmem_shared>>) dst(%arg22 : memref<40x128xf32, #tpu.memory_space<vmem>>)
      tpu.yield
    }) : () -> ()
    "tpu.region"() ({
      %run_scoped3A = tpu.sem_alloc : memref<!tpu.dma_semaphore, #tpu.memory_space<semaphore_mem>>
      %dma_start3A = arith.constant 0 : i32
      %dma_start3A_91 = tpu.memref_slice %arg11[%arg0, %mul3A_90, %dma_start3A] : memref<2x640x128xf32, #tpu.memory_space<hbm>> -> memref<1x40x128xf32, #tpu.memory_space<hbm>>
      %dma_start3A_92 = tpu.memref_squeeze %dma_start3A_91 : memref<1x40x128xf32, #tpu.memory_space<hbm>> -> memref<40x128xf32, #tpu.memory_space<hbm>>
      %dma_start3A_93 = arith.constant 0 : i32
      %dma_start3A_94 = tpu.memref_slice %arg11[%arg0, %mul3A_90, %dma_start3A_93] : memref<2x640x128xf32, #tpu.memory_space<hbm>> -> memref<1x40x128xf32, #tpu.memory_space<hbm>>
      %dma_start3A_95 = tpu.memref_squeeze %dma_start3A_94 : memref<1x40x128xf32, #tpu.memory_space<hbm>> -> memref<40x128xf32, #tpu.memory_space<hbm>>
      tpu.enqueue_dma source(%arg22 : memref<40x128xf32, #tpu.memory_space<vmem>>) target(%dma_start3A_95 : memref<40x128xf32, #tpu.memory_space<hbm>>) target_semaphore(%run_scoped3A : memref<!tpu.dma_semaphore, #tpu.memory_space<semaphore_mem>>)
      %dma_wait3A = arith.constant 0 : i32
      %dma_wait3A_96 = tpu.memref_slice %arg11[%arg0, %mul3A_90, %dma_wait3A] : memref<2x640x128xf32, #tpu.memory_space<hbm>> -> memref<1x40x128xf32, #tpu.memory_space<hbm>>
      %dma_wait3A_97 = tpu.memref_squeeze %dma_wait3A_96 : memref<1x40x128xf32, #tpu.memory_space<hbm>> -> memref<40x128xf32, #tpu.memory_space<hbm>>
      %dma_wait3A_98 = arith.constant 0 : i32
      %dma_wait3A_99 = tpu.memref_slice %arg11[%arg0, %mul3A_90, %dma_wait3A_98] : memref<2x640x128xf32, #tpu.memory_space<hbm>> -> memref<1x40x128xf32, #tpu.memory_space<hbm>>
      %dma_wait3A_100 = tpu.memref_squeeze %dma_wait3A_99 : memref<1x40x128xf32, #tpu.memory_space<hbm>> -> memref<40x128xf32, #tpu.memory_space<hbm>>
      tpu.wait_dma2 semaphore(%run_scoped3A : memref<!tpu.dma_semaphore, #tpu.memory_space<semaphore_mem>>) src(%arg22 : memref<40x128xf32, #tpu.memory_space<vmem>>) dst(%dma_wait3A_100 : memref<40x128xf32, #tpu.memory_space<hbm>>)
      tpu.yield
    }) : () -> ()
    return
  }
}

module attributes {stable_mosaic.version = 14 : i64} {
  func.func @_proj_body(%arg0: i32, %arg1: memref<1000x128xf32, #tpu.memory_space<vmem>>, %arg2: memref<128x128xf32, #tpu.memory_space<vmem>>, %arg3: memref<1x128xf32, #tpu.memory_space<vmem>>, %arg4: memref<128x128xf32, #tpu.memory_space<vmem>>, %arg5: memref<1x128xf32, #tpu.memory_space<vmem>>, %arg6: memref<128x128xf32, #tpu.memory_space<vmem>>, %arg7: memref<1x128xf32, #tpu.memory_space<vmem>>, %arg8: memref<1x1x32000xi32, #tpu.memory_space<vmem>>, %arg9: memref<1000x128xf32, #tpu.memory_space<vmem>>, %arg10: memref<1000x128xf32, #tpu.memory_space<vmem>>, %arg11: memref<1000x128xf32, #tpu.memory_space<vmem>>, %arg12: memref<1x1x32000xi32, #tpu.memory_space<vmem>>, %arg13: memref<1x1x32000xi32, #tpu.memory_space<vmem>>, %arg14: memref<1x1x32000xi32, #tpu.memory_space<vmem>>) attributes {dimension_semantics = [#tpu.dimension_semantics<arbitrary>], iteration_bounds = array<i64: 10>, scalar_prefetch = 0 : i64, scratch_operands = 0 : i64, tpu.core_type = #tpu.core_type<tc>, window_params = [{transform_indices = @transform_0, window_bounds = array<i64: 1000, 128>}, {pipeline_mode = #tpu.pipeline_mode<synchronous>, transform_indices = @transform_1, window_bounds = array<i64: 128, 128>}, {pipeline_mode = #tpu.pipeline_mode<synchronous>, transform_indices = @transform_2, window_bounds = array<i64: 1, 128>}, {pipeline_mode = #tpu.pipeline_mode<synchronous>, transform_indices = @transform_3, window_bounds = array<i64: 128, 128>}, {pipeline_mode = #tpu.pipeline_mode<synchronous>, transform_indices = @transform_4, window_bounds = array<i64: 1, 128>}, {pipeline_mode = #tpu.pipeline_mode<synchronous>, transform_indices = @transform_5, window_bounds = array<i64: 128, 128>}, {pipeline_mode = #tpu.pipeline_mode<synchronous>, transform_indices = @transform_6, window_bounds = array<i64: 1, 128>}, {transform_indices = @transform_7, window_bounds = array<i64: 1, 1, 32000>}, {transform_indices = @transform_8, window_bounds = array<i64: 1000, 128>}, {transform_indices = @transform_9, window_bounds = array<i64: 1000, 128>}, {transform_indices = @transform_10, window_bounds = array<i64: 1000, 128>}, {transform_indices = @transform_11, window_bounds = array<i64: 1, 1, 32000>}, {transform_indices = @transform_12, window_bounds = array<i64: 1, 1, 32000>}, {transform_indices = @transform_13, window_bounds = array<i64: 1, 1, 32000>}]} {
    %get3A = arith.constant 0 : index
    %get3A_0 = arith.constant 0 : index
    %get3A_1 = vector.load %arg1[%get3A, %get3A_0] : memref<1000x128xf32, #tpu.memory_space<vmem>>, vector<1000x128xf32>
    %get3A_2 = arith.constant 0 : index
    %get3A_3 = arith.constant 0 : index
    %get3A_4 = arith.constant 0 : index
    %get3A_5 = vector.load %arg8[%get3A_2, %get3A_3, %get3A_4] : memref<1x1x32000xi32, #tpu.memory_space<vmem>>, vector<1x1x32000xi32>
    %shift_right_logical3A = arith.constant 4 : i32
    %shift_right_logical3A_6 = vector.broadcast %shift_right_logical3A : i32 to vector<1x1x32000xi32>
    %shift_right_logical3A_7 = arith.shrui %get3A_5, %shift_right_logical3A_6 : vector<1x1x32000xi32>
    %swap3A = arith.constant 0 : index
    %swap3A_8 = arith.constant 0 : index
    %swap3A_9 = arith.constant 0 : index
    %swap3A_10 = vector.load %arg12[%swap3A, %swap3A_8, %swap3A_9] : memref<1x1x32000xi32, #tpu.memory_space<vmem>>, vector<1x1x32000xi32>
    tpu.vector_store %arg12[%swap3A, %swap3A_8, %swap3A_9], %shift_right_logical3A_7 {strides = array<i32>} : memref<1x1x32000xi32, #tpu.memory_space<vmem>>, vector<1x1x32000xi32>,
    %and3A = arith.constant 15 : i32
    %and3A_11 = vector.broadcast %and3A : i32 to vector<1x1x32000xi32>
    %and3A_12 = arith.andi %get3A_5, %and3A_11 : vector<1x1x32000xi32>
    %shift_right_logical3A_13 = arith.constant 1 : i32
    %shift_right_logical3A_14 = vector.broadcast %shift_right_logical3A_13 : i32 to vector<1x1x32000xi32>
    %shift_right_logical3A_15 = arith.shrui %and3A_12, %shift_right_logical3A_14 : vector<1x1x32000xi32>
    %shift_left3A = arith.constant 4 : i32
    %shift_left3A_16 = vector.broadcast %shift_left3A : i32 to vector<1x1x32000xi32>
    %shift_left3A_17 = arith.shli %shift_right_logical3A_15, %shift_left3A_16 : vector<1x1x32000xi32>
    %swap3A_18 = arith.constant 0 : index
    %swap3A_19 = arith.constant 0 : index
    %swap3A_20 = arith.constant 0 : index
    %swap3A_21 = vector.load %arg13[%swap3A_18, %swap3A_19, %swap3A_20] : memref<1x1x32000xi32, #tpu.memory_space<vmem>>, vector<1x1x32000xi32>
    tpu.vector_store %arg13[%swap3A_18, %swap3A_19, %swap3A_20], %shift_left3A_17 {strides = array<i32>} : memref<1x1x32000xi32, #tpu.memory_space<vmem>>, vector<1x1x32000xi32>,
    %and3A_22 = arith.constant 1 : i32
    %and3A_23 = vector.broadcast %and3A_22 : i32 to vector<1x1x32000xi32>
    %and3A_24 = arith.andi %get3A_5, %and3A_23 : vector<1x1x32000xi32>
    %shift_left3A_25 = arith.constant 3 : i32
    %shift_left3A_26 = vector.broadcast %shift_left3A_25 : i32 to vector<1x1x32000xi32>
    %shift_left3A_27 = arith.shli %and3A_24, %shift_left3A_26 : vector<1x1x32000xi32>
    %swap3A_28 = arith.constant 0 : index
    %swap3A_29 = arith.constant 0 : index
    %swap3A_30 = arith.constant 0 : index
    %swap3A_31 = vector.load %arg14[%swap3A_28, %swap3A_29, %swap3A_30] : memref<1x1x32000xi32, #tpu.memory_space<vmem>>, vector<1x1x32000xi32>
    tpu.vector_store %arg14[%swap3A_28, %swap3A_29, %swap3A_30], %shift_left3A_27 {strides = array<i32>} : memref<1x1x32000xi32, #tpu.memory_space<vmem>>, vector<1x1x32000xi32>,
    %sqrt3A = arith.constant 1.280000e+02 : f32
    %sqrt3A_32 = math.sqrt %sqrt3A : f32
    %div3A = arith.constant 1.000000e+00 : f32
    %div3A_33 = arith.divf %div3A, %sqrt3A_32 : f32
    %get3A_34 = arith.constant 0 : index
    %get3A_35 = arith.constant 0 : index
    %get3A_36 = vector.load %arg2[%get3A_34, %get3A_35] : memref<128x128xf32, #tpu.memory_space<vmem>>, vector<128x128xf32>
    %dot_general3A = arith.constant dense<0.000000e+00> : vector<1000x128xf32>
    %dot_general3A_37 = tpu.matmul %get3A_1, %get3A_36, %dot_general3A {dimension_numbers = #tpu.dot_dimension_numbers<[1], [0], [0], [1], [0, 0, 1, 1], [], []>, transpose_lhs_hint = false} : vector<1000x128xf32>, vector<128x128xf32>, vector<1000x128xf32> -> vector<1000x128xf32>
    %get3A_38 = arith.constant 0 : index
    %get3A_39 = arith.constant 0 : index
    %get3A_40 = vector.load %arg3[%get3A_38, %get3A_39] : memref<1x128xf32, #tpu.memory_space<vmem>>, vector<1x128xf32>
    %add3A = vector.broadcast %get3A_40 : vector<1x128xf32> to vector<1000x128xf32>
    %add3A_41 = arith.addf %dot_general3A_37, %add3A : vector<1000x128xf32>
    %mul3A = vector.broadcast %div3A_33 : f32 to vector<1000x128xf32>
    %mul3A_42 = arith.mulf %add3A_41, %mul3A : vector<1000x128xf32>
    %swap3A_43 = arith.constant 0 : index
    %swap3A_44 = arith.constant 0 : index
    %swap3A_45 = vector.load %arg9[%swap3A_43, %swap3A_44] : memref<1000x128xf32, #tpu.memory_space<vmem>>, vector<1000x128xf32>
    tpu.vector_store %arg9[%swap3A_43, %swap3A_44], %mul3A_42 {strides = array<i32>} : memref<1000x128xf32, #tpu.memory_space<vmem>>, vector<1000x128xf32>,
    %get3A_46 = arith.constant 0 : index
    %get3A_47 = arith.constant 0 : index
    %get3A_48 = vector.load %arg4[%get3A_46, %get3A_47] : memref<128x128xf32, #tpu.memory_space<vmem>>, vector<128x128xf32>
    %dot_general3A_49 = arith.constant dense<0.000000e+00> : vector<1000x128xf32>
    %dot_general3A_50 = tpu.matmul %get3A_1, %get3A_48, %dot_general3A_49 {dimension_numbers = #tpu.dot_dimension_numbers<[1], [0], [0], [1], [0, 0, 1, 1], [], []>, transpose_lhs_hint = false} : vector<1000x128xf32>, vector<128x128xf32>, vector<1000x128xf32> -> vector<1000x128xf32>
    %get3A_51 = arith.constant 0 : index
    %get3A_52 = arith.constant 0 : index
    %get3A_53 = vector.load %arg5[%get3A_51, %get3A_52] : memref<1x128xf32, #tpu.memory_space<vmem>>, vector<1x128xf32>
    %add3A_54 = vector.broadcast %get3A_53 : vector<1x128xf32> to vector<1000x128xf32>
    %add3A_55 = arith.addf %dot_general3A_50, %add3A_54 : vector<1000x128xf32>
    %swap3A_56 = arith.constant 0 : index
    %swap3A_57 = arith.constant 0 : index
    %swap3A_58 = vector.load %arg10[%swap3A_56, %swap3A_57] : memref<1000x128xf32, #tpu.memory_space<vmem>>, vector<1000x128xf32>
    tpu.vector_store %arg10[%swap3A_56, %swap3A_57], %add3A_55 {strides = array<i32>} : memref<1000x128xf32, #tpu.memory_space<vmem>>, vector<1000x128xf32>,
    %get3A_59 = arith.constant 0 : index
    %get3A_60 = arith.constant 0 : index
    %get3A_61 = vector.load %arg6[%get3A_59, %get3A_60] : memref<128x128xf32, #tpu.memory_space<vmem>>, vector<128x128xf32>
    %dot_general3A_62 = arith.constant dense<0.000000e+00> : vector<1000x128xf32>
    %dot_general3A_63 = tpu.matmul %get3A_1, %get3A_61, %dot_general3A_62 {dimension_numbers = #tpu.dot_dimension_numbers<[1], [0], [0], [1], [0, 0, 1, 1], [], []>, transpose_lhs_hint = false} : vector<1000x128xf32>, vector<128x128xf32>, vector<1000x128xf32> -> vector<1000x128xf32>
    %get3A_64 = arith.constant 0 : index
    %get3A_65 = arith.constant 0 : index
    %get3A_66 = vector.load %arg7[%get3A_64, %get3A_65] : memref<1x128xf32, #tpu.memory_space<vmem>>, vector<1x128xf32>
    %add3A_67 = vector.broadcast %get3A_66 : vector<1x128xf32> to vector<1000x128xf32>
    %add3A_68 = arith.addf %dot_general3A_63, %add3A_67 : vector<1000x128xf32>
    %swap3A_69 = arith.constant 0 : index
    %swap3A_70 = arith.constant 0 : index
    %swap3A_71 = vector.load %arg11[%swap3A_69, %swap3A_70] : memref<1000x128xf32, #tpu.memory_space<vmem>>, vector<1000x128xf32>
    tpu.vector_store %arg11[%swap3A_69, %swap3A_70], %add3A_68 {strides = array<i32>} : memref<1000x128xf32, #tpu.memory_space<vmem>>, vector<1000x128xf32>,
    return
  }
  func.func @transform_0(%arg0: i32) -> (i32, i32) {
    %c0_i32 = arith.constant 0 : i32
    %c0_i32_0 = arith.constant 0 : i32
    return %arg0, %c0_i32 : i32, i32
  }
  func.func @transform_1(%arg0: i32) -> (i32, i32) {
    %c0_i32 = arith.constant 0 : i32
    %c0_i32_0 = arith.constant 0 : i32
    %c0_i32_1 = arith.constant 0 : i32
    return %c0_i32, %c0_i32_0 : i32, i32
  }
  func.func @transform_2(%arg0: i32) -> (i32, i32) {
    %c0_i32 = arith.constant 0 : i32
    %c0_i32_0 = arith.constant 0 : i32
    %c0_i32_1 = arith.constant 0 : i32
    return %c0_i32, %c0_i32_0 : i32, i32
  }
  func.func @transform_3(%arg0: i32) -> (i32, i32) {
    %c0_i32 = arith.constant 0 : i32
    %c0_i32_0 = arith.constant 0 : i32
    %c0_i32_1 = arith.constant 0 : i32
    return %c0_i32, %c0_i32_0 : i32, i32
  }
  func.func @transform_4(%arg0: i32) -> (i32, i32) {
    %c0_i32 = arith.constant 0 : i32
    %c0_i32_0 = arith.constant 0 : i32
    %c0_i32_1 = arith.constant 0 : i32
    return %c0_i32, %c0_i32_0 : i32, i32
  }
  func.func @transform_5(%arg0: i32) -> (i32, i32) {
    %c0_i32 = arith.constant 0 : i32
    %c0_i32_0 = arith.constant 0 : i32
    %c0_i32_1 = arith.constant 0 : i32
    return %c0_i32, %c0_i32_0 : i32, i32
  }
  func.func @transform_6(%arg0: i32) -> (i32, i32) {
    %c0_i32 = arith.constant 0 : i32
    %c0_i32_0 = arith.constant 0 : i32
    %c0_i32_1 = arith.constant 0 : i32
    return %c0_i32, %c0_i32_0 : i32, i32
  }
  func.func @transform_7(%arg0: i32) -> (i32, i32, i32) {
    %c0_i32 = arith.constant 0 : i32
    %c0_i32_0 = arith.constant 0 : i32
    %c0_i32_1 = arith.constant 0 : i32
    return %arg0, %c0_i32, %c0_i32_0 : i32, i32, i32
  }
  func.func @transform_8(%arg0: i32) -> (i32, i32) {
    %c0_i32 = arith.constant 0 : i32
    %c0_i32_0 = arith.constant 0 : i32
    return %arg0, %c0_i32 : i32, i32
  }
  func.func @transform_9(%arg0: i32) -> (i32, i32) {
    %c0_i32 = arith.constant 0 : i32
    %c0_i32_0 = arith.constant 0 : i32
    return %arg0, %c0_i32 : i32, i32
  }
  func.func @transform_10(%arg0: i32) -> (i32, i32) {
    %c0_i32 = arith.constant 0 : i32
    %c0_i32_0 = arith.constant 0 : i32
    return %arg0, %c0_i32 : i32, i32
  }
  func.func @transform_11(%arg0: i32) -> (i32, i32, i32) {
    %c0_i32 = arith.constant 0 : i32
    %c0_i32_0 = arith.constant 0 : i32
    %c0_i32_1 = arith.constant 0 : i32
    return %arg0, %c0_i32, %c0_i32_0 : i32, i32, i32
  }
  func.func @transform_12(%arg0: i32) -> (i32, i32, i32) {
    %c0_i32 = arith.constant 0 : i32
    %c0_i32_0 = arith.constant 0 : i32
    %c0_i32_1 = arith.constant 0 : i32
    return %arg0, %c0_i32, %c0_i32_0 : i32, i32, i32
  }
  func.func @transform_13(%arg0: i32) -> (i32, i32, i32) {
    %c0_i32 = arith.constant 0 : i32
    %c0_i32_0 = arith.constant 0 : i32
    %c0_i32_1 = arith.constant 0 : i32
    return %arg0, %c0_i32, %c0_i32_0 : i32, i32, i32
  }
}

module attributes {stable_mosaic.version = 14 : i64} {
  func.func @_comb_body(%arg0: i32, %arg1: memref<2x1000x128xf32, #tpu.memory_space<vmem>>, %arg2: memref<2x1000x8xf32, #tpu.memory_space<vmem>>, %arg3: memref<1000x128xf32, #tpu.memory_space<vmem>>, %arg4: memref<1x128xf32, #tpu.memory_space<vmem>>, %arg5: memref<1x128xf32, #tpu.memory_space<vmem>>, %arg6: memref<128x512xf32, #tpu.memory_space<vmem>>, %arg7: memref<1x512xf32, #tpu.memory_space<vmem>>, %arg8: memref<1x512xf32, #tpu.memory_space<vmem>>, %arg9: memref<512x128xf32, #tpu.memory_space<vmem>>, %arg10: memref<1x128xf32, #tpu.memory_space<vmem>>, %arg11: memref<1000x128xf32, #tpu.memory_space<vmem>>) attributes {dimension_semantics = [#tpu.dimension_semantics<arbitrary>], iteration_bounds = array<i64: 10>, scalar_prefetch = 0 : i64, scratch_operands = 0 : i64, tpu.core_type = #tpu.core_type<tc>, window_params = [{transform_indices = @transform_0, window_bounds = array<i64: 2, 1000, 128>}, {transform_indices = @transform_1, window_bounds = array<i64: 2, 1000, 8>}, {transform_indices = @transform_2, window_bounds = array<i64: 1000, 128>}, {pipeline_mode = #tpu.pipeline_mode<synchronous>, transform_indices = @transform_3, window_bounds = array<i64: 1, 128>}, {pipeline_mode = #tpu.pipeline_mode<synchronous>, transform_indices = @transform_4, window_bounds = array<i64: 1, 128>}, {pipeline_mode = #tpu.pipeline_mode<synchronous>, transform_indices = @transform_5, window_bounds = array<i64: 128, 512>}, {pipeline_mode = #tpu.pipeline_mode<synchronous>, transform_indices = @transform_6, window_bounds = array<i64: 1, 512>}, {pipeline_mode = #tpu.pipeline_mode<synchronous>, transform_indices = @transform_7, window_bounds = array<i64: 1, 512>}, {pipeline_mode = #tpu.pipeline_mode<synchronous>, transform_indices = @transform_8, window_bounds = array<i64: 512, 128>}, {pipeline_mode = #tpu.pipeline_mode<synchronous>, transform_indices = @transform_9, window_bounds = array<i64: 1, 128>}, {transform_indices = @transform_10, window_bounds = array<i64: 1000, 128>}]} {
    %get3A = arith.constant 0 : index
    %get3A_0 = arith.constant 0 : index
    %get3A_1 = arith.constant 0 : index
    %get3A_2 = vector.load %arg1[%get3A, %get3A_0, %get3A_1] : memref<2x1000x128xf32, #tpu.memory_space<vmem>>, vector<2x1000x128xf32>
    %slice3A = vector.extract_strided_slice %get3A_2 {offsets = [0, 0, 0], sizes = [1, 1000, 128], strides = [1, 1, 1]} : vector<2x1000x128xf32> to vector<1x1000x128xf32>
    %squeeze3A = vector.shape_cast %slice3A : vector<1x1000x128xf32> to vector<1000x128xf32>
    %slice3A_3 = vector.extract_strided_slice %get3A_2 {offsets = [1, 0, 0], sizes = [1, 1000, 128], strides = [1, 1, 1]} : vector<2x1000x128xf32> to vector<1x1000x128xf32>
    %squeeze3A_4 = vector.shape_cast %slice3A_3 : vector<1x1000x128xf32> to vector<1000x128xf32>
    %add3A = arith.addf %squeeze3A, %squeeze3A_4 : vector<1000x128xf32>
    %get3A_5 = arith.constant 0 : index
    %get3A_6 = arith.constant 0 : index
    %get3A_7 = arith.constant 0 : index
    %get3A_8 = vector.load %arg2[%get3A_5, %get3A_6, %get3A_7] : memref<2x1000x8xf32, #tpu.memory_space<vmem>>, vector<2x1000x8xf32>
    %slice3A_9 = vector.extract_strided_slice %get3A_8 {offsets = [0, 0, 0], sizes = [1, 1000, 8], strides = [1, 1, 1]} : vector<2x1000x8xf32> to vector<1x1000x8xf32>
    %squeeze3A_10 = vector.shape_cast %slice3A_9 : vector<1x1000x8xf32> to vector<1000x8xf32>
    %slice3A_11 = vector.extract_strided_slice %get3A_8 {offsets = [1, 0, 0], sizes = [1, 1000, 8], strides = [1, 1, 1]} : vector<2x1000x8xf32> to vector<1x1000x8xf32>
    %squeeze3A_12 = vector.shape_cast %slice3A_11 : vector<1x1000x8xf32> to vector<1000x8xf32>
    %add3A_13 = arith.addf %squeeze3A_10, %squeeze3A_12 : vector<1000x8xf32>
    %eq3A = arith.constant 0.000000e+00 : f32
    %eq3A_14 = vector.broadcast %eq3A : f32 to vector<1000x8xf32>
    %eq3A_15 = arith.cmpf oeq, %add3A_13, %eq3A_14 : vector<1000x8xf32>
    %jit3A = arith.constant 1.000000e+00 : f32
    %broadcast_in_dim3A = vector.broadcast %jit3A : f32 to vector<1000x8xf32>
    %select_n3A = arith.select %eq3A_15, %broadcast_in_dim3A, %add3A_13 : vector<1000x8xi1>, vector<1000x8xf32>
    %iota3A = tpu.iota {dimensions = array<i32: 0>} : vector<8x128xi32>
    %iota3A_16 = tpu.iota {dimensions = array<i32: 1>} : vector<8x128xi32>
    %jit3A_17 = arith.constant 16 : i32
    %div3A = vector.broadcast %jit3A_17 : i32 to vector<8x128xi32>
    %div3A_18 = arith.divsi %iota3A_16, %div3A : vector<8x128xi32>
    %sign3A = arith.constant 0 : i32
    %sign3A_19 = vector.broadcast %sign3A : i32 to vector<8x128xi32>
    %sign3A_20 = arith.cmpi sgt, %iota3A_16, %sign3A_19 : vector<8x128xi32>
    %sign3A_21 = arith.extui %sign3A_20 : vector<8x128xi1> to vector<8x128xi32>
    %sign3A_22 = arith.constant 0 : i32
    %sign3A_23 = vector.broadcast %sign3A_22 : i32 to vector<8x128xi32>
    %sign3A_24 = arith.cmpi slt, %iota3A_16, %sign3A_23 : vector<8x128xi32>
    %sign3A_25 = arith.extui %sign3A_24 : vector<8x128xi1> to vector<8x128xi32>
    %sign3A_26 = arith.subi %sign3A_21, %sign3A_25 : vector<8x128xi32>
    %sign3A_27 = arith.constant 0 : i32
    %sign3A_28 = arith.cmpi sgt, %jit3A_17, %sign3A_27 : i32
    %sign3A_29 = arith.extui %sign3A_28 : i1 to i32
    %sign3A_30 = arith.constant 0 : i32
    %sign3A_31 = arith.cmpi slt, %jit3A_17, %sign3A_30 : i32
    %sign3A_32 = arith.extui %sign3A_31 : i1 to i32
    %sign3A_33 = arith.subi %sign3A_29, %sign3A_32 : i32
    %ne3A = vector.broadcast %sign3A_33 : i32 to vector<8x128xi32>
    %ne3A_34 = arith.cmpi ne, %sign3A_26, %ne3A : vector<8x128xi32>
    %rem3A = vector.broadcast %jit3A_17 : i32 to vector<8x128xi32>
    %rem3A_35 = arith.remsi %iota3A_16, %rem3A : vector<8x128xi32>
    %ne3A_36 = arith.constant 0 : i32
    %ne3A_37 = vector.broadcast %ne3A_36 : i32 to vector<8x128xi32>
    %ne3A_38 = arith.cmpi ne, %rem3A_35, %ne3A_37 : vector<8x128xi32>
    %and3A = arith.andi %ne3A_34, %ne3A_38 : vector<8x128xi1>
    %sub3A = arith.constant 1 : i32
    %sub3A_39 = vector.broadcast %sub3A : i32 to vector<8x128xi32>
    %sub3A_40 = arith.subi %div3A_18, %sub3A_39 : vector<8x128xi32>
    %select_n3A_41 = arith.select %and3A, %sub3A_40, %div3A_18 : vector<8x128xi1>, vector<8x128xi32>
    %eq3A_42 = arith.cmpi eq, %select_n3A_41, %iota3A : vector<8x128xi32>
    %convert_element_type3A = arith.extui %eq3A_42 : vector<8x128xi1> to vector<8x128xi32>
    %convert_element_type3A_43 = arith.sitofp %convert_element_type3A : vector<8x128xi32> to vector<8x128xf32>
    %dot_general3A = arith.constant dense<0.000000e+00> : vector<1000x128xf32>
    %dot_general3A_44 = tpu.matmul %select_n3A, %convert_element_type3A_43, %dot_general3A {dimension_numbers = #tpu.dot_dimension_numbers<[1], [0], [0], [1], [0, 0, 1, 1], [], []>, transpose_lhs_hint = false} : vector<1000x8xf32>, vector<8x128xf32>, vector<1000x128xf32> -> vector<1000x128xf32>
    %div3A_45 = arith.divf %add3A, %dot_general3A_44 : vector<1000x128xf32>
    %get3A_46 = arith.constant 0 : index
    %get3A_47 = arith.constant 0 : index
    %get3A_48 = vector.load %arg3[%get3A_46, %get3A_47] : memref<1000x128xf32, #tpu.memory_space<vmem>>, vector<1000x128xf32>
    %add3A_49 = arith.addf %div3A_45, %get3A_48 : vector<1000x128xf32>
    %get3A_50 = arith.constant 0 : index
    %get3A_51 = arith.constant 0 : index
    %get3A_52 = vector.load %arg4[%get3A_50, %get3A_51] : memref<1x128xf32, #tpu.memory_space<vmem>>, vector<1x128xf32>
    %get3A_53 = arith.constant 0 : index
    %get3A_54 = arith.constant 0 : index
    %get3A_55 = vector.load %arg5[%get3A_53, %get3A_54] : memref<1x128xf32, #tpu.memory_space<vmem>>, vector<1x128xf32>
    %reduce_sum3A = arith.constant dense<0.000000e+00> : vector<1000xf32>
    %reduce_sum3A_56 = vector.multi_reduction <add>, %add3A_49, %reduce_sum3A [1] : vector<1000x128xf32> to vector<1000xf32>
    %broadcast_in_dim3A_57 = vector.shape_cast %reduce_sum3A_56 : vector<1000xf32> to vector<1000x1xf32>
    %div3A_58 = arith.constant 1.280000e+02 : f32
    %div3A_59 = vector.broadcast %div3A_58 : f32 to vector<1000x1xf32>
    %div3A_60 = arith.divf %broadcast_in_dim3A_57, %div3A_59 : vector<1000x1xf32>
    %sub3A_61 = vector.broadcast %div3A_60 : vector<1000x1xf32> to vector<1000x128xf32>
    %sub3A_62 = arith.subf %add3A_49, %sub3A_61 : vector<1000x128xf32>
    %sub3A_63 = vector.broadcast %div3A_60 : vector<1000x1xf32> to vector<1000x128xf32>
    %sub3A_64 = arith.subf %add3A_49, %sub3A_63 : vector<1000x128xf32>
    %mul3A = arith.mulf %sub3A_62, %sub3A_64 : vector<1000x128xf32>
    %reduce_sum3A_65 = arith.constant dense<0.000000e+00> : vector<1000xf32>
    %reduce_sum3A_66 = vector.multi_reduction <add>, %mul3A, %reduce_sum3A_65 [1] : vector<1000x128xf32> to vector<1000xf32>
    %broadcast_in_dim3A_67 = vector.shape_cast %reduce_sum3A_66 : vector<1000xf32> to vector<1000x1xf32>
    %div3A_68 = arith.constant 1.280000e+02 : f32
    %div3A_69 = vector.broadcast %div3A_68 : f32 to vector<1000x1xf32>
    %div3A_70 = arith.divf %broadcast_in_dim3A_67, %div3A_69 : vector<1000x1xf32>
    %sub3A_71 = vector.broadcast %div3A_60 : vector<1000x1xf32> to vector<1000x128xf32>
    %sub3A_72 = arith.subf %add3A_49, %sub3A_71 : vector<1000x128xf32>
    %add3A_73 = arith.constant 9.99999974E-6 : f32
    %add3A_74 = vector.broadcast %add3A_73 : f32 to vector<1000x1xf32>
    %add3A_75 = arith.addf %div3A_70, %add3A_74 : vector<1000x1xf32>
    %rsqrt3A = math.rsqrt %add3A_75 : vector<1000x1xf32>
    %mul3A_76 = vector.broadcast %rsqrt3A : vector<1000x1xf32> to vector<1000x128xf32>
    %mul3A_77 = arith.mulf %sub3A_72, %mul3A_76 : vector<1000x128xf32>
    %mul3A_78 = vector.broadcast %get3A_52 : vector<1x128xf32> to vector<1000x128xf32>
    %mul3A_79 = arith.mulf %mul3A_77, %mul3A_78 : vector<1000x128xf32>
    %add3A_80 = vector.broadcast %get3A_55 : vector<1x128xf32> to vector<1000x128xf32>
    %add3A_81 = arith.addf %mul3A_79, %add3A_80 : vector<1000x128xf32>
    %get3A_82 = arith.constant 0 : index
    %get3A_83 = arith.constant 0 : index
    %get3A_84 = vector.load %arg6[%get3A_82, %get3A_83] : memref<128x512xf32, #tpu.memory_space<vmem>>, vector<128x512xf32>
    %dot_general3A_85 = arith.constant dense<0.000000e+00> : vector<1000x512xf32>
    %dot_general3A_86 = tpu.matmul %add3A_81, %get3A_84, %dot_general3A_85 {dimension_numbers = #tpu.dot_dimension_numbers<[1], [0], [0], [1], [0, 0, 1, 1], [], []>, transpose_lhs_hint = false} : vector<1000x128xf32>, vector<128x512xf32>, vector<1000x512xf32> -> vector<1000x512xf32>
    %get3A_87 = arith.constant 0 : index
    %get3A_88 = arith.constant 0 : index
    %get3A_89 = vector.load %arg7[%get3A_87, %get3A_88] : memref<1x512xf32, #tpu.memory_space<vmem>>, vector<1x512xf32>
    %add3A_90 = vector.broadcast %get3A_89 : vector<1x512xf32> to vector<1000x512xf32>
    %add3A_91 = arith.addf %dot_general3A_86, %add3A_90 : vector<1000x512xf32>
    %ge3A = arith.constant 0.000000e+00 : f32
    %ge3A_92 = vector.broadcast %ge3A : f32 to vector<1000x512xf32>
    %ge3A_93 = arith.cmpf oge, %add3A_91, %ge3A_92 : vector<1000x512xf32>
    %get3A_94 = arith.constant 0 : index
    %get3A_95 = arith.constant 0 : index
    %get3A_96 = vector.load %arg8[%get3A_94, %get3A_95] : memref<1x512xf32, #tpu.memory_space<vmem>>, vector<1x512xf32>
    %mul3A_97 = vector.broadcast %get3A_96 : vector<1x512xf32> to vector<1000x512xf32>
    %mul3A_98 = arith.mulf %mul3A_97, %add3A_91 : vector<1000x512xf32>
    %select_n3A_99 = arith.select %ge3A_93, %add3A_91, %mul3A_98 : vector<1000x512xi1>, vector<1000x512xf32>
    %get3A_100 = arith.constant 0 : index
    %get3A_101 = arith.constant 0 : index
    %get3A_102 = vector.load %arg9[%get3A_100, %get3A_101] : memref<512x128xf32, #tpu.memory_space<vmem>>, vector<512x128xf32>
    %dot_general3A_103 = arith.constant dense<0.000000e+00> : vector<1000x128xf32>
    %dot_general3A_104 = tpu.matmul %select_n3A_99, %get3A_102, %dot_general3A_103 {dimension_numbers = #tpu.dot_dimension_numbers<[1], [0], [0], [1], [0, 0, 1, 1], [], []>, transpose_lhs_hint = false} : vector<1000x512xf32>, vector<512x128xf32>, vector<1000x128xf32> -> vector<1000x128xf32>
    %get3A_105 = arith.constant 0 : index
    %get3A_106 = arith.constant 0 : index
    %get3A_107 = vector.load %arg10[%get3A_105, %get3A_106] : memref<1x128xf32, #tpu.memory_space<vmem>>, vector<1x128xf32>
    %add3A_108 = vector.broadcast %get3A_107 : vector<1x128xf32> to vector<1000x128xf32>
    %add3A_109 = arith.addf %dot_general3A_104, %add3A_108 : vector<1000x128xf32>
    %add3A_110 = arith.addf %add3A_81, %add3A_109 : vector<1000x128xf32>
    %reduce_sum3A_111 = arith.constant dense<0.000000e+00> : vector<1000xf32>
    %reduce_sum3A_112 = vector.multi_reduction <add>, %add3A_110, %reduce_sum3A_111 [1] : vector<1000x128xf32> to vector<1000xf32>
    %broadcast_in_dim3A_113 = vector.shape_cast %reduce_sum3A_112 : vector<1000xf32> to vector<1000x1xf32>
    %div3A_114 = arith.constant 1.280000e+02 : f32
    %div3A_115 = vector.broadcast %div3A_114 : f32 to vector<1000x1xf32>
    %div3A_116 = arith.divf %broadcast_in_dim3A_113, %div3A_115 : vector<1000x1xf32>
    %sub3A_117 = vector.broadcast %div3A_116 : vector<1000x1xf32> to vector<1000x128xf32>
    %sub3A_118 = arith.subf %add3A_110, %sub3A_117 : vector<1000x128xf32>
    %sub3A_119 = vector.broadcast %div3A_116 : vector<1000x1xf32> to vector<1000x128xf32>
    %sub3A_120 = arith.subf %add3A_110, %sub3A_119 : vector<1000x128xf32>
    %mul3A_121 = arith.mulf %sub3A_118, %sub3A_120 : vector<1000x128xf32>
    %reduce_sum3A_122 = arith.constant dense<0.000000e+00> : vector<1000xf32>
    %reduce_sum3A_123 = vector.multi_reduction <add>, %mul3A_121, %reduce_sum3A_122 [1] : vector<1000x128xf32> to vector<1000xf32>
    %broadcast_in_dim3A_124 = vector.shape_cast %reduce_sum3A_123 : vector<1000xf32> to vector<1000x1xf32>
    %div3A_125 = arith.constant 1.280000e+02 : f32
    %div3A_126 = vector.broadcast %div3A_125 : f32 to vector<1000x1xf32>
    %div3A_127 = arith.divf %broadcast_in_dim3A_124, %div3A_126 : vector<1000x1xf32>
    %sub3A_128 = vector.broadcast %div3A_116 : vector<1000x1xf32> to vector<1000x128xf32>
    %sub3A_129 = arith.subf %add3A_110, %sub3A_128 : vector<1000x128xf32>
    %add3A_130 = arith.constant 9.99999974E-6 : f32
    %add3A_131 = vector.broadcast %add3A_130 : f32 to vector<1000x1xf32>
    %add3A_132 = arith.addf %div3A_127, %add3A_131 : vector<1000x1xf32>
    %rsqrt3A_133 = math.rsqrt %add3A_132 : vector<1000x1xf32>
    %mul3A_134 = vector.broadcast %rsqrt3A_133 : vector<1000x1xf32> to vector<1000x128xf32>
    %mul3A_135 = arith.mulf %sub3A_129, %mul3A_134 : vector<1000x128xf32>
    %mul3A_136 = vector.broadcast %get3A_52 : vector<1x128xf32> to vector<1000x128xf32>
    %mul3A_137 = arith.mulf %mul3A_135, %mul3A_136 : vector<1000x128xf32>
    %add3A_138 = vector.broadcast %get3A_55 : vector<1x128xf32> to vector<1000x128xf32>
    %add3A_139 = arith.addf %mul3A_137, %add3A_138 : vector<1000x128xf32>
    %swap3A = arith.constant 0 : index
    %swap3A_140 = arith.constant 0 : index
    %swap3A_141 = vector.load %arg11[%swap3A, %swap3A_140] : memref<1000x128xf32, #tpu.memory_space<vmem>>, vector<1000x128xf32>
    tpu.vector_store %arg11[%swap3A, %swap3A_140], %add3A_139 {strides = array<i32>} : memref<1000x128xf32, #tpu.memory_space<vmem>>, vector<1000x128xf32>,
    return
  }
  func.func @transform_0(%arg0: i32) -> (i32, i32, i32) {
    %c0_i32 = arith.constant 0 : i32
    %c0_i32_0 = arith.constant 0 : i32
    %c0_i32_1 = arith.constant 0 : i32
    return %c0_i32, %arg0, %c0_i32_0 : i32, i32, i32
  }
  func.func @transform_1(%arg0: i32) -> (i32, i32, i32) {
    %c0_i32 = arith.constant 0 : i32
    %c0_i32_0 = arith.constant 0 : i32
    %c0_i32_1 = arith.constant 0 : i32
    return %c0_i32, %arg0, %c0_i32_0 : i32, i32, i32
  }
  func.func @transform_2(%arg0: i32) -> (i32, i32) {
    %c0_i32 = arith.constant 0 : i32
    %c0_i32_0 = arith.constant 0 : i32
    return %arg0, %c0_i32 : i32, i32
  }
  func.func @transform_3(%arg0: i32) -> (i32, i32) {
    %c0_i32 = arith.constant 0 : i32
    %c0_i32_0 = arith.constant 0 : i32
    %c0_i32_1 = arith.constant 0 : i32
    return %c0_i32, %c0_i32_0 : i32, i32
  }
  func.func @transform_4(%arg0: i32) -> (i32, i32) {
    %c0_i32 = arith.constant 0 : i32
    %c0_i32_0 = arith.constant 0 : i32
    %c0_i32_1 = arith.constant 0 : i32
    return %c0_i32, %c0_i32_0 : i32, i32
  }
  func.func @transform_5(%arg0: i32) -> (i32, i32) {
    %c0_i32 = arith.constant 0 : i32
    %c0_i32_0 = arith.constant 0 : i32
    %c0_i32_1 = arith.constant 0 : i32
    return %c0_i32, %c0_i32_0 : i32, i32
  }
  func.func @transform_6(%arg0: i32) -> (i32, i32) {
    %c0_i32 = arith.constant 0 : i32
    %c0_i32_0 = arith.constant 0 : i32
    %c0_i32_1 = arith.constant 0 : i32
    return %c0_i32, %c0_i32_0 : i32, i32
  }
  func.func @transform_7(%arg0: i32) -> (i32, i32) {
    %c0_i32 = arith.constant 0 : i32
    %c0_i32_0 = arith.constant 0 : i32
    %c0_i32_1 = arith.constant 0 : i32
    return %c0_i32, %c0_i32_0 : i32, i32
  }
  func.func @transform_8(%arg0: i32) -> (i32, i32) {
    %c0_i32 = arith.constant 0 : i32
    %c0_i32_0 = arith.constant 0 : i32
    %c0_i32_1 = arith.constant 0 : i32
    return %c0_i32, %c0_i32_0 : i32, i32
  }
  func.func @transform_9(%arg0: i32) -> (i32, i32) {
    %c0_i32 = arith.constant 0 : i32
    %c0_i32_0 = arith.constant 0 : i32
    %c0_i32_1 = arith.constant 0 : i32
    return %c0_i32, %c0_i32_0 : i32, i32
  }
  func.func @transform_10(%arg0: i32) -> (i32, i32) {
    %c0_i32 = arith.constant 0 : i32
    %c0_i32_0 = arith.constant 0 : i32
    return %arg0, %c0_i32 : i32, i32
  }
}

</mosaic_0001>

<sc_bundles>
// kernel: kernel.5.cloned.1.call-start
scs
__scs_entry_jumppad:
0x0: {  	(pc) =	sbr.rel $0x88, $3  }
0x1: {  	(tag) =	ssettag $0x0;
	lr =	simm.s32 $0x1  }
0x2: {  	[smem:$0x3F92] =	sst lr;
	_ =	strace $0xD0000000  }
0x3: {  	_ = 	snop  }
0x4: {  	_ = 	snop  }
0x5: {  	_ = 	snop  }
0x6: {  	_ = 	snop  }
0x7: {  	_ = 	snop  }
__scs_overlays_trampoline_lowered:
0x8: {  	[smem:$0x3FA1] =	sst s0  }
0x9: {  	[smem:$0x3FA2] =	sst s1  }
0xa: {  	[smem:$0x3FA3] =	sst s2  }
0xb: {  	[smem:$0x3FA4] =	sst s3  }
0xc: {  	[smem:$0x3FA5] =	sst s4  }
0xd: {  	[smem:$0x3FA6] =	sst s5  }
0xe: {  	[smem:$0x3FA7] =	sst s6  }
0xf: {  	[smem:$0x3FA8] =	sst s7  }
0x10: {  	[smem:$0x3FA9] =	sst s8  }
0x11: {  	[smem:$0x3FAA] =	sst s9;
	s0 =	simm.s32 @!p0 $0x0  }
0x12: {  	s1 =	sld [smem:$0x3F90];
	s0 =	simm.s32 @p0 $0x1  }
0x13: {  	[smem:$0x3FAB] =	sst s0;
	s0 =	simm.s32 @!p1 $0x0  }
0x14: {  	s2 =	sld [smem:$0x3F8F];
	s0 =	simm.s32 @p1 $0x1  }
0x15: {  	[smem:$0x3FAC] =	sst s0;
	s0 =	simm.s32 @!p2 $0x0  }
0x16: {  	s3 =	sld [smem:$0x3FDB];
	s0 =	simm.s32 @p2 $0x1  }
0x17: {  	s4 =	simm.s32 $0x1BF5;
	[smem:$0x3FAE] =	sst s0  }
0x18: {  	s0 =	sld [smem:$0x3F91];
	_ =	swait.ge [sflag:s4], $0x0  }
0x19: {  	s7 =	sld [smem:$0x3F92]  }
0x1a: {  	s8 =	sadd.s32 $0xFFFFE003, lr  }
0x1b: {  	s9 =	sadd.s32 $0xFFFFFEF7, lr;
	s5 =	simm.s32 $0xFFFFFFFF;
	p2 =	slt.u32 s8, $0xFFFFF086  }
0x1c: {  	p1 =	slt.u32 s9, $0xF7A;
	s5 =	simm.s32 @!p2 $0x0  }
0x1d: {  	s5 =	simm.s32 @p1 $0x1;
	p0 =	seq.s32 s7, s2  }
0x1e: {  	s7 =	smul.u32 @!p0 $0xF7A, s2;
	p2 =	seq.s32 @!p0 s5, $0x0  }
0x1f: {  	s9 =	smul.u32 $0xF7A, s1;
	s8 =	simm.s32 @!p0 $0x1BF5;
	p2 =	por !p2, p0  }
0x20: {  	[sflag:s8] =	ssyncset.s32 @!p0 $0xFFFFF086;
	s6 =	sadd.s32 @!p0 s3, s7;
	s7 =	simm.s32 @!p0 $0x108  }
0x21: {  	s3 =	sadd.s32 s3, s9;
	s6 =	sadd.s32 @!p0 $0x88, s6;
	s7 =	simm.s32 @p2 $0x1082  }
0x22: {  	[simem:s7], [sflag:s8] =	dma.local @!p0 [hbm:s6], $0xF7A  }
0x23: {  	s9 =	sor.u32 $0xD0000000, s2;
	s6 =	simm.s32 $0x108;
	_ =	swait.ge @!p0 [sflag:s8], $0x0  }
0x24: {  	s3 =	sadd.s32 $0x88, s3;
	s6 =	simm.s32 @!p1 $0x1082;
	[sflag:s4] =	ssyncset.s32 $0xFFFFF086  }
0x25: {  	[simem:s6], [sflag:s4] =	dma.local [hbm:s3], $0xF7A  }
0x26: {  	[smem:$0x3F92] =	sst s1;
	(tag) =	ssettag s2;
	_ =	strace s9  }
0x27: {  	s1 =	sld [smem:$0x3FA2]  }
0x28: {  	s2 =	sld [smem:$0x3FA3]  }
0x29: {  	s4 =	sld [smem:$0x3FA5]  }
0x2a: {  	p0 =	seq.s32 s5, $0x0;
	s5 =	sld [smem:$0x3FA6]  }
0x2b: {  	s6 =	sld [smem:$0x3FA7]  }
0x2c: {  	s7 =	sld [smem:$0x3FA8]  }
0x2d: {  	s3 =	simm.s32 $0x108;
	s8 =	sld [smem:$0x3FA9]  }
0x2e: {  	s3 =	simm.s32 @!p0 $0x1082;
	s9 =	sld [smem:$0x3FAA]  }
0x2f: {  	lr =	sadd.s32 s0, s3;
	s0 =	sld [smem:$0x3FA1]  }
0x30: {  	s3 =	sld [smem:$0x3FA4]  }
0x31: {  	[smem:$0x3FAD] =	sst s10  }
0x32: {  	s10 =	sld [smem:$0x3FAB];
	_ =	sdelay $0x3  }
0x33: {  	p0 =	seq.s32 s10, $0x1;
	s10 =	sld [smem:$0x3FAD];
	_ =	sdelay $0x3  }
0x34: {  	[smem:$0x3FAD] =	sst s10  }
0x35: {  	s10 =	sld [smem:$0x3FAC];
	_ =	sdelay $0x3  }
0x36: {  	p1 =	seq.s32 s10, $0x1;
	s10 =	sld [smem:$0x3FAD];
	_ =	sdelay $0x3  }
0x37: {  	[smem:$0x3FAD] =	sst s10  }
0x38: {  	s10 =	sld [smem:$0x3FAE]  }
0x39: {  	_ = 	snop;
	(pc) =	sbr.ind lr, $3  }
0x3a: {  	_ = 	snop  }
0x3b: {  	_ = 	snop  }
0x3c: {  	p2 =	seq.s32 s10, $0x1;
	s10 =	sld [smem:$0x3FAD]  }
0x3d: {  	_ =	shalt  }
0x3e: {  	_ =	shalt  }
0x3f: {  	_ =	shalt  }
0x40: {  	_ =	shalt  }
0x41: {  	_ =	shalt  }
0x42: {  	_ =	shalt  }
0x43: {  	_ =	shalt  }
0x44: {  	_ =	shalt  }
0x45: {  	_ =	shalt  }
0x46: {  	_ =	shalt  }
0x47: {  	_ =	shalt  }
0x48: {  	_ =	shalt  }
0x49: {  	_ =	shalt  }
0x4a: {  	_ =	shalt  }
0x4b: {  	_ =	shalt  }
0x4c: {  	_ =	shalt  }
0x4d: {  	_ =	shalt  }
0x4e: {  	_ =	shalt  }
0x4f: {  	_ =	shalt  }
0x50: {  	_ =	shalt  }
0x51: {  	_ =	shalt  }
0x52: {  	_ =	shalt  }
0x53: {  	_ =	shalt  }
0x54: {  	_ =	shalt  }
0x55: {  	_ =	shalt  }
0x56: {  	_ =	shalt  }
0x57: {  	_ =	shalt  }
0x58: {  	_ =	shalt  }
0x59: {  	_ =	shalt  }
0x5a: {  	_ =	shalt  }
0x5b: {  	_ =	shalt  }
0x5c: {  	_ =	shalt  }
0x5d: {  	_ =	shalt  }
0x5e: {  	_ =	shalt  }
0x5f: {  	_ =	shalt  }
0x60: {  	_ =	shalt  }
0x61: {  	_ =	shalt  }
0x62: {  	_ =	shalt  }
0x63: {  	_ =	shalt  }
0x64: {  	_ =	shalt  }
0x65: {  	_ =	shalt  }
0x66: {  	_ =	shalt  }
0x67: {  	_ =	shalt  }
0x68: {  	_ =	shalt  }
0x69: {  	_ =	shalt  }
0x6a: {  	_ =	shalt  }
0x6b: {  	_ =	shalt  }
0x6c: {  	_ =	shalt  }
0x6d: {  	_ =	shalt  }
0x6e: {  	_ =	shalt  }
0x6f: {  	_ =	shalt  }
0x70: {  	_ =	shalt  }
0x71: {  	_ =	shalt  }
0x72: {  	_ =	shalt  }
0x73: {  	_ =	shalt  }
0x74: {  	_ =	shalt  }
0x75: {  	_ =	shalt  }
0x76: {  	_ =	shalt  }
0x77: {  	_ =	shalt  }
0x78: {  	_ =	shalt  }
0x79: {  	_ =	shalt  }
0x7a: {  	_ =	shalt  }
0x7b: {  	_ =	shalt  }
0x7c: {  	_ =	shalt  }
0x7d: {  	_ =	shalt  }
0x7e: {  	_ =	shalt  }
0x7f: {  	_ =	shalt  }
0x80: {  	_ =	shalt  }
0x81: {  	_ =	shalt  }
0x82: {  	_ =	shalt  }
0x83: {  	_ =	shalt  }
0x84: {  	_ =	shalt  }
0x85: {  	_ =	shalt  }
0x86: {  	_ =	shalt  }
0x87: {  	_ =	shalt  }
.Lfunc_end0:
.L_simem_size_0:
called_computation_lowered:
.L_overlay_start_0:
0x88: {  	s2 =	sld [smem:$0x3FD9]  }
0x89: {  	s3 =	sld [smem:$0x3FFE];
	_ =	sdelay $0x1  }
0x8a: {  	s1 =	srdreg.scid  }
0x8b: {  	s0 =	sand.u32 $0x1, s1  }
0x8c: {  	s17 =	sshll.u32 s0, $0xA;
	s2 =	sadd.s32 s3, s2  }
0x8d: {  	s2 =	sadd.s32 s2, s17  }
0x8e: {  	[smem:$0x3FB9] =	sst s2  }
0x8f: {  	_ = 	snop  }
0x90: {  	s2 =	sld [smem:$0x3FD0];
	(tm) =	ssettm $0x1  }
0x91: {  	s18 =	sld [smem:$0x3FFB];
	_ =	sdelay $0x3  }
0x92: {  	_ =	strace s18  }
0x93: {  	s3 =	sld [smem:$0x3FFC];
	_ =	sdelay $0x3  }
0x94: {  	_ =	strace s3  }
0x95: {  	s3 =	sld [smem:$0x3FFD];
	_ =	sdelay $0x3  }
0x96: {  	_ =	strace s3  }
0x97: {  	_ =	strace $0x8FFFFFFF  }
0x98: {  	s19 =	sld [smem:$0x3FDB];
	_ =	sdelay $0x1  }
0x99: {  	s4 =	simm.s32 $_scs_section_size  }
0x9a: {  	s5 =	simm.s32 $_size__tile_overlayer_lowered;
	s6 =	simm.s32 $_tile_overlayer_lowered  }
0x9b: {  	s22 =	simm.s32 $0x1BFF;
	s21 =	sshll.u32 s6, $0x1;
	s3 =	sadd.s32 s4, s19  }
0x9c: {  	s7 =	simm.s32 $0x0;
	s20 =	sshll.u32 s5, $0x1;
	s5 =	sadd.s32 s21, s3  }
0x9d: {  	[timem:s7], [sflag:s22] =	dma.local [hbm:s5], s20  }
0x9e: {  	_ =	swait.ge [sflag:s22], s20  }
0x9f: {  	s4 =	ssub.s32 $0x0, s20;
	[sflag:s22] =	ssyncset.done $0x0  }
0xa0: {  	[sflag:s22] =	ssyncadd.s32 s4;
	_ =	sdelay $0x1  }
0xa1: {  	s23 =	simm.s32 $0x1B8B  }
0xa2: {  	_ =	swait.ge [sflag:s23], $0x1  }
0xa3: {  	[sflag:s23] =	ssyncset.done $0x0  }
0xa4: {  	s25 =	simm.s32 $0x1B8E;
	s24 =	sld [smem:$0x3FFE];
	[sflag:s23] =	ssyncadd.s32 $0xFFFFFFFF  }
0xa5: {  	s26 =	simm.s32 $execute0_lowered;
	[smem:$0x3FD2] =	sst s25  }
0xa6: {  	s5 =	sshll.u32 s26, $0x1;
	_ =	strace $0x80000046;
	[dreg:$0x1] =	wrdreg $0xFFFFFFFF  }
0xa7: {  	s28 =	simm.s32 $_size_execute0_lowered;
	s3 =	sadd.s32 s3, s5;
	[dreg:$0x0] =	wrdreg $0x0  }
0xa8: {  	s5 =	sshll.u32 s28, $0x1;
	[dreg:$0x2] =	wrdreg s3  }
0xa9: {  	[dreg:$0x3] =	wrdreg s5  }
0xaa: {  	[dreg:$0x4] =	wrdreg $0xC0  }
0xab: {  	_ =	task [dreg:s7], $0x5FFFF  }
0xac: {  	[dreg:$0x1] =	wrdreg $0xFFFFFFFF  }
0xad: {  	[dreg:$0x0] =	wrdreg $0x60  }
0xae: {  	[dreg:$0x2] =	wrdreg s2  }
0xaf: {  	[dreg:$0x3] =	wrdreg s24  }
0xb0: {  	[dreg:$0x4] =	wrdreg $0x80800  }
0xb1: {  	[dreg:$0x5] =	wrdreg $0x1C0800  }
0xb2: {  	[dreg:$0x6] =	wrdreg $0x9  }
0xb3: {  	_ =	task.clear_ibuf [dreg:s7], $0x7FFFF;
	_ =	strace $0x90000046  }
0xb4: {  	s29 =	simm.s32 $0x9;
	_ =	strace $0x80000048  }
0xb5: {  	_ =	swait.ge [sflag:s29], $0x1  }
0xb6: {  	[sflag:s29] =	ssyncadd.s32 $0xFFFFFFFF  }
0xb7: {  	_ =	strace $0x90000048  }
0xb8: {  	_ =	sfence  }
0xb9: {  	s30 =	sld [smem:$0x0];
	_ =	sdelay $0x2  }
0xba: {  	s31 =	sshll.u32 s1, $0xD;
	s1 =	sshrl.u32 s1, $0x2  }
0xbb: {  	s3 =	sand.u32 $0x4000, s31;
	s1 =	sadd.s32 s1, s30  }
0xbc: {  	s0 =	sor.u32 s3, s0;
	s1 =	sshll.u32 s1, $0x11  }
0xbd: {  	s0 =	sor.u32 s1, s0  }
0xbe: {  	s0 =	sadd.s32 $0x8F2B, s0  }
0xbf: {  	[sflag:s0] =	ssyncadd.remote.s32 $0x1  }
0xc0: {  	_ =	sfence.sel $0xFFFF  }
0xc1: {  	[dreg:$0x0] =	wrdreg $0xFFFFFFFF;
	(pc) =	sbr.abs _section_cstart, $3  }
0xc2: {  	[dreg:$0x1] =	wrdreg $0xFFFFFFFF  }
0xc3: {  	_ =	task.clear_ibuf [dreg:s7], $0x2FFFF;
	_ =	strace $0x9FFFFFFF  }
0xc4: {  	(tm) =	ssettm $0x7FFFFFFF  }
0xc5: {  	_ =	shalt  }
tec
execute0_lowered:
.L_overlay_start_1:
0x0: {  	(tag) =	ssettag $0x1  }
0x1: {  	s0 =	srdreg.scid  }
0x2: {  	s24 =	stileid.u32;
	s1 =	rddreg [dreg:$0x1];
	s5 =	simm.s32 $0x0  }
0x3: {  	s30 =	rddreg [dreg:$0x3];
	s31 =	simm.s32 $0x100;
	s3 =	smul.u32 $0x1400, s24  }
0x4: {  	s2 =	sand.u32 $0x1, s0;
	s17 =	smul.u32 $0x14000, s24;
	[smem:$0x7FF] =	sst s5  }
0x5: {  	s18 =	sadd.s32 $0x86400, s1;
	s28 =	sadd.s32 $0x6D800, s1;
	s0 =	smul.u32 $0x14000, s2  }
0x6: {  	s29 =	sadd.s32 $0x77600, s1;
	s4 =	ssub.s32 $0x2, s2;
	s20 =	smul.u32 $0x140000, s2  }
0x7: {  	s2 =	sshll.u32 s2, $0x4;
	s23 =	sshrl.u32 s4, $0x1;
	s5 =	sor.u32 $0x3C00, s17  }
0x8: {  	s6 =	sadd.s32 $0x5000, s17;
	s7 =	sadd.s32 $0x6400, s17;
	s8 =	sadd.s32 $0x7800, s17  }
0x9: {  	s9 =	sadd.s32 $0x8C00, s17;
	s10 =	sadd.s32 $0xA000, s17;
	s11 =	sadd.s32 $0xB400, s17  }
0xa: {  	s16 =	sadd.s32 $0xC800, s17;
	s12 =	sadd.s32 $0xDC00, s17;
	s13 =	sadd.s32 $0xF000, s17  }
0xb: {  	s14 =	sadd.s32 $0x10400, s17;
	s15 =	sadd.s32 $0x11800, s17;
	s19 =	sadd.s32 s3, s0  }
0xc: {  	s0 =	ssub.s32 s4, s23;
	s3 =	sor.u32 $0x1400, s17;
	s4 =	sor.u32 $0x2800, s17  }
0xd: {  	s21 =	sadd.s32 s17, s20;
	s17 =	sadd.s32 $0x12C00, s17;
	s23 =	sadd.s32 s20, s5  }
0xe: {  	s21 =	sshrl.u32 s21, $0x3;
	s22 =	sadd.s32 s20, s3;
	s26 =	sadd.s32 s20, s4  }
0xf: {  	s21 =	sadd.s32 s18, s21;
	s25 =	sshrl.u32 s22, $0x3;
	s22 =	sshrl.u32 s26, $0x3  }
0x10: {  	s26 =	sadd.s32 s20, s6;
	[dreg:$0x5] =	wrdreg s21;
	s21 =	sadd.s32 s18, s25  }
0x11: {  	s25 =	sshrl.u32 s23, $0x3;
	s23 =	sadd.s32 s20, s7;
	[dreg:$0x6] =	wrdreg s21  }
0x12: {  	s21 =	sadd.s32 s18, s22;
	s22 =	sshrl.u32 s26, $0x3;
	s26 =	sadd.s32 s20, s8  }
0x13: {  	[dreg:$0x7] =	wrdreg s21;
	s21 =	sadd.s32 s18, s25;
	s25 =	sshrl.u32 s23, $0x3  }
0x14: {  	s23 =	sadd.s32 s20, s9;
	[dreg:$0x8] =	wrdreg s21;
	s21 =	sadd.s32 s18, s22  }
0x15: {  	s22 =	sshrl.u32 s26, $0x3;
	s26 =	sadd.s32 s20, s10;
	[dreg:$0x9] =	wrdreg s21  }
0x16: {  	s21 =	sadd.s32 s18, s25;
	s25 =	sshrl.u32 s23, $0x3;
	s23 =	sadd.s32 s20, s11  }
0x17: {  	[dreg:$0xa] =	wrdreg s21;
	s21 =	sadd.s32 s18, s22;
	s22 =	sshrl.u32 s26, $0x3  }
0x18: {  	s26 =	sadd.s32 s20, s16;
	[dreg:$0xb] =	wrdreg s21;
	s21 =	sadd.s32 s18, s25  }
0x19: {  	s25 =	sshrl.u32 s23, $0x3;
	s23 =	sadd.s32 s20, s12;
	[dreg:$0xc] =	wrdreg s21  }
0x1a: {  	s21 =	sadd.s32 s18, s22;
	s22 =	sshrl.u32 s26, $0x3;
	s26 =	sadd.s32 s20, s13  }
0x1b: {  	[dreg:$0xd] =	wrdreg s21;
	s21 =	sadd.s32 s18, s25;
	s25 =	sshrl.u32 s23, $0x3  }
0x1c: {  	s23 =	sadd.s32 s20, s14;
	[dreg:$0xe] =	wrdreg s21;
	s21 =	sadd.s32 s18, s22  }
0x1d: {  	s22 =	sshrl.u32 s26, $0x3;
	[dreg:$0xf] =	wrdreg s21;
	s21 =	sadd.s32 s18, s25  }
0x1e: {  	s25 =	sshrl.u32 s23, $0x3;
	[dreg:$0x10] =	wrdreg s21;
	s21 =	sadd.s32 s18, s22  }
0x1f: {  	s26 =	sadd.s32 s20, s15;
	[dreg:$0x11] =	wrdreg s21;
	s21 =	sadd.s32 s18, s25  }
0x20: {  	s20 =	sadd.s32 s20, s17;
	[dreg:$0x12] =	wrdreg s21;
	s21 =	sshrl.u32 s26, $0x3  }
0x21: {  	s20 =	sshrl.u32 s20, $0x3;
	s25 =	rddreg [dreg:$0x2];
	s21 =	sadd.s32 s18, s21  }
0x22: {  	s19 =	sshrl.u32 s19, $0x3;
	s18 =	sadd.s32 s18, s20;
	[dreg:$0x13] =	wrdreg s21  }
0x23: {  	s0 =	smax.u32 s0, $0x1;
	s20 =	sadd.s32 $0xB800, s1;
	[dreg:$0x14] =	wrdreg s18  }
0x24: {  	s26 =	sadd.s32 $0x1A00, s1;
	_ =	strace $0x80000047;
	[dreg:$0x15] =	wrdreg s20  }
0x25: {  	s23 =	sadd.s32 $0x3C800, s1;
	s3 =	sadd.s32 s3, s25;
	[dreg:$0x16] =	wrdreg s26  }
0x26: {  	s22 =	sadd.s32 $0x15600, s1;
	s4 =	sadd.s32 s4, s25;
	[dreg:$0x18] =	wrdreg s3  }
0x27: {  	s5 =	sadd.s32 s5, s25;
	s6 =	sadd.s32 s6, s25;
	[dreg:$0x19] =	wrdreg s4  }
0x28: {  	s7 =	sadd.s32 s7, s25;
	s8 =	sadd.s32 s8, s25;
	[dreg:$0x1a] =	wrdreg s5  }
0x29: {  	s9 =	sadd.s32 s9, s25;
	s10 =	sadd.s32 s10, s25;
	[dreg:$0x1b] =	wrdreg s6  }
0x2a: {  	s12 =	sadd.s32 s12, s25;
	s13 =	sadd.s32 s13, s25;
	[dreg:$0x1c] =	wrdreg s7  }
0x2b: {  	s14 =	sadd.s32 s14, s25;
	s15 =	sadd.s32 s15, s25;
	[dreg:$0x1d] =	wrdreg s8  }
0x2c: {  	s17 =	sadd.s32 s17, s25;
	s18 =	sadd.s32 s19, s1;
	[dreg:$0x1e] =	wrdreg s9  }
0x2d: {  	s21 =	smul.u32 $0x50000, s24;
	s26 =	sadd.s32 $0x63A00, s1;
	[dreg:$0x1f] =	wrdreg s10  }
0x2e: {  	s1 =	sor.u32 s24, s2;
	s20 =	sadd.s32 s11, s25;
	[smem:$0x7F8] =	sst s0  }
0x2f: {  	s24 =	smul.u32 $0x5000, s24;
	s0 =	simm.s32 $0x200;
	[smem:$0x7F9] =	sst s12  }
0x30: {  	s3 =	simm.s32 $0x280;
	s4 =	simm.s32 $0x1680;
	[smem:$0x7FA] =	sst s13  }
0x31: {  	s5 =	simm.s32 $0x2A80;
	s6 =	simm.s32 $0x1;
	[smem:$0x7FB] =	sst s14  }
0x32: {  	s7 =	simm.s32 $0x2;
	s8 =	simm.s32 $0x3;
	[smem:$0x7FC] =	sst s15  }
0x33: {  	s9 =	simm.s32 $0x3E80;
	s10 =	simm.s32 $0x5680;
	[smem:$0x7FD] =	sst s17  }
0x34: {  	v0 =	vlaneseq.u32;
	s11 =	simm.s32 $0x0;
	s21 =	sshrl.u32 s21, $0x2;
	[smem:$0x7F4] =	sst s20  }
0x35: {  	v1 =	vmul.u32 $0x30, v0;
	s20 =	simm.s32 $0x5880;
	s19 =	sadd.s32 s21, s25;
	s21 =	sadd.s32 s16, s25  }
0x36: {  	s2 =	sshrl.u32 s24, $0x2;
	s25 =	sadd.s32 $0x81400, s18;
	[smem:$0x7F5] =	sst s21  }
0x37: {  	v2 =	vimm.f32 $0.0e+00;
	v10 =	vadd.s32 $0x1, v0;
	v3 =	vadd.s32 $0x300, v1;
	s16 =	smul.u32 $0x2710, s1;
	s18 =	simm.s32 $0x180;
	[smem:$0x7F7] =	sst s25  }
0x38: {  	v4 =	vadd.s32 $0x600, v1;
	v5 =	vadd.s32 $0x900, v1;
	v6 =	vor.u32 $0xC00, v1;
	s2 =	sadd.s32 s2, s30;
	s21 =	simm.s32 $0x4;
	[dreg:$0x17] =	wrdreg s19  }
0x39: {  	v7 =	vadd.s32 $0xF00, v1;
	v8 =	vadd.s32 $0x1200, v1;
	v9 =	vadd.s32 $0x1500, v1;
	s30 =	simm.s32 $0x80;
	[smem:$0x7F6] =	sst s2;
	s2 =	simm.s32 $0x28  }
.LBB2_1:
0x3a: {  	[smem:$0x7F3] =	sst s11;
	s1 =	simm.s32 $0x0;
	s11 =	simm.s32 $0x200  }
.LBB2_2:
0x3b: {  	p0 =	sne.s32 s11, $0x4E00;
	[tilespmem:s1+$0x58F0] =	vst v2  }
0x3c: {  	[tilespmem:s1+$0x5880] =	vst v2  }
0x3d: {  	[tilespmem:s1+$0x5890] =	vst v2  }
.Ltmp0:
0x3e: {  	[tilespmem:s1+$0x58A0] =	vst v2;
	(pc) =	sbr.rel @p0 .LBB2_2-.Ltmp0, $4  }
0x3f: {  	[tilespmem:s1+$0x58B0] =	vst v2  }
0x40: {  	[tilespmem:s1+$0x58C0] =	vst v2  }
0x41: {  	[tilespmem:s1+$0x58D0] =	vst v2  }
0x42: {  	[tilespmem:s1+$0x58E0] =	vst v2;
	s1 =	sshra.s32 s11, $0x2;
	s11 =	sadd.s32 $0x200, s11  }
0x43: {  	[tilespmem:s1+$0x58F0] =	vst v2  }
0x44: {  	[tilespmem:s1+$0x5880] =	vst v2  }
0x45: {  	[tilespmem:s1+$0x5890] =	vst v2  }
0x46: {  	[tilespmem:s1+$0x58A0] =	vst v2  }
0x47: {  	[tilespmem:s1+$0x58B0] =	vst v2  }
0x48: {  	[tilespmem:s1+$0x58C0] =	vst v2  }
0x49: {  	[tilespmem:s1+$0x58D0] =	vst v2  }
0x4a: {  	[tilespmem:s1+$0x58E0] =	vst v2  }
0x4b: {  	[tilespmem:$0x5800] =	vst v2  }
0x4c: {  	[tilespmem:$0x5810] =	vst v2  }
0x4d: {  	[tilespmem:$0x5820] =	vst v2  }
0x4e: {  	[spmem:s19] =	stream.linear.scatter [tilespmem:s20], [sflag:$0x4], $0x1400, $0x38;
	[tilespmem:$0x1D480] =	vst v63  }
0x4f: {  	_ =	swait.ge [sflag:s21], $0x1400  }
0x50: {  	[sflag:s21] =	ssyncset.done $0x0  }
0x51: {  	s19 =	rddreg [dreg:$0x18];
	[sflag:s21] =	ssyncadd.s32 $0xFFFFEC00  }
0x52: {  	[spmem:s19] =	stream.linear.scatter [tilespmem:s20], [sflag:$0x4], $0x1400, $0x38;
	[tilespmem:$0x1D480] =	vst v63  }
0x53: {  	_ =	swait.ge [sflag:s21], $0x1400  }
0x54: {  	[sflag:s21] =	ssyncset.done $0x0  }
0x55: {  	s24 =	rddreg [dreg:$0x19];
	[sflag:s21] =	ssyncadd.s32 $0xFFFFEC00  }
0x56: {  	[spmem:s24] =	stream.linear.scatter [tilespmem:s20], [sflag:$0x4], $0x1400, $0x38;
	[tilespmem:$0x1D480] =	vst v63  }
0x57: {  	_ =	swait.ge [sflag:s21], $0x1400  }
0x58: {  	[sflag:s21] =	ssyncset.done $0x0  }
0x59: {  	s25 =	rddreg [dreg:$0x1a];
	[sflag:s21] =	ssyncadd.s32 $0xFFFFEC00  }
0x5a: {  	[spmem:s25] =	stream.linear.scatter [tilespmem:s20], [sflag:$0x4], $0x1400, $0x38;
	[tilespmem:$0x1D480] =	vst v63  }
0x5b: {  	_ =	swait.ge [sflag:s21], $0x1400  }
0x5c: {  	[sflag:s21] =	ssyncset.done $0x0  }
0x5d: {  	s11 =	rddreg [dreg:$0x1b];
	[sflag:s21] =	ssyncadd.s32 $0xFFFFEC00  }
0x5e: {  	[spmem:s11] =	stream.linear.scatter [tilespmem:s20], [sflag:$0x4], $0x1400, $0x38;
	[tilespmem:$0x1D480] =	vst v63  }
0x5f: {  	_ =	swait.ge [sflag:s21], $0x1400  }
0x60: {  	[sflag:s21] =	ssyncset.done $0x0  }
0x61: {  	s19 =	rddreg [dreg:$0x1c];
	[sflag:s21] =	ssyncadd.s32 $0xFFFFEC00  }
0x62: {  	[spmem:s19] =	stream.linear.scatter [tilespmem:s20], [sflag:$0x4], $0x1400, $0x38;
	[tilespmem:$0x1D480] =	vst v63  }
0x63: {  	_ =	swait.ge [sflag:s21], $0x1400  }
0x64: {  	[sflag:s21] =	ssyncset.done $0x0  }
0x65: {  	s24 =	rddreg [dreg:$0x1d];
	[sflag:s21] =	ssyncadd.s32 $0xFFFFEC00  }
0x66: {  	[spmem:s24] =	stream.linear.scatter [tilespmem:s20], [sflag:$0x4], $0x1400, $0x38;
	[tilespmem:$0x1D480] =	vst v63  }
0x67: {  	_ =	swait.ge [sflag:s21], $0x1400  }
0x68: {  	[sflag:s21] =	ssyncset.done $0x0  }
0x69: {  	s25 =	rddreg [dreg:$0x1e];
	[sflag:s21] =	ssyncadd.s32 $0xFFFFEC00  }
0x6a: {  	[spmem:s25] =	stream.linear.scatter [tilespmem:s20], [sflag:$0x4], $0x1400, $0x38;
	[tilespmem:$0x1D480] =	vst v63  }
0x6b: {  	_ =	swait.ge [sflag:s21], $0x1400  }
0x6c: {  	[sflag:s21] =	ssyncset.done $0x0  }
0x6d: {  	s11 =	rddreg [dreg:$0x1f];
	[sflag:s21] =	ssyncadd.s32 $0xFFFFEC00  }
0x6e: {  	[spmem:s11] =	stream.linear.scatter [tilespmem:s20], [sflag:$0x4], $0x1400, $0x38;
	[tilespmem:$0x1D480] =	vst v63  }
0x6f: {  	_ =	swait.ge [sflag:s21], $0x1400  }
0x70: {  	s19 =	sld [smem:$0x7F4]  }
0x71: {  	[sflag:s21] =	ssyncset.done $0x0  }
0x72: {  	[sflag:s21] =	ssyncadd.s32 $0xFFFFEC00  }
0x73: {  	[spmem:s19] =	stream.linear.scatter [tilespmem:s20], [sflag:$0x4], $0x1400, $0x38;
	[tilespmem:$0x1D480] =	vst v63  }
0x74: {  	_ =	swait.ge [sflag:s21], $0x1400  }
0x75: {  	s24 =	sld [smem:$0x7F5]  }
0x76: {  	[sflag:s21] =	ssyncset.done $0x0  }
0x77: {  	[sflag:s21] =	ssyncadd.s32 $0xFFFFEC00  }
0x78: {  	[spmem:s24] =	stream.linear.scatter [tilespmem:s20], [sflag:$0x4], $0x1400, $0x38;
	[tilespmem:$0x1D480] =	vst v63  }
0x79: {  	_ =	swait.ge [sflag:s21], $0x1400  }
0x7a: {  	[sflag:s21] =	ssyncset.done $0x0  }
0x7b: {  	[sflag:s21] =	ssyncadd.s32 $0xFFFFEC00  }
0x7c: {  	[spmem:s12] =	stream.linear.scatter [tilespmem:s20], [sflag:$0x4], $0x1400, $0x38;
	[tilespmem:$0x1D480] =	vst v63  }
0x7d: {  	_ =	swait.ge [sflag:s21], $0x1400  }
0x7e: {  	[sflag:s21] =	ssyncset.done $0x0  }
0x7f: {  	[sflag:s21] =	ssyncadd.s32 $0xFFFFEC00  }
0x80: {  	[spmem:s13] =	stream.linear.scatter [tilespmem:s20], [sflag:$0x4], $0x1400, $0x38;
	[tilespmem:$0x1D480] =	vst v63  }
0x81: {  	_ =	swait.ge [sflag:s21], $0x1400  }
0x82: {  	[sflag:s21] =	ssyncset.done $0x0  }
0x83: {  	[sflag:s21] =	ssyncadd.s32 $0xFFFFEC00  }
0x84: {  	[spmem:s14] =	stream.linear.scatter [tilespmem:s20], [sflag:$0x4], $0x1400, $0x38;
	[tilespmem:$0x1D480] =	vst v63  }
0x85: {  	_ =	swait.ge [sflag:s21], $0x1400  }
0x86: {  	[sflag:s21] =	ssyncset.done $0x0  }
0x87: {  	[sflag:s21] =	ssyncadd.s32 $0xFFFFEC00  }
0x88: {  	[spmem:s15] =	stream.linear.scatter [tilespmem:s20], [sflag:$0x4], $0x1400, $0x38;
	[tilespmem:$0x1D480] =	vst v63  }
0x89: {  	_ =	swait.ge [sflag:s21], $0x1400  }
0x8a: {  	[sflag:s21] =	ssyncset.done $0x0  }
0x8b: {  	[sflag:s21] =	ssyncadd.s32 $0xFFFFEC00  }
0x8c: {  	[spmem:s17] =	stream.linear.scatter [tilespmem:s20], [sflag:$0x4], $0x1400, $0x38;
	[tilespmem:$0x1D480] =	vst v63  }
0x8d: {  	_ =	swait.ge [sflag:s21], $0x1400  }
0x8e: {  	s25 =	sld [smem:$0x7F6]  }
0x8f: {  	[sflag:s21] =	ssyncset.done $0x0  }
0x90: {  	[sflag:s21] =	ssyncadd.s32 $0xFFFFEC00  }
0x91: {  	[spmem:s25] =	stream.linear.scatter [tilespmem:s20], [sflag:$0x4], $0x1400, $0x38;
	[tilespmem:$0x1D480] =	vst v63  }
0x92: {  	_ =	swait.ge [sflag:s21], $0x1400  }
0x93: {  	[sflag:s21] =	ssyncset.done $0x0  }
0x94: {  	[sflag:s21] =	ssyncadd.s32 $0xFFFFEC00  }
0x95: {  	s13 =	simm.s32 $0x0;
	s14 =	simm.s32 $0x0;
	[bflag:$0x0] =	sbarrier.arrive $0xFFFF  }
.LBB2_4:
0x96: {  	s1 =	smul.u32 $0x28, s14;
	_ =	sdelay $0x1  }
0x97: {  	s1 =	sadd.s32 s16, s1  }
0x98: {  	s11 =	rddreg [dreg:$0x15];
	s1 =	sshrl.u32 s1, $0x3  }
0x99: {  	s11 =	sadd.s32 s11, s1  }
0x9a: {  	[tilespmem:s13], [sflag:$0x4] =	stream.linear.gather [hbm4b:s11+s13], $0x28, $0x38;
	[tilespmem:$0x1D480] =	vst v63  }
0x9b: {  	_ =	swait.ge [sflag:s21], $0x28  }
0x9c: {  	[sflag:s21] =	ssyncset.done $0x0;
	s17 =	rddreg [dreg:$0x16]  }
0x9d: {  	[sflag:s21] =	ssyncadd.s32 $0xFFFFFFD8;
	s11 =	sadd.s32 s17, s1  }
0x9e: {  	[tilespmem:s30], [sflag:$0x4] =	stream.linear.gather [hbm4b:s11+s13], $0x28, $0x38;
	[tilespmem:$0x1D480] =	vst v63  }
0x9f: {  	_ =	swait.ge [sflag:s21], $0x28  }
0xa0: {  	[sflag:s21] =	ssyncset.done $0x0  }
0xa1: {  	s19 =	sadd.s32 s26, s1;
	[sflag:s21] =	ssyncadd.s32 $0xFFFFFFD8  }
0xa2: {  	[tilespmem:s31], [sflag:$0x4] =	stream.linear.gather [hbm4b:s19+s13], $0x28, $0x38;
	[tilespmem:$0x1D480] =	vst v63  }
0xa3: {  	_ =	swait.ge [sflag:s21], $0x28  }
0xa4: {  	[sflag:s21] =	ssyncset.done $0x0  }
0xa5: {  	s24 =	sadd.s32 s28, s1;
	[sflag:s21] =	ssyncadd.s32 $0xFFFFFFD8  }
0xa6: {  	[tilespmem:s18], [sflag:$0x4] =	stream.linear.gather [hbm4b:s24+s13], $0x28, $0x38;
	[tilespmem:$0x1D480] =	vst v63  }
0xa7: {  	_ =	swait.ge [sflag:s21], $0x28  }
0xa8: {  	[sflag:s21] =	ssyncset.done $0x0  }
0xa9: {  	s1 =	sadd.s32 s29, s1;
	[sflag:s21] =	ssyncadd.s32 $0xFFFFFFD8  }
0xaa: {  	[tilespmem:s0], [sflag:$0x4] =	stream.linear.gather [hbm4b:s1+s13], $0x28, $0x38;
	[tilespmem:$0x1D480] =	vst v63  }
0xab: {  	_ =	swait.ge [sflag:s21], $0x28  }
0xac: {  	[sflag:s21] =	ssyncset.done $0x0  }
0xad: {  	[sflag:s21] =	ssyncadd.s32 $0xFFFFFFD8  }
0xae: {  	[tilespmem:s3], [sflag:$0x1] =	stream.indirect.gather [hbm4b:s22+s2], $0x80, s13, s2, $0xb8;
	[tilespmem:$0x1D480] =	vst v63  }
0xaf: {  	s25 =	rddreg [dreg:$0x0]  }
0xb0: {  	[tilespmem:s4], [sflag:$0x2] =	stream.indirect.gather [hbm4b:s25+s2], $0x80, s30, s2, $0xb8;
	[tilespmem:$0x1D480] =	vst v63  }
0xb1: {  	_ = 	snop  }
0xb2: {  	[tilespmem:s5], [sflag:$0x3] =	stream.indirect.gather [hbm4b:s23+s2], $0x80, s13, s2, $0xb8;
	[tilespmem:$0x1D480] =	vst v63  }
0xb3: {  	_ =	swait.ge [sflag:s6], $0x1400  }
0xb4: {  	[sflag:s6] =	ssyncset.done $0x0  }
0xb5: {  	[sflag:s6] =	ssyncadd.s32 $0xFFFFEC00  }
0xb6: {  	_ =	swait.ge [sflag:s7], $0x1400  }
0xb7: {  	[sflag:s7] =	ssyncset.done $0x0  }
0xb8: {  	[sflag:s7] =	ssyncadd.s32 $0xFFFFEC00  }
0xb9: {  	_ =	swait.ge [sflag:s8], $0x1400  }
0xba: {  	[sflag:s8] =	ssyncset.done $0x0  }
0xbb: {  	[sflag:s8] =	ssyncadd.s32 $0xFFFFEC00  }
0xbc: {  	[tilespmem:s3], [sflag:$0x1] =	stream.indirect.gather [hbm4b:s22+s2], $0x80, s13, s2, $0xb8;
	[tilespmem:$0x1D480] =	vst v63  }
0xbd: {  	_ = 	snop  }
0xbe: {  	[tilespmem:s4], [sflag:$0x2] =	stream.indirect.gather [hbm4b:s25+s2], $0x80, s30, s2, $0xb8;
	[tilespmem:$0x1D480] =	vst v63  }
0xbf: {  	_ = 	snop  }
0xc0: {  	[tilespmem:s5], [sflag:$0x3] =	stream.indirect.gather [hbm4b:s23+s2], $0x80, s13, s2, $0xb8;
	[tilespmem:$0x1D480] =	vst v63  }
0xc1: {  	_ =	swait.ge [sflag:s6], $0x1400  }
0xc2: {  	[sflag:s6] =	ssyncset.done $0x0  }
0xc3: {  	[sflag:s6] =	ssyncadd.s32 $0xFFFFEC00  }
0xc4: {  	_ =	swait.ge [sflag:s7], $0x1400  }
0xc5: {  	[sflag:s7] =	ssyncset.done $0x0  }
0xc6: {  	[sflag:s7] =	ssyncadd.s32 $0xFFFFEC00  }
0xc7: {  	_ =	swait.ge [sflag:s8], $0x1400  }
0xc8: {  	[sflag:s8] =	ssyncset.done $0x0  }
0xc9: {  	[sflag:s8] =	ssyncadd.s32 $0xFFFFEC00  }
0xca: {  	v11 =	vld [tilespmem:$0x80];
	_ =	sdelay $0x1  }
0xcb: {  	v12 =	vld [tilespmem:$0x90];
	_ =	sdelay $0x2  }
0xcc: {  	v11 =	vshll.u32 v11, $0x3  }
0xcd: {  	v13 =	vand.u32 $0x70, v11  }
0xce: {  	v12 =	vshll.u32 v12, $0x3;
	v11 =	vand.u32 $0x8, v11;
	[tilespmem:$0x180] =	vst v13  }
0xcf: {  	[tilespmem:$0x200] =	vst v11;
	v11 =	vand.u32 $0x70, v12  }
0xd0: {  	[tilespmem:$0x190] =	vst v11;
	v11 =	vand.u32 $0x8, v12  }
0xd1: {  	s12 =	simm.s32 $0x2C0;
	[tilespmem:$0x210] =	vst v11  }
0xd2: {  	s11 =	simm.s32 $0x16C0;
	v11 =	vld [tilespmem:s12+$0xFFFFFFC0]  }
0xd3: {  	v12 =	vld [tilespmem:s11+$0xFFFFFFC0];
	_ =	sdelay $0x1  }
0xd4: {  	v13 =	vadd.s32 s13, v1;
	_ =	sdelay $0x2  }
0xd5: {  	v11 =	vmul.f32 v12, v11;
	_ =	sdelay $0x1  }
0xd6: {  	[tilespmem:v13+s9+$0x0] =	vst.idx.msk $0xffff, v11  }
0xd7: {  	v11 =	vld [tilespmem:s12+$0xFFFFFFD0]  }
0xd8: {  	v12 =	vld [tilespmem:s11+$0xFFFFFFD0];
	_ =	sdelay $0x1  }
0xd9: {  	v13 =	vadd.s32 s13, v3;
	_ =	sdelay $0x2  }
0xda: {  	v11 =	vmul.f32 v12, v11;
	_ =	sdelay $0x1  }
0xdb: {  	[tilespmem:v13+s9+$0x0] =	vst.idx.msk $0xffff, v11  }
0xdc: {  	v11 =	vld [tilespmem:s12+$0xFFFFFFE0]  }
0xdd: {  	v12 =	vld [tilespmem:s11+$0xFFFFFFE0];
	_ =	sdelay $0x1  }
0xde: {  	v13 =	vadd.s32 s13, v4;
	_ =	sdelay $0x2  }
0xdf: {  	v11 =	vmul.f32 v12, v11;
	_ =	sdelay $0x1  }
0xe0: {  	[tilespmem:v13+s9+$0x0] =	vst.idx.msk $0xffff, v11  }
0xe1: {  	v11 =	vld [tilespmem:s12+$0xFFFFFFF0]  }
0xe2: {  	v12 =	vld [tilespmem:s11+$0xFFFFFFF0];
	_ =	sdelay $0x1  }
0xe3: {  	v13 =	vadd.s32 s13, v5;
	_ =	sdelay $0x2  }
0xe4: {  	v11 =	vmul.f32 v12, v11;
	_ =	sdelay $0x1  }
0xe5: {  	[tilespmem:v13+s9+$0x0] =	vst.idx.msk $0xffff, v11  }
0xe6: {  	v11 =	vld [tilespmem:s12+$0x0]  }
0xe7: {  	v12 =	vld [tilespmem:s11+$0x0];
	_ =	sdelay $0x1  }
0xe8: {  	v13 =	vadd.s32 s13, v6;
	_ =	sdelay $0x2  }
0xe9: {  	v11 =	vmul.f32 v12, v11;
	_ =	sdelay $0x1  }
0xea: {  	[tilespmem:v13+s9+$0x0] =	vst.idx.msk $0xffff, v11  }
0xeb: {  	v11 =	vld [tilespmem:s12+$0x10]  }
0xec: {  	v12 =	vld [tilespmem:s11+$0x10];
	_ =	sdelay $0x1  }
0xed: {  	v13 =	vadd.s32 s13, v7;
	_ =	sdelay $0x2  }
0xee: {  	v11 =	vmul.f32 v12, v11;
	_ =	sdelay $0x1  }
0xef: {  	[tilespmem:v13+s9+$0x0] =	vst.idx.msk $0xffff, v11  }
0xf0: {  	v11 =	vld [tilespmem:s12+$0x20]  }
0xf1: {  	v12 =	vld [tilespmem:s11+$0x20];
	_ =	sdelay $0x1  }
0xf2: {  	v13 =	vadd.s32 s13, v8;
	_ =	sdelay $0x2  }
0xf3: {  	v11 =	vmul.f32 v12, v11;
	_ =	sdelay $0x1  }
0xf4: {  	[tilespmem:v13+s9+$0x0] =	vst.idx.msk $0xffff, v11  }
0xf5: {  	s17 =	simm.s32 $0x1;
	v11 =	vadd.s32 s13, v9;
	v12 =	vld [tilespmem:s12+$0x30]  }
.LBB2_5:
0xf6: {  	p0 =	sne.s32 s17, $0x27;
	v13 =	vld [tilespmem:s11+$0x30];
	s12 =	sadd.s32 $0x80, s12;
	s11 =	sadd.s32 $0x80, s11  }
0xf7: {  	s1 =	smov.u32 s17;
	s17 =	sadd.s32 $0x1, s17;
	_ =	sdelay $0x3  }
0xf8: {  	v12 =	vmul.f32 v13, v12;
	_ =	sdelay $0x1  }
0xf9: {  	[tilespmem:v11+s9+$0x0] =	vst.idx.msk $0xffff, v12  }
0xfa: {  	v11 =	vld [tilespmem:s12+$0xFFFFFFC0]  }
0xfb: {  	v12 =	vld [tilespmem:s11+$0xFFFFFFC0];
	_ =	sdelay $0x1  }
0xfc: {  	v13 =	vadd.s32 s1, v1;
	_ =	sdelay $0x2  }
0xfd: {  	v11 =	vmul.f32 v12, v11;
	_ =	sdelay $0x1  }
0xfe: {  	[tilespmem:v13+s9+$0x0] =	vst.idx.msk $0xffff, v11  }
0xff: {  	v11 =	vld [tilespmem:s12+$0xFFFFFFD0]  }
0x100: {  	v12 =	vld [tilespmem:s11+$0xFFFFFFD0]  }
0x101: {  	v13 =	vadd.s32 s1, v3;
	_ =	sdelay $0x3  }
0x102: {  	v11 =	vmul.f32 v12, v11;
	_ =	sdelay $0x1  }
0x103: {  	[tilespmem:v13+s9+$0x0] =	vst.idx.msk $0xffff, v11  }
0x104: {  	v11 =	vld [tilespmem:s12+$0xFFFFFFE0]  }
0x105: {  	v13 =	vadd.s32 s1, v4;
	v12 =	vld [tilespmem:s11+$0xFFFFFFE0];
	_ =	sdelay $0x4  }
0x106: {  	v11 =	vmul.f32 v12, v11;
	_ =	sdelay $0x1  }
0x107: {  	[tilespmem:v13+s9+$0x0] =	vst.idx.msk $0xffff, v11  }
0x108: {  	v12 =	vadd.s32 s1, v5;
	v11 =	vld [tilespmem:s12+$0xFFFFFFF0]  }
0x109: {  	v13 =	vld [tilespmem:s11+$0xFFFFFFF0];
	_ =	sdelay $0x4  }
0x10a: {  	v11 =	vmul.f32 v13, v11;
	_ =	sdelay $0x1  }
0x10b: {  	[tilespmem:v12+s9+$0x0] =	vst.idx.msk $0xffff, v11;
	v11 =	vadd.s32 s1, v6  }
0x10c: {  	v12 =	vld [tilespmem:s12+$0x0]  }
0x10d: {  	v13 =	vld [tilespmem:s11+$0x0];
	_ =	sdelay $0x4  }
0x10e: {  	v12 =	vmul.f32 v13, v12  }
0x10f: {  	v13 =	vadd.s32 s1, v7  }
0x110: {  	[tilespmem:v11+s9+$0x0] =	vst.idx.msk $0xffff, v12  }
0x111: {  	v11 =	vld [tilespmem:s12+$0x10]  }
0x112: {  	v12 =	vld [tilespmem:s11+$0x10];
	_ =	sdelay $0x4  }
0x113: {  	v11 =	vmul.f32 v12, v11;
	v12 =	vadd.s32 s1, v8;
	_ =	sdelay $0x1  }
0x114: {  	[tilespmem:v13+s9+$0x0] =	vst.idx.msk $0xffff, v11  }
0x115: {  	v13 =	vld [tilespmem:s12+$0x20]  }
0x116: {  	v14 =	vld [tilespmem:s11+$0x20];
	_ =	sdelay $0x3  }
.Ltmp1:
0x117: {  	v11 =	vadd.s32 s1, v9;
	(pc) =	sbr.rel @p0 .LBB2_5-.Ltmp1, $3  }
0x118: {  	v13 =	vmul.f32 v14, v13;
	_ =	sdelay $0x1  }
0x119: {  	[tilespmem:v12+s9+$0x0] =	vst.idx.msk $0xffff, v13  }
0x11a: {  	s1 =	simm.s32 $0x0;
	v12 =	vld [tilespmem:s12+$0x30]  }
0x11b: {  	v13 =	vld [tilespmem:s11+$0x30];
	_ =	sdelay $0x2  }
0x11c: {  	s19 =	sand.u32 $0x7, s1  }
0x11d: {  	s25 =	smul.u32 $0xC00, s19  }
0x11e: {  	v12 =	vmul.f32 v13, v12  }
0x11f: {  	s17 =	sand.u32 $0x30, s1;
	s11 =	sshrl.u32 s25, $0x2  }
0x120: {  	s11 =	sor.u32 s17, s11;
	[tilespmem:v11+s9+$0x0] =	vst.idx.msk $0xffff, v12  }
0x121: {  	v11 =	vld [tilespmem:s11+$0x3E80];
	_ =	sdelay $0x1  }
0x122: {  	v12 =	vld [tilespmem:s11+$0x3EB0];
	_ =	sdelay $0x1  }
0x123: {  	v51 =	vld [tilespmem:s11+$0x3EE0]  }
0x124: {  	v11 =	vadd.f32 $0.0e+00, v11  }
0x125: {  	v14 =	vld [tilespmem:s11+$0x3F10]  }
0x126: {  	v11 =	vadd.f32 v12, v11  }
0x127: {  	v52 =	vld [tilespmem:s11+$0x3F40]  }
0x128: {  	v11 =	vadd.f32 v51, v11  }
0x129: {  	v53 =	vld [tilespmem:s11+$0x3F70]  }
0x12a: {  	v11 =	vadd.f32 v14, v11  }
0x12b: {  	v54 =	vld [tilespmem:s11+$0x3FA0]  }
0x12c: {  	v11 =	vadd.f32 v52, v11  }
0x12d: {  	v55 =	vld [tilespmem:s11+$0x3FD0]  }
0x12e: {  	v11 =	vadd.f32 v53, v11  }
0x12f: {  	v56 =	vld [tilespmem:s11+$0x4000]  }
0x130: {  	v11 =	vadd.f32 v54, v11  }
0x131: {  	v57 =	vld [tilespmem:s11+$0x4030]  }
0x132: {  	v11 =	vadd.f32 v55, v11  }
0x133: {  	v58 =	vld [tilespmem:s11+$0x4060]  }
0x134: {  	v11 =	vadd.f32 v56, v11  }
0x135: {  	v59 =	vld [tilespmem:s11+$0x4090]  }
0x136: {  	v11 =	vadd.f32 v57, v11  }
0x137: {  	v60 =	vld [tilespmem:s11+$0x40C0]  }
0x138: {  	v11 =	vadd.f32 v58, v11  }
0x139: {  	v61 =	vld [tilespmem:s11+$0x40F0]  }
0x13a: {  	v11 =	vadd.f32 v59, v11  }
0x13b: {  	v62 =	vld [tilespmem:s11+$0x4120]  }
0x13c: {  	v11 =	vadd.f32 v60, v11  }
0x13d: {  	v63 =	vld [tilespmem:s11+$0x4150]  }
0x13e: {  	v11 =	vadd.f32 v61, v11;
	_ =	sdelay $0x1  }
0x13f: {  	v11 =	vadd.f32 v62, v11;
	_ =	sdelay $0x1  }
0x140: {  	v11 =	vadd.f32 v63, v11;
	_ =	sdelay $0x1  }
0x141: {  	v11 =	vmul.f32 $1.442695020e+00, v11;
	_ =	sdelay $0x1  }
0x142: {  	(erf) = vpow2.f32 v11;
	_ =	sdelay $0x4  }
0x143: {  	s12 =	simm.s32 $0x1;
	s15 =	simm.s32 $0x2  }
0x144: {  	s24 =	smul.u32 $0xC0, s19;
	s19 =	simm.s32 $0x0;
	s11 =	sand.u32 $0x7, s12  }
.LBB2_7:
0x145: {  	p0 =	sne.s32 s15, $0x17;
	s25 =	smul.u32 $0xC00, s11  }
0x146: {  	s19 =	sadd.s32 $0x2, s19;
	s24 =	sshrl.u32 s24, $0x2  }
0x147: {  	s25 =	sshrl.u32 s25, $0x2;
	s24 =	sadd.s32 s17, s24;
	s17 =	sand.u32 $0x30, s19;
	v11 =	vpop (erf)  }
0x148: {  	s25 =	sor.u32 s17, s25;
	[tilespmem:s24+$0x5680] =	vst v11  }
0x149: {  	v11 =	vld [tilespmem:s25+$0x3E80];
	_ =	sdelay $0x1  }
0x14a: {  	v12 =	vld [tilespmem:s25+$0x3EB0];
	_ =	sdelay $0x1  }
0x14b: {  	v13 =	vld [tilespmem:s25+$0x3EE0]  }
0x14c: {  	v11 =	vadd.f32 $0.0e+00, v11  }
0x14d: {  	v14 =	vld [tilespmem:s25+$0x3F10]  }
0x14e: {  	v11 =	vadd.f32 v12, v11  }
0x14f: {  	v12 =	vld [tilespmem:s25+$0x3F40]  }
0x150: {  	v11 =	vadd.f32 v13, v11  }
0x151: {  	v13 =	vld [tilespmem:s25+$0x3F70]  }
0x152: {  	v11 =	vadd.f32 v14, v11  }
0x153: {  	v14 =	vld [tilespmem:s25+$0x3FA0]  }
0x154: {  	v11 =	vadd.f32 v12, v11  }
0x155: {  	v12 =	vld [tilespmem:s25+$0x3FD0]  }
0x156: {  	v11 =	vadd.f32 v13, v11  }
0x157: {  	v13 =	vld [tilespmem:s25+$0x4000]  }
0x158: {  	v11 =	vadd.f32 v14, v11  }
0x159: {  	v14 =	vld [tilespmem:s25+$0x4030]  }
0x15a: {  	v11 =	vadd.f32 v12, v11  }
0x15b: {  	v12 =	vld [tilespmem:s25+$0x4060]  }
0x15c: {  	v11 =	vadd.f32 v13, v11  }
0x15d: {  	v13 =	vld [tilespmem:s25+$0x4090]  }
0x15e: {  	v11 =	vadd.f32 v14, v11  }
0x15f: {  	v14 =	vld [tilespmem:s25+$0x40C0]  }
0x160: {  	v11 =	vadd.f32 v12, v11  }
0x161: {  	v12 =	vld [tilespmem:s25+$0x40F0]  }
0x162: {  	v11 =	vadd.f32 v13, v11  }
0x163: {  	v13 =	vld [tilespmem:s25+$0x4120]  }
0x164: {  	v11 =	vadd.f32 v14, v11  }
0x165: {  	v14 =	vld [tilespmem:s25+$0x4150]  }
0x166: {  	v11 =	vadd.f32 v12, v11;
	_ =	sdelay $0x1  }
0x167: {  	v11 =	vadd.f32 v13, v11;
	_ =	sdelay $0x1  }
0x168: {  	v11 =	vadd.f32 v14, v11;
	_ =	sdelay $0x1  }
0x169: {  	v11 =	vmul.f32 $1.442695020e+00, v11;
	_ =	sdelay $0x1  }
0x16a: {  	(erf) = vpow2.f32 v11;
	_ =	sdelay $0x1  }
.Ltmp2:
0x16b: {  	(pc) =	sbr.rel @p0 .LBB2_7-.Ltmp2, $2  }
0x16c: {  	_ =	sdelay $0x2  }
0x16d: {  	s24 =	smul.u32 $0xC0, s11;
	s11 =	sand.u32 $0x7, s15;
	s15 =	sadd.s32 $0x1, s15  }
0x16e: {  	s15 =	smul.u32 $0xC00, s11  }
0x16f: {  	s19 =	sadd.s32 $0x2, s19;
	s24 =	sshrl.u32 s24, $0x2  }
0x170: {  	s19 =	sand.u32 $0x30, s19;
	s15 =	sshrl.u32 s15, $0x2;
	s17 =	sadd.s32 s17, s24;
	v11 =	vpop (erf)  }
0x171: {  	s15 =	sor.u32 s19, s15;
	[tilespmem:s17+$0x5680] =	vst v11  }
0x172: {  	v11 =	vld [tilespmem:s15+$0x3E80];
	_ =	sdelay $0x1  }
0x173: {  	v12 =	vld [tilespmem:s15+$0x3EB0];
	_ =	sdelay $0x1  }
0x174: {  	v13 =	vld [tilespmem:s15+$0x3EE0]  }
0x175: {  	v11 =	vadd.f32 $0.0e+00, v11  }
0x176: {  	v14 =	vld [tilespmem:s15+$0x3F10]  }
0x177: {  	v11 =	vadd.f32 v12, v11  }
0x178: {  	v12 =	vld [tilespmem:s15+$0x3F40]  }
0x179: {  	v11 =	vadd.f32 v13, v11  }
0x17a: {  	v13 =	vld [tilespmem:s15+$0x3F70]  }
0x17b: {  	v11 =	vadd.f32 v14, v11  }
0x17c: {  	v14 =	vld [tilespmem:s15+$0x3FA0]  }
0x17d: {  	v11 =	vadd.f32 v12, v11  }
0x17e: {  	v12 =	vld [tilespmem:s15+$0x3FD0]  }
0x17f: {  	v11 =	vadd.f32 v13, v11  }
0x180: {  	v13 =	vld [tilespmem:s15+$0x4000]  }
0x181: {  	v11 =	vadd.f32 v14, v11  }
0x182: {  	v14 =	vld [tilespmem:s15+$0x4030]  }
0x183: {  	v11 =	vadd.f32 v12, v11  }
0x184: {  	v12 =	vld [tilespmem:s15+$0x4060]  }
0x185: {  	v11 =	vadd.f32 v13, v11  }
0x186: {  	v13 =	vld [tilespmem:s15+$0x4090]  }
0x187: {  	v11 =	vadd.f32 v14, v11  }
0x188: {  	v14 =	vld [tilespmem:s15+$0x40C0]  }
0x189: {  	v11 =	vadd.f32 v12, v11  }
0x18a: {  	v12 =	vld [tilespmem:s15+$0x40F0]  }
0x18b: {  	v11 =	vadd.f32 v13, v11  }
0x18c: {  	v13 =	vld [tilespmem:s15+$0x4120]  }
0x18d: {  	v11 =	vadd.f32 v14, v11  }
0x18e: {  	v14 =	vld [tilespmem:s15+$0x4150]  }
0x18f: {  	v11 =	vadd.f32 v12, v11;
	_ =	sdelay $0x1  }
0x190: {  	v11 =	vadd.f32 v13, v11;
	_ =	sdelay $0x1  }
0x191: {  	v11 =	vadd.f32 v14, v11;
	_ =	sdelay $0x1  }
0x192: {  	v11 =	vmul.f32 $1.442695020e+00, v11;
	_ =	sdelay $0x1  }
0x193: {  	(erf) = vpow2.f32 v11;
	_ =	sdelay $0x5  }
0x194: {  	s25 =	smul.u32 $0xC0, s11;
	v11 =	vmov s1;
	_ =	sdelay $0x1  }
0x195: {  	s11 =	sshrl.u32 s25, $0x2  }
0x196: {  	s11 =	sadd.s32 s19, s11;
	v12 =	vpop (erf)  }
0x197: {  	[tilespmem:s11+$0x5680] =	vst v12  }
0x198: {  	v12 =	vld.idx.msk [tilespmem:v11+s0+$0x0], $0xffff;
	_ =	sdelay $0x4  }
0x199: {  	v13 =	vadd.s32 $0x8, v12;
	v14 =	vsub.s32 v0, v12  }
0x19a: {  	vm0 =	vlt.s32 v12, v10;
	vm1 =	vgt.s32 v13, v0;
	v12 =	vmul.u32 $0x30, v14  }
0x19b: {  	vm0 =	vmand vm0, vm1  }
0x19c: {  	v12 =	vnsel vm0, $0x180, v12  }
0x19d: {  	v12 =	vadd.s32 s1, v12;
	_ =	sdelay $0x3  }
0x19e: {  	v13 =	vld.idx.msk [tilespmem:v11+s18+$0x0], $0xffff  }
0x19f: {  	v12 =	vld.idx.msk [tilespmem:v12+s10+$0x0], $0xffff;
	_ =	sdelay $0x3  }
0x1a0: {  	vm8 =	veq.s32 v13, $0x0;
	vm9 =	veq.s32 v13, $0x30  }
0x1a1: {  	s1 =	simm.s32 $0x6CC0;
	vm10 =	veq.s32 v13, $0x10;
	vm11 =	veq.s32 v13, $0x50;
	v14 =	vnsel vm8, $0x0, v12  }
0x1a2: {  	vm12 =	veq.s32 v13, $0x70;
	vm14 =	veq.s32 v13, $0x20;
	v15 =	vnsel vm10, $0x0, v12;
	[tilespmem:s1+$0xFFFFFFC0] =	vst v14  }
0x1a3: {  	vm13 =	veq.s32 v13, $0x40;
	vm15 =	veq.s32 v13, $0x60;
	v13 =	vnsel vm14, $0x0, v12;
	[tilespmem:s1+$0xFFFFFFD0] =	vst v15  }
0x1a4: {  	v14 =	vnsel vm9, $0x0, v12;
	[tilespmem:s1+$0xFFFFFFE0] =	vst v13  }
0x1a5: {  	v15 =	vnsel vm13, $0x0, v12;
	[tilespmem:s1+$0xFFFFFFF0] =	vst v14  }
0x1a6: {  	v14 =	vnsel vm11, $0x0, v12;
	[tilespmem:s1+$0x0] =	vst v15  }
0x1a7: {  	[tilespmem:s1+$0x10] =	vst v14;
	v14 =	vnsel vm12, $0x0, v12  }
0x1a8: {  	v12 =	vnsel vm15, $0x0, v12;
	[tilespmem:s1+$0x30] =	vst v14  }
0x1a9: {  	[tilespmem:s1+$0x20] =	vst v12  }
0x1aa: {  	s19 =	simm.s32 $0x2AC0;
	v12 =	vld.idx.msk [tilespmem:v11+s10+$0x0], $0xffff  }
0x1ab: {  	v13 =	vld [tilespmem:s19+$0xFFFFFFC0];
	_ =	sdelay $0x2  }
0x1ac: {  	v14 =	vadd.s32 $0x30, v11;
	_ =	sdelay $0x1  }
0x1ad: {  	v12 =	vmul.f32 v13, v12  }
0x1ae: {  	s17 =	simm.s32 $0x58C0  }
0x1af: {  	[tilespmem:s17+$0xFFFFFFC0] =	vst v12  }
0x1b0: {  	v12 =	vld.idx.msk [tilespmem:v14+s10+$0x0], $0xffff  }
0x1b1: {  	v13 =	vld [tilespmem:s19+$0xFFFFFFD0];
	_ =	sdelay $0x2  }
0x1b2: {  	v14 =	vadd.s32 $0x60, v11;
	_ =	sdelay $0x1  }
0x1b3: {  	v12 =	vmul.f32 v13, v12;
	_ =	sdelay $0x1  }
0x1b4: {  	[tilespmem:s17+$0xFFFFFFD0] =	vst v12  }
0x1b5: {  	v12 =	vld.idx.msk [tilespmem:v14+s10+$0x0], $0xffff  }
0x1b6: {  	v13 =	vld [tilespmem:s19+$0xFFFFFFE0];
	_ =	sdelay $0x2  }
0x1b7: {  	v14 =	vadd.s32 $0x90, v11;
	_ =	sdelay $0x1  }
0x1b8: {  	v12 =	vmul.f32 v13, v12;
	_ =	sdelay $0x1  }
0x1b9: {  	[tilespmem:s17+$0xFFFFFFE0] =	vst v12  }
0x1ba: {  	v12 =	vld.idx.msk [tilespmem:v14+s10+$0x0], $0xffff  }
0x1bb: {  	v13 =	vld [tilespmem:s19+$0xFFFFFFF0];
	_ =	sdelay $0x2  }
0x1bc: {  	v14 =	vor.u32 $0xC0, v11;
	_ =	sdelay $0x1  }
0x1bd: {  	v12 =	vmul.f32 v13, v12;
	_ =	sdelay $0x1  }
0x1be: {  	[tilespmem:s17+$0xFFFFFFF0] =	vst v12  }
0x1bf: {  	v12 =	vld.idx.msk [tilespmem:v14+s10+$0x0], $0xffff  }
0x1c0: {  	v13 =	vld [tilespmem:s19+$0x0];
	_ =	sdelay $0x2  }
0x1c1: {  	v14 =	vadd.s32 $0xF0, v11;
	_ =	sdelay $0x1  }
0x1c2: {  	v12 =	vmul.f32 v13, v12;
	_ =	sdelay $0x1  }
0x1c3: {  	[tilespmem:s17+$0x0] =	vst v12  }
0x1c4: {  	v12 =	vld.idx.msk [tilespmem:v14+s10+$0x0], $0xffff  }
0x1c5: {  	v13 =	vld [tilespmem:s19+$0x10];
	_ =	sdelay $0x2  }
0x1c6: {  	v14 =	vadd.s32 $0x120, v11;
	_ =	sdelay $0x1  }
0x1c7: {  	v12 =	vmul.f32 v13, v12;
	_ =	sdelay $0x1  }
0x1c8: {  	[tilespmem:s17+$0x10] =	vst v12  }
0x1c9: {  	v12 =	vld.idx.msk [tilespmem:v14+s10+$0x0], $0xffff  }
0x1ca: {  	v13 =	vld [tilespmem:s19+$0x20];
	_ =	sdelay $0x2  }
0x1cb: {  	v11 =	vadd.s32 $0x150, v11;
	_ =	sdelay $0x1  }
0x1cc: {  	v12 =	vmul.f32 v13, v12;
	_ =	sdelay $0x1  }
0x1cd: {  	[tilespmem:s17+$0x20] =	vst v12  }
0x1ce: {  	s11 =	simm.s32 $0x58C0;
	v12 =	vld.idx.msk [tilespmem:v11+s10+$0x0], $0xffff  }
.LBB2_9:
0x1cf: {  	v13 =	vld [tilespmem:s19+$0x30];
	s19 =	sadd.s32 $0x80, s19;
	s17 =	sadd.s32 $0x80, s17;
	s1 =	sadd.s32 $0x80, s1  }
0x1d0: {  	p0 =	sne.s32 s12, $0x27;
	s15 =	smov.u32 s12;
	s12 =	sadd.s32 $0x1, s12  }
0x1d1: {  	_ = 	snop  }
0x1d2: {  	v11 =	vmov s15;
	_ =	sdelay $0x1  }
0x1d3: {  	v12 =	vmul.f32 v13, v12;
	_ =	sdelay $0x1  }
0x1d4: {  	[tilespmem:s11+$0x30] =	vst v12;
	s11 =	smov.u32 s17  }
0x1d5: {  	v12 =	vld.idx.msk [tilespmem:v11+s0+$0x0], $0xffff;
	_ =	sdelay $0x5  }
0x1d6: {  	v13 =	vadd.s32 $0x8, v12;
	v14 =	vsub.s32 v0, v12  }
0x1d7: {  	vm0 =	vlt.s32 v12, v10;
	vm1 =	vgt.s32 v13, v0;
	v12 =	vmul.u32 $0x30, v14  }
0x1d8: {  	vm0 =	vmand vm0, vm1  }
0x1d9: {  	v12 =	vnsel vm0, $0x180, v12  }
0x1da: {  	v12 =	vadd.s32 s15, v12;
	_ =	sdelay $0x3  }
0x1db: {  	v13 =	vld.idx.msk [tilespmem:v11+s18+$0x0], $0xffff  }
0x1dc: {  	v12 =	vld.idx.msk [tilespmem:v12+s10+$0x0], $0xffff;
	_ =	sdelay $0x4  }
0x1dd: {  	vm0 =	veq.s32 v13, $0x0;
	vm1 =	veq.s32 v13, $0x10;
	vm2 =	veq.s32 v13, $0x60  }
0x1de: {  	v14 =	vnsel vm0, $0x0, v12;
	v15 =	vnsel vm1, $0x0, v12;
	vm0 =	veq.s32 v13, $0x30  }
0x1df: {  	vm1 =	veq.s32 v13, $0x20;
	[tilespmem:s1+$0xFFFFFFC0] =	vst v14;
	v14 =	vnsel vm0, $0x0, v12;
	vm0 =	veq.s32 v13, $0x40  }
0x1e0: {  	v16 =	vnsel vm2, $0x0, v12;
	[tilespmem:s1+$0xFFFFFFF0] =	vst v14;
	v14 =	vnsel vm0, $0x0, v12;
	vm0 =	veq.s32 v13, $0x50  }
0x1e1: {  	[tilespmem:s1+$0xFFFFFFD0] =	vst v15;
	v15 =	vnsel vm1, $0x0, v12;
	v17 =	vnsel vm0, $0x0, v12;
	vm0 =	veq.s32 v13, $0x70  }
0x1e2: {  	[tilespmem:s1+$0x10] =	vst v17;
	v12 =	vnsel vm0, $0x0, v12  }
0x1e3: {  	[tilespmem:s1+$0x30] =	vst v12  }
0x1e4: {  	[tilespmem:s1+$0x0] =	vst v14  }
0x1e5: {  	[tilespmem:s1+$0xFFFFFFE0] =	vst v15  }
0x1e6: {  	[tilespmem:s1+$0x20] =	vst v16  }
0x1e7: {  	v12 =	vld.idx.msk [tilespmem:v11+s10+$0x0], $0xffff  }
0x1e8: {  	v13 =	vld [tilespmem:s19+$0xFFFFFFC0];
	_ =	sdelay $0x2  }
0x1e9: {  	v14 =	vadd.s32 $0x30, v11;
	_ =	sdelay $0x1  }
0x1ea: {  	v12 =	vmul.f32 v13, v12;
	_ =	sdelay $0x1  }
0x1eb: {  	[tilespmem:s17+$0xFFFFFFC0] =	vst v12  }
0x1ec: {  	v12 =	vld.idx.msk [tilespmem:v14+s10+$0x0], $0xffff  }
0x1ed: {  	v13 =	vld [tilespmem:s19+$0xFFFFFFD0];
	_ =	sdelay $0x2  }
0x1ee: {  	v14 =	vadd.s32 $0x60, v11;
	_ =	sdelay $0x1  }
0x1ef: {  	v12 =	vmul.f32 v13, v12;
	_ =	sdelay $0x1  }
0x1f0: {  	[tilespmem:s17+$0xFFFFFFD0] =	vst v12  }
0x1f1: {  	v12 =	vld.idx.msk [tilespmem:v14+s10+$0x0], $0xffff  }
0x1f2: {  	v13 =	vld [tilespmem:s19+$0xFFFFFFE0];
	_ =	sdelay $0x2  }
0x1f3: {  	v14 =	vadd.s32 $0x90, v11;
	_ =	sdelay $0x1  }
0x1f4: {  	v12 =	vmul.f32 v13, v12;
	_ =	sdelay $0x1  }
0x1f5: {  	[tilespmem:s17+$0xFFFFFFE0] =	vst v12  }
0x1f6: {  	v12 =	vld.idx.msk [tilespmem:v14+s10+$0x0], $0xffff  }
0x1f7: {  	v13 =	vld [tilespmem:s19+$0xFFFFFFF0];
	_ =	sdelay $0x2  }
0x1f8: {  	v14 =	vor.u32 $0xC0, v11;
	_ =	sdelay $0x1  }
0x1f9: {  	v12 =	vmul.f32 v13, v12;
	_ =	sdelay $0x1  }
0x1fa: {  	[tilespmem:s17+$0xFFFFFFF0] =	vst v12  }
0x1fb: {  	v12 =	vld.idx.msk [tilespmem:v14+s10+$0x0], $0xffff  }
0x1fc: {  	v13 =	vld [tilespmem:s19+$0x0];
	_ =	sdelay $0x2  }
0x1fd: {  	v14 =	vadd.s32 $0xF0, v11;
	_ =	sdelay $0x1  }
0x1fe: {  	v12 =	vmul.f32 v13, v12;
	_ =	sdelay $0x1  }
0x1ff: {  	[tilespmem:s17+$0x0] =	vst v12  }
0x200: {  	v12 =	vld.idx.msk [tilespmem:v14+s10+$0x0], $0xffff  }
0x201: {  	v13 =	vld [tilespmem:s19+$0x10];
	_ =	sdelay $0x2  }
0x202: {  	v14 =	vadd.s32 $0x120, v11;
	_ =	sdelay $0x1  }
0x203: {  	v12 =	vmul.f32 v13, v12;
	_ =	sdelay $0x1  }
0x204: {  	[tilespmem:s17+$0x10] =	vst v12  }
0x205: {  	v12 =	vld.idx.msk [tilespmem:v14+s10+$0x0], $0xffff  }
0x206: {  	v13 =	vld [tilespmem:s19+$0x20];
	_ =	sdelay $0x2  }
0x207: {  	v11 =	vadd.s32 $0x150, v11  }
.Ltmp3:
0x208: {  	(pc) =	sbr.rel @p0 .LBB2_9-.Ltmp3, $3  }
0x209: {  	v12 =	vmul.f32 v13, v12;
	_ =	sdelay $0x1  }
0x20a: {  	[tilespmem:s17+$0x20] =	vst v12  }
0x20b: {  	v12 =	vld.idx.msk [tilespmem:v11+s10+$0x0], $0xffff  }
0x20c: {  	v11 =	vld [tilespmem:s19+$0x30];
	_ =	sdelay $0x4  }
0x20d: {  	v11 =	vmul.f32 v11, v12;
	_ =	sdelay $0x1  }
0x20e: {  	s1 =	rddreg [dreg:$0x2];
	[tilespmem:s11+$0x30] =	vst v11  }
0x20f: {  	[spmem:s1] =	stream.indirect.scatter.add.f32 [tilespmem:s20], [sflag:$0x4], $0x80, s30, s2, $0xb8;
	[tilespmem:$0x1D480] =	vst v63  }
0x210: {  	_ =	swait.ge [sflag:s21], $0x1400  }
0x211: {  	s14 =	sadd.s32 $0x1, s14;
	[sflag:s21] =	ssyncset.done $0x0  }
0x212: {  	p0 =	sne.s32 s14, $0xFA;
	[sflag:s21] =	ssyncadd.s32 $0xFFFFEC00  }
.Ltmp4:
0x213: {  	s25 =	simm.s32 $0x6C80;
	s24 =	rddreg [dreg:$0x3];
	(pc) =	sbr.rel @p0 .LBB2_4-.Ltmp4, $4  }
0x214: {  	[spmem:s24] =	stream.indirect.scatter.add.f32 [tilespmem:s25], [sflag:$0x4], $0x80, s31, s2, $0xb8;
	[tilespmem:$0x1D480] =	vst v63  }
0x215: {  	_ =	swait.ge [sflag:s21], $0x1400  }
0x216: {  	[sflag:s21] =	ssyncset.done $0x0  }
0x217: {  	[sflag:s21] =	ssyncadd.s32 $0xFFFFEC00  }
0x218: {  	[bflag:$0x0] =	sbarrier.arrive $0xFFFF  }
0x219: {  	s19 =	rddreg [dreg:$0x17]  }
0x21a: {  	[tilespmem:s20], [sflag:$0x4] =	stream.linear.gather [spmem:s19], $0x1400, $0x38;
	[tilespmem:$0x1D480] =	vst v63  }
0x21b: {  	_ =	swait.ge [sflag:s21], $0x1400  }
0x21c: {  	[sflag:s21] =	ssyncset.done $0x0  }
0x21d: {  	s1 =	simm.s32 $0x0;
	s11 =	rddreg [dreg:$0x5];
	[sflag:s21] =	ssyncadd.s32 $0xFFFFEC00  }
0x21e: {  	[hbm4b:s11+s1] =	stream.linear.scatter [tilespmem:s20], [sflag:$0x4], $0x1400, $0x38;
	[tilespmem:$0x1D480] =	vst v63  }
0x21f: {  	_ =	swait.ge [sflag:s21], $0x1400  }
0x220: {  	[sflag:s21] =	ssyncset.done $0x0  }
0x221: {  	s15 =	rddreg [dreg:$0x18];
	[sflag:s21] =	ssyncadd.s32 $0xFFFFEC00  }
0x222: {  	[tilespmem:s20], [sflag:$0x4] =	stream.linear.gather [spmem:s15], $0x1400, $0x38;
	[tilespmem:$0x1D480] =	vst v63  }
0x223: {  	_ =	swait.ge [sflag:s21], $0x1400  }
0x224: {  	[sflag:s21] =	ssyncset.done $0x0  }
0x225: {  	s17 =	rddreg [dreg:$0x6];
	[sflag:s21] =	ssyncadd.s32 $0xFFFFEC00  }
0x226: {  	[hbm4b:s17+s1] =	stream.linear.scatter [tilespmem:s20], [sflag:$0x4], $0x1400, $0x38;
	[tilespmem:$0x1D480] =	vst v63  }
0x227: {  	_ =	swait.ge [sflag:s21], $0x1400  }
0x228: {  	[sflag:s21] =	ssyncset.done $0x0  }
0x229: {  	s24 =	rddreg [dreg:$0x19];
	[sflag:s21] =	ssyncadd.s32 $0xFFFFEC00  }
0x22a: {  	[tilespmem:s20], [sflag:$0x4] =	stream.linear.gather [spmem:s24], $0x1400, $0x38;
	[tilespmem:$0x1D480] =	vst v63  }
0x22b: {  	_ =	swait.ge [sflag:s21], $0x1400  }
0x22c: {  	[sflag:s21] =	ssyncset.done $0x0  }
0x22d: {  	s25 =	rddreg [dreg:$0x7];
	[sflag:s21] =	ssyncadd.s32 $0xFFFFEC00  }
0x22e: {  	[hbm4b:s25+s1] =	stream.linear.scatter [tilespmem:s20], [sflag:$0x4], $0x1400, $0x38;
	[tilespmem:$0x1D480] =	vst v63  }
0x22f: {  	_ =	swait.ge [sflag:s21], $0x1400  }
0x230: {  	[sflag:s21] =	ssyncset.done $0x0  }
0x231: {  	s12 =	rddreg [dreg:$0x1a];
	[sflag:s21] =	ssyncadd.s32 $0xFFFFEC00  }
0x232: {  	[tilespmem:s20], [sflag:$0x4] =	stream.linear.gather [spmem:s12], $0x1400, $0x38;
	[tilespmem:$0x1D480] =	vst v63  }
0x233: {  	_ =	swait.ge [sflag:s21], $0x1400  }
0x234: {  	[sflag:s21] =	ssyncset.done $0x0  }
0x235: {  	s13 =	rddreg [dreg:$0x8];
	[sflag:s21] =	ssyncadd.s32 $0xFFFFEC00  }
0x236: {  	[hbm4b:s13+s1] =	stream.linear.scatter [tilespmem:s20], [sflag:$0x4], $0x1400, $0x38;
	[tilespmem:$0x1D480] =	vst v63  }
0x237: {  	_ =	swait.ge [sflag:s21], $0x1400  }
0x238: {  	[sflag:s21] =	ssyncset.done $0x0  }
0x239: {  	s14 =	rddreg [dreg:$0x1b];
	[sflag:s21] =	ssyncadd.s32 $0xFFFFEC00  }
0x23a: {  	[tilespmem:s20], [sflag:$0x4] =	stream.linear.gather [spmem:s14], $0x1400, $0x38;
	[tilespmem:$0x1D480] =	vst v63  }
0x23b: {  	_ =	swait.ge [sflag:s21], $0x1400  }
0x23c: {  	[sflag:s21] =	ssyncset.done $0x0  }
0x23d: {  	s15 =	rddreg [dreg:$0x9];
	[sflag:s21] =	ssyncadd.s32 $0xFFFFEC00  }
0x23e: {  	[hbm4b:s15+s1] =	stream.linear.scatter [tilespmem:s20], [sflag:$0x4], $0x1400, $0x38;
	[tilespmem:$0x1D480] =	vst v63  }
0x23f: {  	_ =	swait.ge [sflag:s21], $0x1400  }
0x240: {  	[sflag:s21] =	ssyncset.done $0x0  }
0x241: {  	s17 =	rddreg [dreg:$0x1c];
	[sflag:s21] =	ssyncadd.s32 $0xFFFFEC00  }
0x242: {  	[tilespmem:s20], [sflag:$0x4] =	stream.linear.gather [spmem:s17], $0x1400, $0x38;
	[tilespmem:$0x1D480] =	vst v63  }
0x243: {  	_ =	swait.ge [sflag:s21], $0x1400  }
0x244: {  	[sflag:s21] =	ssyncset.done $0x0  }
0x245: {  	s24 =	rddreg [dreg:$0xa];
	[sflag:s21] =	ssyncadd.s32 $0xFFFFEC00  }
0x246: {  	[hbm4b:s24+s1] =	stream.linear.scatter [tilespmem:s20], [sflag:$0x4], $0x1400, $0x38;
	[tilespmem:$0x1D480] =	vst v63  }
0x247: {  	_ =	swait.ge [sflag:s21], $0x1400  }
0x248: {  	[sflag:s21] =	ssyncset.done $0x0  }
0x249: {  	s25 =	rddreg [dreg:$0x1d];
	[sflag:s21] =	ssyncadd.s32 $0xFFFFEC00  }
0x24a: {  	[tilespmem:s20], [sflag:$0x4] =	stream.linear.gather [spmem:s25], $0x1400, $0x38;
	[tilespmem:$0x1D480] =	vst v63  }
0x24b: {  	_ =	swait.ge [sflag:s21], $0x1400  }
0x24c: {  	[sflag:s21] =	ssyncset.done $0x0  }
0x24d: {  	s12 =	rddreg [dreg:$0xb];
	[sflag:s21] =	ssyncadd.s32 $0xFFFFEC00  }
0x24e: {  	[hbm4b:s12+s1] =	stream.linear.scatter [tilespmem:s20], [sflag:$0x4], $0x1400, $0x38;
	[tilespmem:$0x1D480] =	vst v63  }
0x24f: {  	_ =	swait.ge [sflag:s21], $0x1400  }
0x250: {  	[sflag:s21] =	ssyncset.done $0x0  }
0x251: {  	s13 =	rddreg [dreg:$0x1e];
	[sflag:s21] =	ssyncadd.s32 $0xFFFFEC00  }
0x252: {  	[tilespmem:s20], [sflag:$0x4] =	stream.linear.gather [spmem:s13], $0x1400, $0x38;
	[tilespmem:$0x1D480] =	vst v63  }
0x253: {  	_ =	swait.ge [sflag:s21], $0x1400  }
0x254: {  	[sflag:s21] =	ssyncset.done $0x0  }
0x255: {  	s14 =	rddreg [dreg:$0xc];
	[sflag:s21] =	ssyncadd.s32 $0xFFFFEC00  }
0x256: {  	[hbm4b:s14+s1] =	stream.linear.scatter [tilespmem:s20], [sflag:$0x4], $0x1400, $0x38;
	[tilespmem:$0x1D480] =	vst v63  }
0x257: {  	_ =	swait.ge [sflag:s21], $0x1400  }
0x258: {  	[sflag:s21] =	ssyncset.done $0x0  }
0x259: {  	s15 =	rddreg [dreg:$0x1f];
	[sflag:s21] =	ssyncadd.s32 $0xFFFFEC00  }
0x25a: {  	[tilespmem:s20], [sflag:$0x4] =	stream.linear.gather [spmem:s15], $0x1400, $0x38;
	[tilespmem:$0x1D480] =	vst v63  }
0x25b: {  	_ =	swait.ge [sflag:s21], $0x1400  }
0x25c: {  	[sflag:s21] =	ssyncset.done $0x0  }
0x25d: {  	s17 =	rddreg [dreg:$0xd];
	[sflag:s21] =	ssyncadd.s32 $0xFFFFEC00  }
0x25e: {  	[hbm4b:s17+s1] =	stream.linear.scatter [tilespmem:s20], [sflag:$0x4], $0x1400, $0x38;
	[tilespmem:$0x1D480] =	vst v63  }
0x25f: {  	_ =	swait.ge [sflag:s21], $0x1400  }
0x260: {  	s24 =	sld [smem:$0x7F4]  }
0x261: {  	[sflag:s21] =	ssyncset.done $0x0  }
0x262: {  	[sflag:s21] =	ssyncadd.s32 $0xFFFFEC00  }
0x263: {  	[tilespmem:s20], [sflag:$0x4] =	stream.linear.gather [spmem:s24], $0x1400, $0x38;
	[tilespmem:$0x1D480] =	vst v63  }
0x264: {  	_ =	swait.ge [sflag:s21], $0x1400  }
0x265: {  	[sflag:s21] =	ssyncset.done $0x0  }
0x266: {  	s25 =	rddreg [dreg:$0xe];
	[sflag:s21] =	ssyncadd.s32 $0xFFFFEC00  }
0x267: {  	[hbm4b:s25+s1] =	stream.linear.scatter [tilespmem:s20], [sflag:$0x4], $0x1400, $0x38;
	[tilespmem:$0x1D480] =	vst v63  }
0x268: {  	_ =	swait.ge [sflag:s21], $0x1400  }
0x269: {  	s12 =	sld [smem:$0x7F5]  }
0x26a: {  	[sflag:s21] =	ssyncset.done $0x0  }
0x26b: {  	[sflag:s21] =	ssyncadd.s32 $0xFFFFEC00  }
0x26c: {  	[tilespmem:s20], [sflag:$0x4] =	stream.linear.gather [spmem:s12], $0x1400, $0x38;
	[tilespmem:$0x1D480] =	vst v63  }
0x26d: {  	_ =	swait.ge [sflag:s21], $0x1400  }
0x26e: {  	[sflag:s21] =	ssyncset.done $0x0  }
0x26f: {  	s13 =	rddreg [dreg:$0xf];
	[sflag:s21] =	ssyncadd.s32 $0xFFFFEC00  }
0x270: {  	[hbm4b:s13+s1] =	stream.linear.scatter [tilespmem:s20], [sflag:$0x4], $0x1400, $0x38;
	[tilespmem:$0x1D480] =	vst v63  }
0x271: {  	_ =	swait.ge [sflag:s21], $0x1400  }
0x272: {  	s12 =	sld [smem:$0x7F9]  }
0x273: {  	[sflag:s21] =	ssyncset.done $0x0  }
0x274: {  	[sflag:s21] =	ssyncadd.s32 $0xFFFFEC00  }
0x275: {  	[tilespmem:s20], [sflag:$0x4] =	stream.linear.gather [spmem:s12], $0x1400, $0x38;
	[tilespmem:$0x1D480] =	vst v63  }
0x276: {  	_ =	swait.ge [sflag:s21], $0x1400  }
0x277: {  	[sflag:s21] =	ssyncset.done $0x0  }
0x278: {  	s14 =	rddreg [dreg:$0x10];
	[sflag:s21] =	ssyncadd.s32 $0xFFFFEC00  }
0x279: {  	[hbm4b:s14+s1] =	stream.linear.scatter [tilespmem:s20], [sflag:$0x4], $0x1400, $0x38;
	[tilespmem:$0x1D480] =	vst v63  }
0x27a: {  	_ =	swait.ge [sflag:s21], $0x1400  }
0x27b: {  	s13 =	sld [smem:$0x7FA]  }
0x27c: {  	[sflag:s21] =	ssyncset.done $0x0  }
0x27d: {  	[sflag:s21] =	ssyncadd.s32 $0xFFFFEC00  }
0x27e: {  	[tilespmem:s20], [sflag:$0x4] =	stream.linear.gather [spmem:s13], $0x1400, $0x38;
	[tilespmem:$0x1D480] =	vst v63  }
0x27f: {  	_ =	swait.ge [sflag:s21], $0x1400  }
0x280: {  	[sflag:s21] =	ssyncset.done $0x0  }
0x281: {  	s15 =	rddreg [dreg:$0x11];
	[sflag:s21] =	ssyncadd.s32 $0xFFFFEC00  }
0x282: {  	[hbm4b:s15+s1] =	stream.linear.scatter [tilespmem:s20], [sflag:$0x4], $0x1400, $0x38;
	[tilespmem:$0x1D480] =	vst v63  }
0x283: {  	_ =	swait.ge [sflag:s21], $0x1400  }
0x284: {  	s14 =	sld [smem:$0x7FB]  }
0x285: {  	[sflag:s21] =	ssyncset.done $0x0  }
0x286: {  	[sflag:s21] =	ssyncadd.s32 $0xFFFFEC00  }
0x287: {  	[tilespmem:s20], [sflag:$0x4] =	stream.linear.gather [spmem:s14], $0x1400, $0x38;
	[tilespmem:$0x1D480] =	vst v63  }
0x288: {  	_ =	swait.ge [sflag:s21], $0x1400  }
0x289: {  	[sflag:s21] =	ssyncset.done $0x0  }
0x28a: {  	s17 =	rddreg [dreg:$0x12];
	[sflag:s21] =	ssyncadd.s32 $0xFFFFEC00  }
0x28b: {  	[hbm4b:s17+s1] =	stream.linear.scatter [tilespmem:s20], [sflag:$0x4], $0x1400, $0x38;
	[tilespmem:$0x1D480] =	vst v63  }
0x28c: {  	_ =	swait.ge [sflag:s21], $0x1400  }
0x28d: {  	s15 =	sld [smem:$0x7FC]  }
0x28e: {  	[sflag:s21] =	ssyncset.done $0x0  }
0x28f: {  	[sflag:s21] =	ssyncadd.s32 $0xFFFFEC00  }
0x290: {  	[tilespmem:s20], [sflag:$0x4] =	stream.linear.gather [spmem:s15], $0x1400, $0x38;
	[tilespmem:$0x1D480] =	vst v63  }
0x291: {  	_ =	swait.ge [sflag:s21], $0x1400  }
0x292: {  	[sflag:s21] =	ssyncset.done $0x0  }
0x293: {  	s24 =	rddreg [dreg:$0x13];
	[sflag:s21] =	ssyncadd.s32 $0xFFFFEC00  }
0x294: {  	[hbm4b:s24+s1] =	stream.linear.scatter [tilespmem:s20], [sflag:$0x4], $0x1400, $0x38;
	[tilespmem:$0x1D480] =	vst v63  }
0x295: {  	_ =	swait.ge [sflag:s21], $0x1400  }
0x296: {  	s17 =	sld [smem:$0x7FD]  }
0x297: {  	[sflag:s21] =	ssyncset.done $0x0  }
0x298: {  	[sflag:s21] =	ssyncadd.s32 $0xFFFFEC00  }
0x299: {  	[tilespmem:s20], [sflag:$0x4] =	stream.linear.gather [spmem:s17], $0x1400, $0x38;
	[tilespmem:$0x1D480] =	vst v63  }
0x29a: {  	_ =	swait.ge [sflag:s21], $0x1400  }
0x29b: {  	[sflag:s21] =	ssyncset.done $0x0  }
0x29c: {  	s25 =	rddreg [dreg:$0x14];
	[sflag:s21] =	ssyncadd.s32 $0xFFFFEC00  }
0x29d: {  	[hbm4b:s25+s1] =	stream.linear.scatter [tilespmem:s20], [sflag:$0x4], $0x1400, $0x38;
	[tilespmem:$0x1D480] =	vst v63  }
0x29e: {  	_ =	swait.ge [sflag:s21], $0x1400  }
0x29f: {  	s24 =	sld [smem:$0x7F6]  }
0x2a0: {  	[sflag:s21] =	ssyncset.done $0x0  }
0x2a1: {  	[sflag:s21] =	ssyncadd.s32 $0xFFFFEC00  }
0x2a2: {  	[tilespmem:s20], [sflag:$0x4] =	stream.linear.gather [spmem:s24], $0x1400, $0x38;
	[tilespmem:$0x1D480] =	vst v63  }
0x2a3: {  	_ =	swait.ge [sflag:s21], $0x1400  }
0x2a4: {  	s25 =	sld [smem:$0x7F7]  }
0x2a5: {  	[sflag:s21] =	ssyncset.done $0x0  }
0x2a6: {  	[sflag:s21] =	ssyncadd.s32 $0xFFFFEC00  }
0x2a7: {  	[hbm4b:s25+s1] =	stream.linear.scatter [tilespmem:s20], [sflag:$0x4], $0x1400, $0x38;
	[tilespmem:$0x1D480] =	vst v63  }
0x2a8: {  	_ =	swait.ge [sflag:s21], $0x1400  }
0x2a9: {  	s24 =	sld [smem:$0x7F3]  }
0x2aa: {  	s25 =	sld [smem:$0x7F8];
	_ =	sdelay $0x1  }
0x2ab: {  	s11 =	sadd.s32 $0x1, s24  }
0x2ac: {  	p0 =	sne.s32 s11, s25  }
.Ltmp5:
0x2ad: {  	_ = 	snop;
	(pc) =	sbr.rel @p0 .LBB2_1-.Ltmp5, $3  }
0x2ae: {  	_ =	sdelay $0x1  }
0x2af: {  	[sflag:s21] =	ssyncset.done $0x0  }
0x2b0: {  	[sflag:s21] =	ssyncadd.s32 $0xFFFFEC00  }
0x2b1: {  	_ =	sfence.sel $0x180000  }
0x2b2: {  	[bflag:$0x0] =	sbarrier.arrive $0xFFFF  }
0x2b3: {  	_ =	strace $0x90000047  }
0x2b4: {  	s0 =	stileid.u32;
	[bflag:$0x2] =	sbarrier.arrive $0xFFFF  }
0x2b5: {  	p0 =	sne.s32 s0, $0x0;
	s0 =	rddreg [dreg:$0x4]  }
0x2b6: {  	s0 =	sadd.s32 @!p0 $0x100000, s0  }
0x2b7: {  	[sflag:s0] =	ssyncadd.tile.s32 @!p0 $0x1;
	_ =	shalt  }
.Lfunc_end2:
_tile_overlayer_lowered:
.L_overlay_start_2:
0x2b8: {  	(tag) =	ssettag $0x2  }
0x2b9: {  	s0 =	rddreg [dreg:$0x0];
	s2 =	stileid.u32  }
0x2ba: {  	s1 =	rddreg [dreg:$0x1];
	p0 =	sne.s32 s2, $0x0  }
0x2bb: {  	s3 =	rddreg [dreg:$0x2];
	[bflag:$0x3] =	sbarrier.arrive $0xFFFF;
	s2 =	simm.s32 @!p0 $0x1C04  }
0x2bc: {  	[timem:s3], [sflag:s2] =	dma.local @!p0 [hbm:s0], s1  }
0x2bd: {  	s0 =	simm.s32 @!p0 $0x4  }
0x2be: {  	_ =	swait.ge @!p0 [sflag:s0], s1  }
0x2bf: {  	s1 =	ssub.s32 @!p0 $0x0, s1;
	[sflag:s0] =	ssyncset.done @!p0 $0x0  }
0x2c0: {  	[sflag:s0] =	ssyncadd.s32 @!p0 s1  }
0x2c1: {  	[bflag:$0x3] =	sbarrier.arrive $0xFFFF  }
0x2c2: {  	_ =	shalt  }

</sc_bundles>
